<compile_context>
chip_gen: v7x
topology: tpu7x:2x2x1
jax: 0.10.2.dev20260603
libtpu: 0.0.44.dev20260713+nightly
codegen_flags: <defaults>
</compile_context>

<pallas_src>
import functools

import jax
import jax.numpy as jnp
import numpy as np
from jax import lax
from jax.experimental import pallas as pl
from jax.experimental.pallas import tpu as pltpu
from jax.experimental.pallas import tpu_sc as plsc

N = 10000
E = 320000
D_IN = 128
D_H = 128
D_OUT = 64

NC = 2
NS = 16
NW = NC * NS

K = 128
NBUF = 4
CH = 160
EP = NS * K * CH
NPAD = 10240
RPT = NPAD // NS

RB = 1000
NB = N // RB


def _sc_mesh():
    return plsc.VectorSubcoreMesh(
        core_axis_name="c", subcore_axis_name="s", num_cores=NC, num_subcores=NS)


@functools.cache
def _make_sc_deg():
    @functools.partial(
        pl.kernel,
        out_type=jax.ShapeDtypeStruct((NC, NPAD), jnp.float32),
        mesh=_sc_mesh(),
        scratch_types=[
            pltpu.VMEM((CH, K), jnp.int32),
            pltpu.VMEM((K,), jnp.float32),
            pltpu.VMEM((RPT,), jnp.float32),
            pltpu.VMEM_SHARED((NPAD,), jnp.float32),
            pltpu.SemaphoreType.DMA,
        ],
    )
    def _sc_deg(dst_hbm, out_hbm, dst_all, ones_v, zbuf, acc, sem):
        cid = lax.axis_index("c")
        sid = lax.axis_index("s")
        w = cid * NS + sid

        zeros16 = jnp.zeros((16,), jnp.float32)
        ones16 = jnp.ones((16,), jnp.float32)

        @pl.loop(0, K // 16)
        def _fill(i):
            ones_v[pl.ds(i * 16, 16)] = ones16

        @pl.loop(0, RPT // 16)
        def _zb(i):
            zbuf[pl.ds(i * 16, 16)] = zeros16

        pltpu.sync_copy(dst_hbm.at[pl.ds(w * CH, CH)], dst_all)
        pltpu.sync_copy(zbuf, acc.at[pl.ds(sid * RPT, RPT)])
        plsc.subcore_barrier()

        @pl.loop(0, CH // 8)
        def _edges(g):
            descs = [
                pltpu.async_copy(ones_v, acc.at[dst_all.at[g * 8 + j]], sem,
                                 add=True)
                for j in range(8)
            ]
            for dsc in descs:
                dsc.wait()

        plsc.subcore_barrier()
        pltpu.sync_copy(acc.at[pl.ds(sid * RPT, RPT)],
                        out_hbm.at[cid, pl.ds(sid * RPT, RPT)])

    return _sc_deg


@functools.cache
def _make_sc_agg(d, nbuf=NBUF, merged_out=False):
    out_t = (jax.ShapeDtypeStruct((NPAD, 2 * d), jnp.float32) if merged_out
             else jax.ShapeDtypeStruct((NC, NPAD, d), jnp.float32))
    @functools.partial(
        pl.kernel,
        out_type=out_t,
        mesh=_sc_mesh(),
        scratch_types=[
            pltpu.VMEM((CH, K), jnp.int32),
            pltpu.VMEM((CH, K), jnp.int32),
            [pltpu.VMEM((K, d), jnp.float32) for _ in range(nbuf)],
            pltpu.VMEM_SHARED((NPAD, d), jnp.float32),
            [pltpu.SemaphoreType.DMA for _ in range(nbuf)],
        ],
        compiler_params=pltpu.CompilerParams(use_tc_tiling_on_sc=False),
    )
    def agg(h_hbm, src_hbm, dst_hbm, out_hbm, src_all, dst_all, rows, acc,
            sem_g):
        cid = lax.axis_index("c")
        sid = lax.axis_index("s")
        w = cid * NS + sid

        zeros16 = jnp.zeros((16,), jnp.float32)

        @pl.loop(0, K)
        def _zr(i):
            for j in range(d // 16):
                rows[0][i, pl.ds(j * 16, 16)] = zeros16

        pltpu.sync_copy(src_hbm.at[pl.ds(w * CH, CH)], src_all)
        pltpu.sync_copy(dst_hbm.at[pl.ds(w * CH, CH)], dst_all)
        for t in range(RPT // K):
            pltpu.sync_copy(rows[0], acc.at[pl.ds(sid * RPT + t * K, K)])
        plsc.subcore_barrier()

        for b in range(nbuf):
            pltpu.async_copy(h_hbm.at[src_all.at[b]], rows[b], sem_g[b])

        @pl.loop(0, CH // nbuf)
        def _edges(i):
            for b in range(nbuf):
                t = i * nbuf + b
                pltpu.make_async_copy(
                    h_hbm.at[pl.ds(0, K)], rows[b], sem_g[b]).wait()
                pltpu.sync_copy(rows[b], acc.at[dst_all.at[t]], add=True)

                @pl.when(t + nbuf < CH)
                def _refill():
                    pltpu.async_copy(
                        h_hbm.at[src_all.at[t + nbuf]], rows[b], sem_g[b])

        plsc.subcore_barrier()
        if merged_out:
            pltpu.sync_copy(acc.at[pl.ds(sid * RPT, RPT)],
                            out_hbm.at[pl.ds(sid * RPT, RPT),
                                       pl.ds(cid * d, d)])
        else:
            pltpu.sync_copy(acc.at[pl.ds(sid * RPT, RPT)],
                            out_hbm.at[cid, pl.ds(sid * RPT, RPT)])

    return agg


def _tc1_body(dp_ref, x_ref, w1_ref, h1_ref, dis_ref):
    deg = 0.5 * (dp_ref[0, 0] + dp_ref[0, 1]) + 1.0
    dis = lax.rsqrt(deg)
    h = jnp.dot(x_ref[...], w1_ref[...], preferred_element_type=jnp.float32)
    h1_ref[...] = dis[:, None] * h
    dis_ref[0, 0] = dis


def _tc1(degp3, x, W1):
    return pl.pallas_call(
        _tc1_body,
        grid=(NB,),
        in_specs=[
            pl.BlockSpec((1, NC, RB), lambda i: (i, 0, 0)),
            pl.BlockSpec((RB, D_IN), lambda i: (i, 0)),
            pl.BlockSpec((D_IN, D_H), lambda i: (0, 0)),
        ],
        out_specs=[
            pl.BlockSpec((RB, D_H), lambda i: (i, 0)),
            pl.BlockSpec((1, 1, RB), lambda i: (i, 0, 0)),
        ],
        out_shape=[
            jax.ShapeDtypeStruct((N, D_H), jnp.float32),
            jax.ShapeDtypeStruct((NB, 1, RB), jnp.float32),
        ],
    )(degp3, x, W1)


def _tc2_body(p_ref, h1_ref, dis_ref, w2_ref, b1_ref, out_ref):
    dis = dis_ref[0, 0]
    s = p_ref[...] + h1_ref[...]
    h = jnp.maximum(dis[:, None] * s + b1_ref[...][None, :], 0.0)
    out_ref[...] = dis[:, None] * jnp.dot(h, w2_ref[...],
                                          preferred_element_type=jnp.float32)


def _tc2(parts1, hh1, dis2, W2, b1):
    return pl.pallas_call(
        _tc2_body,
        grid=(NB,),
        in_specs=[
            pl.BlockSpec((RB, D_H), lambda i: (i, 0)),
            pl.BlockSpec((RB, D_H), lambda i: (i, 0)),
            pl.BlockSpec((1, 1, RB), lambda i: (i, 0, 0)),
            pl.BlockSpec((D_H, D_OUT), lambda i: (0, 0)),
            pl.BlockSpec((D_H,), lambda i: (0,)),
        ],
        out_specs=pl.BlockSpec((RB, D_OUT), lambda i: (i, 0)),
        out_shape=jax.ShapeDtypeStruct((N, D_OUT), jnp.float32),
    )(parts1, hh1, dis2, W2, b1)


def _tc3_body(p_ref, h2_ref, dis_ref, b2_ref, out_ref):
    dis = dis_ref[0, 0]
    s = jnp.concatenate([p_ref[0], p_ref[1]], axis=1) + h2_ref[...]
    out_ref[...] = dis[:, None] * s + b2_ref[...][None, :]


def _tc3(parts2, hh2, dis2, b2):
    return pl.pallas_call(
        _tc3_body,
        grid=(NB,),
        in_specs=[
            pl.BlockSpec((2, RB, D_OUT // 2), lambda i: (0, i, 0)),
            pl.BlockSpec((RB, D_OUT), lambda i: (i, 0)),
            pl.BlockSpec((1, 1, RB), lambda i: (i, 0, 0)),
            pl.BlockSpec((D_OUT,), lambda i: (0,)),
        ],
        out_specs=pl.BlockSpec((RB, D_OUT), lambda i: (i, 0)),
        out_shape=jax.ShapeDtypeStruct((N, D_OUT), jnp.float32),
    )(parts2, hh2, dis2, b2)


def kernel(x, edge_index, W1, b1, W2, b2):
    pad = EP - E
    ppt = pad // NS
    rpt_e = E // NS
    trash = jnp.asarray(
        (N + np.arange(pad, dtype=np.int32) % (NPAD - N)).reshape(NS, ppt))
    psrc = jnp.asarray((np.arange(pad, dtype=np.int32) % N).reshape(NS, ppt))
    src_t = jnp.concatenate(
        [edge_index[0].reshape(NS, rpt_e), psrc], axis=1).reshape(NS * CH, K)
    dst_t = jnp.concatenate(
        [edge_index[1].reshape(NS, rpt_e), trash], axis=1).reshape(NS * CH, K)
    src_p = jnp.concatenate([2 * src_t, 2 * src_t + 1])
    dst_p = jnp.concatenate([dst_t, dst_t])

    degp = _make_sc_deg()(dst_p)
    degp3 = degp[:, :N].reshape(NC, NB, RB).transpose(1, 0, 2)

    h1, dis2 = _tc1(degp3, x, W1)
    hh1 = h1.reshape(2 * N, D_H // 2)
    parts1 = _make_sc_agg(D_H // 2, NBUF, True)(hh1, src_p, dst_p)
    h2 = _tc2(parts1, h1, dis2, W2, b1)
    hh2 = h2.reshape(2 * N, D_OUT // 2)
    parts2 = _make_sc_agg(D_OUT // 2, 8)(hh2, src_p, dst_p)
    return _tc3(parts2, h2, dis2, b2)

# --- scband reference (transcript-rebuilt; emitter-appended) ---
"""Pipeline reference for scband-link-prediction-gcn-52493090292250 (READ-ONLY COPY).

The authoritative reference and input builder live on the scoring server;
editing this copy changes nothing except your own understanding.
"""

import jax, jax.numpy as jnp
import numpy as np

N = 10000
E = 320000
D_IN = 128
D_H = 128
D_OUT = 64


def setup_inputs(seed: int = 0) -> dict:
    key = jax.random.key(seed)
    k1, k2, k3, k4 = jax.random.split(key, 4)
    x = jax.random.normal(k1, (N, D_IN), dtype=jnp.float32)
    edge_index = jax.random.randint(k2, (2, E), 0, N, dtype=jnp.int32)
    W1 = jax.random.normal(k3, (D_IN, D_H), dtype=jnp.float32) * (1.0 / np.sqrt(D_IN))
    b1 = jnp.zeros((D_H,), dtype=jnp.float32)
    W2 = jax.random.normal(k4, (D_H, D_OUT), dtype=jnp.float32) * (1.0 / np.sqrt(D_H))
    b2 = jnp.zeros((D_OUT,), dtype=jnp.float32)
    return {"x": x, "edge_index": edge_index, "W1": W1, "b1": b1, "W2": W2, "b2": b2}


def _gcn_conv(x, edge_index, W, b):
    # GCNConv with symmetric normalization and self-loops (PyG defaults)
    n = x.shape[0]
    loop = jnp.arange(n, dtype=edge_index.dtype)
    src = jnp.concatenate([edge_index[0], loop])
    dst = jnp.concatenate([edge_index[1], loop])
    h = x @ W
    deg = jnp.zeros((n,), dtype=h.dtype).at[dst].add(1.0)
    deg_inv_sqrt = jnp.where(deg > 0, deg ** -0.5, 0.0)
    norm = deg_inv_sqrt[src] * deg_inv_sqrt[dst]
    msg = h[src] * norm[:, None]
    out = jnp.zeros((n, h.shape[1]), dtype=h.dtype).at[dst].add(msg)
    return out + b


def reference(x, edge_index, W1, b1, W2, b2):
    # encode(): conv1 -> relu -> dropout(eval: identity) -> conv2
    h = _gcn_conv(x, edge_index, W1, b1)
    h = jax.nn.relu(h)
    # dropout p=0.2 is identity in inference mode
    z = _gcn_conv(h, edge_index, W2, b2)
    return z

if __name__ == "__main__":
    import jax
    _d = setup_inputs()
    print(jax.jit(kernel)(*tuple(_d.values())))

</pallas_src>

<mosaic_0001>
#map = affine_map<(d0, d1) -> (0, 0)>
module attributes {stable_mosaic.version = 14 : i64} {
  func.func @agg(%arg0: i32, %arg1: i32, %arg2: memref<20000x64xf32, #tpu.memory_space<hbm>>, %arg3: memref<5120x128xi32, #tpu.memory_space<hbm>>, %arg4: memref<5120x128xi32, #tpu.memory_space<hbm>>, %arg5: memref<10240x128xf32, #tpu.memory_space<hbm>>, %arg6: memref<160x128xi32, #tpu.memory_space<vmem>>, %arg7: memref<160x128xi32, #tpu.memory_space<vmem>>, %arg8: memref<128x64xf32, #tpu.memory_space<vmem>>, %arg9: memref<128x64xf32, #tpu.memory_space<vmem>>, %arg10: memref<128x64xf32, #tpu.memory_space<vmem>>, %arg11: memref<128x64xf32, #tpu.memory_space<vmem>>, %arg12: memref<10240x64xf32, #tpu.memory_space<vmem_shared>>, %arg13: memref<!tpu.dma_semaphore, #tpu.memory_space<semaphore_mem>>, %arg14: memref<!tpu.dma_semaphore, #tpu.memory_space<semaphore_mem>>, %arg15: memref<!tpu.dma_semaphore, #tpu.memory_space<semaphore_mem>>, %arg16: memref<!tpu.dma_semaphore, #tpu.memory_space<semaphore_mem>>) attributes {dimension_semantics = [#tpu.dimension_semantics<core_parallel>, #tpu.dimension_semantics<subcore_parallel>], iteration_bounds = array<i64: 2, 16>, scalar_prefetch = 0 : i64, scratch_operands = 11 : i64, tpu.core_type = #tpu.core_type<sc_vector_subcore>, window_params = [{transform_indices = #map}, {transform_indices = #map}, {transform_indices = #map}, {transform_indices = #map}]} {
    %mul3A = arith.constant 16 : i32
    %mul3A_0 = arith.muli %arg0, %mul3A : i32
    %add3A = arith.addi %mul3A_0, %arg1 : i32
    %broadcast_in_dim3A = arith.constant 0.000000e+00 : f32
    %broadcast_in_dim3A_1 = vector.broadcast %broadcast_in_dim3A : f32 to vector<16xf32>
    %scan3A = arith.constant 0 : i32
    %scan3A_2 = arith.constant 128 : i32
    %scan3A_3 = arith.addi %scan3A, %scan3A_2 : i32
    %scan3A_4 = arith.constant 1 : i32
    scf.for %scan3A_69 = %scan3A to %scan3A_3 step %scan3A_4  : i32 {
      %mul3A_70 = arith.constant 1 : i32
      %mul3A_71 = arith.muli %scan3A_69, %mul3A_70 : i32
      %add3A_72 = arith.constant 0 : i32
      %add3A_73 = arith.addi %add3A_72, %mul3A_71 : i32
      %swap3A = arith.index_cast %add3A_73 : i32 to index
      %swap3A_74 = arith.constant 0 : index
      %swap3A_75 = tpu.vector_load %arg8[%swap3A, %swap3A_74] {strides = array<i32>} : memref<128x64xf32, #tpu.memory_space<vmem>>, vector<1x16xf32>,
      %swap3A_76 = vector.shape_cast %swap3A_75 : vector<1x16xf32> to vector<16xf32>
      %swap3A_77 = vector.shape_cast %broadcast_in_dim3A_1 : vector<16xf32> to vector<1x16xf32>
      tpu.vector_store %arg8[%swap3A, %swap3A_74], %swap3A_77 {strides = array<i32>} : memref<128x64xf32, #tpu.memory_space<vmem>>, vector<1x16xf32>,
      %swap3A_78 = arith.index_cast %add3A_73 : i32 to index
      %swap3A_79 = arith.constant 16 : index
      %swap3A_80 = tpu.vector_load %arg8[%swap3A_78, %swap3A_79] {strides = array<i32>} : memref<128x64xf32, #tpu.memory_space<vmem>>, vector<1x16xf32>,
      %swap3A_81 = vector.shape_cast %swap3A_80 : vector<1x16xf32> to vector<16xf32>
      %swap3A_82 = vector.shape_cast %broadcast_in_dim3A_1 : vector<16xf32> to vector<1x16xf32>
      tpu.vector_store %arg8[%swap3A_78, %swap3A_79], %swap3A_82 {strides = array<i32>} : memref<128x64xf32, #tpu.memory_space<vmem>>, vector<1x16xf32>,
      %swap3A_83 = arith.index_cast %add3A_73 : i32 to index
      %swap3A_84 = arith.constant 32 : index
      %swap3A_85 = tpu.vector_load %arg8[%swap3A_83, %swap3A_84] {strides = array<i32>} : memref<128x64xf32, #tpu.memory_space<vmem>>, vector<1x16xf32>,
      %swap3A_86 = vector.shape_cast %swap3A_85 : vector<1x16xf32> to vector<16xf32>
      %swap3A_87 = vector.shape_cast %broadcast_in_dim3A_1 : vector<16xf32> to vector<1x16xf32>
      tpu.vector_store %arg8[%swap3A_83, %swap3A_84], %swap3A_87 {strides = array<i32>} : memref<128x64xf32, #tpu.memory_space<vmem>>, vector<1x16xf32>,
      %swap3A_88 = arith.index_cast %add3A_73 : i32 to index
      %swap3A_89 = arith.constant 48 : index
      %swap3A_90 = tpu.vector_load %arg8[%swap3A_88, %swap3A_89] {strides = array<i32>} : memref<128x64xf32, #tpu.memory_space<vmem>>, vector<1x16xf32>,
      %swap3A_91 = vector.shape_cast %swap3A_90 : vector<1x16xf32> to vector<16xf32>
      %swap3A_92 = vector.shape_cast %broadcast_in_dim3A_1 : vector<16xf32> to vector<1x16xf32>
      tpu.vector_store %arg8[%swap3A_88, %swap3A_89], %swap3A_92 {strides = array<i32>} : memref<128x64xf32, #tpu.memory_space<vmem>>, vector<1x16xf32>,
    }
    %scan3A_5 = arith.constant 128 : i32
    %mul3A_6 = arith.constant 160 : i32
    %mul3A_7 = arith.muli %add3A, %mul3A_6 : i32
    "tpu.region"() ({
      %run_scoped3A = tpu.sem_alloc : memref<!tpu.dma_semaphore, #tpu.memory_space<semaphore_mem>>
      %dma_start3A_69 = arith.constant 0 : i32
      %dma_start3A_70 = tpu.memref_slice %arg3[%mul3A_7, %dma_start3A_69] : memref<5120x128xi32, #tpu.memory_space<hbm>> -> memref<160x128xi32, #tpu.memory_space<hbm>>
      %dma_start3A_71 = arith.constant 0 : i32
      %dma_start3A_72 = tpu.memref_slice %arg3[%mul3A_7, %dma_start3A_71] : memref<5120x128xi32, #tpu.memory_space<hbm>> -> memref<160x128xi32, #tpu.memory_space<hbm>>
      tpu.enqueue_dma source(%dma_start3A_72 : memref<160x128xi32, #tpu.memory_space<hbm>>) target(%arg6 : memref<160x128xi32, #tpu.memory_space<vmem>>) target_semaphore(%run_scoped3A : memref<!tpu.dma_semaphore, #tpu.memory_space<semaphore_mem>>)
      %dma_wait3A = arith.constant 0 : i32
      %dma_wait3A_73 = tpu.memref_slice %arg3[%mul3A_7, %dma_wait3A] : memref<5120x128xi32, #tpu.memory_space<hbm>> -> memref<160x128xi32, #tpu.memory_space<hbm>>
      %dma_wait3A_74 = arith.constant 0 : i32
      %dma_wait3A_75 = tpu.memref_slice %arg3[%mul3A_7, %dma_wait3A_74] : memref<5120x128xi32, #tpu.memory_space<hbm>> -> memref<160x128xi32, #tpu.memory_space<hbm>>
      tpu.wait_dma2 semaphore(%run_scoped3A : memref<!tpu.dma_semaphore, #tpu.memory_space<semaphore_mem>>) src(%dma_wait3A_75 : memref<160x128xi32, #tpu.memory_space<hbm>>) dst(%arg6 : memref<160x128xi32, #tpu.memory_space<vmem>>)
      tpu.yield
    }) : () -> ()
    %mul3A_8 = arith.constant 160 : i32
    %mul3A_9 = arith.muli %add3A, %mul3A_8 : i32
    "tpu.region"() ({
      %run_scoped3A = tpu.sem_alloc : memref<!tpu.dma_semaphore, #tpu.memory_space<semaphore_mem>>
      %dma_start3A_69 = arith.constant 0 : i32
      %dma_start3A_70 = tpu.memref_slice %arg4[%mul3A_9, %dma_start3A_69] : memref<5120x128xi32, #tpu.memory_space<hbm>> -> memref<160x128xi32, #tpu.memory_space<hbm>>
      %dma_start3A_71 = arith.constant 0 : i32
      %dma_start3A_72 = tpu.memref_slice %arg4[%mul3A_9, %dma_start3A_71] : memref<5120x128xi32, #tpu.memory_space<hbm>> -> memref<160x128xi32, #tpu.memory_space<hbm>>
      tpu.enqueue_dma source(%dma_start3A_72 : memref<160x128xi32, #tpu.memory_space<hbm>>) target(%arg7 : memref<160x128xi32, #tpu.memory_space<vmem>>) target_semaphore(%run_scoped3A : memref<!tpu.dma_semaphore, #tpu.memory_space<semaphore_mem>>)
      %dma_wait3A = arith.constant 0 : i32
      %dma_wait3A_73 = tpu.memref_slice %arg4[%mul3A_9, %dma_wait3A] : memref<5120x128xi32, #tpu.memory_space<hbm>> -> memref<160x128xi32, #tpu.memory_space<hbm>>
      %dma_wait3A_74 = arith.constant 0 : i32
      %dma_wait3A_75 = tpu.memref_slice %arg4[%mul3A_9, %dma_wait3A_74] : memref<5120x128xi32, #tpu.memory_space<hbm>> -> memref<160x128xi32, #tpu.memory_space<hbm>>
      tpu.wait_dma2 semaphore(%run_scoped3A : memref<!tpu.dma_semaphore, #tpu.memory_space<semaphore_mem>>) src(%dma_wait3A_75 : memref<160x128xi32, #tpu.memory_space<hbm>>) dst(%arg7 : memref<160x128xi32, #tpu.memory_space<vmem>>)
      tpu.yield
    }) : () -> ()
    %mul3A_10 = arith.constant 640 : i32
    %mul3A_11 = arith.muli %arg1, %mul3A_10 : i32
    %add3A_12 = arith.constant 0 : i32
    %add3A_13 = arith.addi %mul3A_11, %add3A_12 : i32
    "tpu.region"() ({
      %run_scoped3A = tpu.sem_alloc : memref<!tpu.dma_semaphore, #tpu.memory_space<semaphore_mem>>
      %dma_start3A_69 = arith.constant 0 : i32
      %dma_start3A_70 = tpu.memref_slice %arg12[%add3A_13, %dma_start3A_69] : memref<10240x64xf32, #tpu.memory_space<vmem_shared>> -> memref<128x64xf32, #tpu.memory_space<vmem_shared>>
      %dma_start3A_71 = arith.constant 0 : i32
      %dma_start3A_72 = tpu.memref_slice %arg12[%add3A_13, %dma_start3A_71] : memref<10240x64xf32, #tpu.memory_space<vmem_shared>> -> memref<128x64xf32, #tpu.memory_space<vmem_shared>>
      tpu.enqueue_dma source(%arg8 : memref<128x64xf32, #tpu.memory_space<vmem>>) target(%dma_start3A_72 : memref<128x64xf32, #tpu.memory_space<vmem_shared>>) target_semaphore(%run_scoped3A : memref<!tpu.dma_semaphore, #tpu.memory_space<semaphore_mem>>)
      %dma_wait3A = arith.constant 0 : i32
      %dma_wait3A_73 = tpu.memref_slice %arg12[%add3A_13, %dma_wait3A] : memref<10240x64xf32, #tpu.memory_space<vmem_shared>> -> memref<128x64xf32, #tpu.memory_space<vmem_shared>>
      %dma_wait3A_74 = arith.constant 0 : i32
      %dma_wait3A_75 = tpu.memref_slice %arg12[%add3A_13, %dma_wait3A_74] : memref<10240x64xf32, #tpu.memory_space<vmem_shared>> -> memref<128x64xf32, #tpu.memory_space<vmem_shared>>
      tpu.wait_dma2 semaphore(%run_scoped3A : memref<!tpu.dma_semaphore, #tpu.memory_space<semaphore_mem>>) src(%arg8 : memref<128x64xf32, #tpu.memory_space<vmem>>) dst(%dma_wait3A_75 : memref<128x64xf32, #tpu.memory_space<vmem_shared>>)
      tpu.yield
    }) : () -> ()
    %mul3A_14 = arith.constant 640 : i32
    %mul3A_15 = arith.muli %arg1, %mul3A_14 : i32
    %add3A_16 = arith.constant 128 : i32
    %add3A_17 = arith.addi %mul3A_15, %add3A_16 : i32
    "tpu.region"() ({
      %run_scoped3A = tpu.sem_alloc : memref<!tpu.dma_semaphore, #tpu.memory_space<semaphore_mem>>
      %dma_start3A_69 = arith.constant 0 : i32
      %dma_start3A_70 = tpu.memref_slice %arg12[%add3A_17, %dma_start3A_69] : memref<10240x64xf32, #tpu.memory_space<vmem_shared>> -> memref<128x64xf32, #tpu.memory_space<vmem_shared>>
      %dma_start3A_71 = arith.constant 0 : i32
      %dma_start3A_72 = tpu.memref_slice %arg12[%add3A_17, %dma_start3A_71] : memref<10240x64xf32, #tpu.memory_space<vmem_shared>> -> memref<128x64xf32, #tpu.memory_space<vmem_shared>>
      tpu.enqueue_dma source(%arg8 : memref<128x64xf32, #tpu.memory_space<vmem>>) target(%dma_start3A_72 : memref<128x64xf32, #tpu.memory_space<vmem_shared>>) target_semaphore(%run_scoped3A : memref<!tpu.dma_semaphore, #tpu.memory_space<semaphore_mem>>)
      %dma_wait3A = arith.constant 0 : i32
      %dma_wait3A_73 = tpu.memref_slice %arg12[%add3A_17, %dma_wait3A] : memref<10240x64xf32, #tpu.memory_space<vmem_shared>> -> memref<128x64xf32, #tpu.memory_space<vmem_shared>>
      %dma_wait3A_74 = arith.constant 0 : i32
      %dma_wait3A_75 = tpu.memref_slice %arg12[%add3A_17, %dma_wait3A_74] : memref<10240x64xf32, #tpu.memory_space<vmem_shared>> -> memref<128x64xf32, #tpu.memory_space<vmem_shared>>
      tpu.wait_dma2 semaphore(%run_scoped3A : memref<!tpu.dma_semaphore, #tpu.memory_space<semaphore_mem>>) src(%arg8 : memref<128x64xf32, #tpu.memory_space<vmem>>) dst(%dma_wait3A_75 : memref<128x64xf32, #tpu.memory_space<vmem_shared>>)
      tpu.yield
    }) : () -> ()
    %mul3A_18 = arith.constant 640 : i32
    %mul3A_19 = arith.muli %arg1, %mul3A_18 : i32
    %add3A_20 = arith.constant 256 : i32
    %add3A_21 = arith.addi %mul3A_19, %add3A_20 : i32
    "tpu.region"() ({
      %run_scoped3A = tpu.sem_alloc : memref<!tpu.dma_semaphore, #tpu.memory_space<semaphore_mem>>
      %dma_start3A_69 = arith.constant 0 : i32
      %dma_start3A_70 = tpu.memref_slice %arg12[%add3A_21, %dma_start3A_69] : memref<10240x64xf32, #tpu.memory_space<vmem_shared>> -> memref<128x64xf32, #tpu.memory_space<vmem_shared>>
      %dma_start3A_71 = arith.constant 0 : i32
      %dma_start3A_72 = tpu.memref_slice %arg12[%add3A_21, %dma_start3A_71] : memref<10240x64xf32, #tpu.memory_space<vmem_shared>> -> memref<128x64xf32, #tpu.memory_space<vmem_shared>>
      tpu.enqueue_dma source(%arg8 : memref<128x64xf32, #tpu.memory_space<vmem>>) target(%dma_start3A_72 : memref<128x64xf32, #tpu.memory_space<vmem_shared>>) target_semaphore(%run_scoped3A : memref<!tpu.dma_semaphore, #tpu.memory_space<semaphore_mem>>)
      %dma_wait3A = arith.constant 0 : i32
      %dma_wait3A_73 = tpu.memref_slice %arg12[%add3A_21, %dma_wait3A] : memref<10240x64xf32, #tpu.memory_space<vmem_shared>> -> memref<128x64xf32, #tpu.memory_space<vmem_shared>>
      %dma_wait3A_74 = arith.constant 0 : i32
      %dma_wait3A_75 = tpu.memref_slice %arg12[%add3A_21, %dma_wait3A_74] : memref<10240x64xf32, #tpu.memory_space<vmem_shared>> -> memref<128x64xf32, #tpu.memory_space<vmem_shared>>
      tpu.wait_dma2 semaphore(%run_scoped3A : memref<!tpu.dma_semaphore, #tpu.memory_space<semaphore_mem>>) src(%arg8 : memref<128x64xf32, #tpu.memory_space<vmem>>) dst(%dma_wait3A_75 : memref<128x64xf32, #tpu.memory_space<vmem_shared>>)
      tpu.yield
    }) : () -> ()
    %mul3A_22 = arith.constant 640 : i32
    %mul3A_23 = arith.muli %arg1, %mul3A_22 : i32
    %add3A_24 = arith.constant 384 : i32
    %add3A_25 = arith.addi %mul3A_23, %add3A_24 : i32
    "tpu.region"() ({
      %run_scoped3A = tpu.sem_alloc : memref<!tpu.dma_semaphore, #tpu.memory_space<semaphore_mem>>
      %dma_start3A_69 = arith.constant 0 : i32
      %dma_start3A_70 = tpu.memref_slice %arg12[%add3A_25, %dma_start3A_69] : memref<10240x64xf32, #tpu.memory_space<vmem_shared>> -> memref<128x64xf32, #tpu.memory_space<vmem_shared>>
      %dma_start3A_71 = arith.constant 0 : i32
      %dma_start3A_72 = tpu.memref_slice %arg12[%add3A_25, %dma_start3A_71] : memref<10240x64xf32, #tpu.memory_space<vmem_shared>> -> memref<128x64xf32, #tpu.memory_space<vmem_shared>>
      tpu.enqueue_dma source(%arg8 : memref<128x64xf32, #tpu.memory_space<vmem>>) target(%dma_start3A_72 : memref<128x64xf32, #tpu.memory_space<vmem_shared>>) target_semaphore(%run_scoped3A : memref<!tpu.dma_semaphore, #tpu.memory_space<semaphore_mem>>)
      %dma_wait3A = arith.constant 0 : i32
      %dma_wait3A_73 = tpu.memref_slice %arg12[%add3A_25, %dma_wait3A] : memref<10240x64xf32, #tpu.memory_space<vmem_shared>> -> memref<128x64xf32, #tpu.memory_space<vmem_shared>>
      %dma_wait3A_74 = arith.constant 0 : i32
      %dma_wait3A_75 = tpu.memref_slice %arg12[%add3A_25, %dma_wait3A_74] : memref<10240x64xf32, #tpu.memory_space<vmem_shared>> -> memref<128x64xf32, #tpu.memory_space<vmem_shared>>
      tpu.wait_dma2 semaphore(%run_scoped3A : memref<!tpu.dma_semaphore, #tpu.memory_space<semaphore_mem>>) src(%arg8 : memref<128x64xf32, #tpu.memory_space<vmem>>) dst(%dma_wait3A_75 : memref<128x64xf32, #tpu.memory_space<vmem_shared>>)
      tpu.yield
    }) : () -> ()
    %mul3A_26 = arith.constant 640 : i32
    %mul3A_27 = arith.muli %arg1, %mul3A_26 : i32
    %add3A_28 = arith.constant 512 : i32
    %add3A_29 = arith.addi %mul3A_27, %add3A_28 : i32
    "tpu.region"() ({
      %run_scoped3A = tpu.sem_alloc : memref<!tpu.dma_semaphore, #tpu.memory_space<semaphore_mem>>
      %dma_start3A_69 = arith.constant 0 : i32
      %dma_start3A_70 = tpu.memref_slice %arg12[%add3A_29, %dma_start3A_69] : memref<10240x64xf32, #tpu.memory_space<vmem_shared>> -> memref<128x64xf32, #tpu.memory_space<vmem_shared>>
      %dma_start3A_71 = arith.constant 0 : i32
      %dma_start3A_72 = tpu.memref_slice %arg12[%add3A_29, %dma_start3A_71] : memref<10240x64xf32, #tpu.memory_space<vmem_shared>> -> memref<128x64xf32, #tpu.memory_space<vmem_shared>>
      tpu.enqueue_dma source(%arg8 : memref<128x64xf32, #tpu.memory_space<vmem>>) target(%dma_start3A_72 : memref<128x64xf32, #tpu.memory_space<vmem_shared>>) target_semaphore(%run_scoped3A : memref<!tpu.dma_semaphore, #tpu.memory_space<semaphore_mem>>)
      %dma_wait3A = arith.constant 0 : i32
      %dma_wait3A_73 = tpu.memref_slice %arg12[%add3A_29, %dma_wait3A] : memref<10240x64xf32, #tpu.memory_space<vmem_shared>> -> memref<128x64xf32, #tpu.memory_space<vmem_shared>>
      %dma_wait3A_74 = arith.constant 0 : i32
      %dma_wait3A_75 = tpu.memref_slice %arg12[%add3A_29, %dma_wait3A_74] : memref<10240x64xf32, #tpu.memory_space<vmem_shared>> -> memref<128x64xf32, #tpu.memory_space<vmem_shared>>
      tpu.wait_dma2 semaphore(%run_scoped3A : memref<!tpu.dma_semaphore, #tpu.memory_space<semaphore_mem>>) src(%arg8 : memref<128x64xf32, #tpu.memory_space<vmem>>) dst(%dma_wait3A_75 : memref<128x64xf32, #tpu.memory_space<vmem_shared>>)
      tpu.yield
    }) : () -> ()
    %barrier3A = arith.constant 0 : index
    tpu.barrier barrier_id(%barrier3A)
    %dma_start3A = arith.constant 0 : i32
    %dma_start3A_30 = arith.constant 0 : i32
    %dma_start3A_31 = tpu.memref_slice %arg6[%dma_start3A, %dma_start3A_30] : memref<160x128xi32, #tpu.memory_space<vmem>> -> memref<1x128xi32, #tpu.memory_space<vmem>>
    %dma_start3A_32 = tpu.memref_squeeze %dma_start3A_31 : memref<1x128xi32, #tpu.memory_space<vmem>> -> memref<128xi32, #tpu.memory_space<vmem>>
    %dma_start3A_33 = arith.constant 0 : i32
    %dma_start3A_34 = arith.constant 0 : i32
    %dma_start3A_35 = tpu.memref_slice %arg2[%dma_start3A_33, %dma_start3A_34] : memref<20000x64xf32, #tpu.memory_space<hbm>> -> memref<20000x64xf32, #tpu.memory_space<hbm>>
    tpu.enqueue_indirect_dma source(%dma_start3A_35 : memref<20000x64xf32, #tpu.memory_space<hbm>>) target(%arg8 : memref<128x64xf32, #tpu.memory_space<vmem>>) offsets(%dma_start3A_32 : memref<128xi32, #tpu.memory_space<vmem>>) semaphore(%arg13 : memref<!tpu.dma_semaphore, #tpu.memory_space<semaphore_mem>>)
    %dma_start3A_36 = arith.constant 1 : i32
    %dma_start3A_37 = arith.constant 0 : i32
    %dma_start3A_38 = tpu.memref_slice %arg6[%dma_start3A_36, %dma_start3A_37] : memref<160x128xi32, #tpu.memory_space<vmem>> -> memref<1x128xi32, #tpu.memory_space<vmem>>
    %dma_start3A_39 = tpu.memref_squeeze %dma_start3A_38 : memref<1x128xi32, #tpu.memory_space<vmem>> -> memref<128xi32, #tpu.memory_space<vmem>>
    %dma_start3A_40 = arith.constant 0 : i32
    %dma_start3A_41 = arith.constant 0 : i32
    %dma_start3A_42 = tpu.memref_slice %arg2[%dma_start3A_40, %dma_start3A_41] : memref<20000x64xf32, #tpu.memory_space<hbm>> -> memref<20000x64xf32, #tpu.memory_space<hbm>>
    tpu.enqueue_indirect_dma source(%dma_start3A_42 : memref<20000x64xf32, #tpu.memory_space<hbm>>) target(%arg9 : memref<128x64xf32, #tpu.memory_space<vmem>>) offsets(%dma_start3A_39 : memref<128xi32, #tpu.memory_space<vmem>>) semaphore(%arg14 : memref<!tpu.dma_semaphore, #tpu.memory_space<semaphore_mem>>)
    %dma_start3A_43 = arith.constant 2 : i32
    %dma_start3A_44 = arith.constant 0 : i32
    %dma_start3A_45 = tpu.memref_slice %arg6[%dma_start3A_43, %dma_start3A_44] : memref<160x128xi32, #tpu.memory_space<vmem>> -> memref<1x128xi32, #tpu.memory_space<vmem>>
    %dma_start3A_46 = tpu.memref_squeeze %dma_start3A_45 : memref<1x128xi32, #tpu.memory_space<vmem>> -> memref<128xi32, #tpu.memory_space<vmem>>
    %dma_start3A_47 = arith.constant 0 : i32
    %dma_start3A_48 = arith.constant 0 : i32
    %dma_start3A_49 = tpu.memref_slice %arg2[%dma_start3A_47, %dma_start3A_48] : memref<20000x64xf32, #tpu.memory_space<hbm>> -> memref<20000x64xf32, #tpu.memory_space<hbm>>
    tpu.enqueue_indirect_dma source(%dma_start3A_49 : memref<20000x64xf32, #tpu.memory_space<hbm>>) target(%arg10 : memref<128x64xf32, #tpu.memory_space<vmem>>) offsets(%dma_start3A_46 : memref<128xi32, #tpu.memory_space<vmem>>) semaphore(%arg15 : memref<!tpu.dma_semaphore, #tpu.memory_space<semaphore_mem>>)
    %dma_start3A_50 = arith.constant 3 : i32
    %dma_start3A_51 = arith.constant 0 : i32
    %dma_start3A_52 = tpu.memref_slice %arg6[%dma_start3A_50, %dma_start3A_51] : memref<160x128xi32, #tpu.memory_space<vmem>> -> memref<1x128xi32, #tpu.memory_space<vmem>>
    %dma_start3A_53 = tpu.memref_squeeze %dma_start3A_52 : memref<1x128xi32, #tpu.memory_space<vmem>> -> memref<128xi32, #tpu.memory_space<vmem>>
    %dma_start3A_54 = arith.constant 0 : i32
    %dma_start3A_55 = arith.constant 0 : i32
    %dma_start3A_56 = tpu.memref_slice %arg2[%dma_start3A_54, %dma_start3A_55] : memref<20000x64xf32, #tpu.memory_space<hbm>> -> memref<20000x64xf32, #tpu.memory_space<hbm>>
    tpu.enqueue_indirect_dma source(%dma_start3A_56 : memref<20000x64xf32, #tpu.memory_space<hbm>>) target(%arg11 : memref<128x64xf32, #tpu.memory_space<vmem>>) offsets(%dma_start3A_53 : memref<128xi32, #tpu.memory_space<vmem>>) semaphore(%arg16 : memref<!tpu.dma_semaphore, #tpu.memory_space<semaphore_mem>>)
    %scan3A_57 = arith.constant 0 : i32
    %scan3A_58 = arith.constant 40 : i32
    %scan3A_59 = arith.addi %scan3A_57, %scan3A_58 : i32
    %scan3A_60 = arith.constant 1 : i32
    scf.for %scan3A_69 = %scan3A_57 to %scan3A_59 step %scan3A_60  : i32 {
      %mul3A_70 = arith.constant 1 : i32
      %mul3A_71 = arith.muli %scan3A_69, %mul3A_70 : i32
      %add3A_72 = arith.constant 0 : i32
      %add3A_73 = arith.addi %add3A_72, %mul3A_71 : i32
      %mul3A_74 = arith.constant 4 : i32
      %mul3A_75 = arith.muli %add3A_73, %mul3A_74 : i32
      %add3A_76 = arith.constant 0 : i32
      %add3A_77 = arith.addi %mul3A_75, %add3A_76 : i32
      %dma_wait3A = arith.constant 0 : i32
      %dma_wait3A_78 = arith.constant 0 : i32
      %dma_wait3A_79 = tpu.memref_slice %arg2[%dma_wait3A, %dma_wait3A_78] : memref<20000x64xf32, #tpu.memory_space<hbm>> -> memref<128x64xf32, #tpu.memory_space<hbm>>
      %dma_wait3A_80 = arith.constant 0 : i32
      %dma_wait3A_81 = arith.constant 0 : i32
      %dma_wait3A_82 = tpu.memref_slice %arg2[%dma_wait3A_80, %dma_wait3A_81] : memref<20000x64xf32, #tpu.memory_space<hbm>> -> memref<128x64xf32, #tpu.memory_space<hbm>>
      tpu.wait_dma2 semaphore(%arg13 : memref<!tpu.dma_semaphore, #tpu.memory_space<semaphore_mem>>) src(%dma_wait3A_82 : memref<128x64xf32, #tpu.memory_space<hbm>>) dst(%arg8 : memref<128x64xf32, #tpu.memory_space<vmem>>)
      "tpu.region"() ({
        %run_scoped3A = tpu.sem_alloc : memref<!tpu.dma_semaphore, #tpu.memory_space<semaphore_mem>>
        %dma_start3A_138 = arith.constant 0 : i32
        %dma_start3A_139 = tpu.memref_slice %arg7[%add3A_77, %dma_start3A_138] : memref<160x128xi32, #tpu.memory_space<vmem>> -> memref<1x128xi32, #tpu.memory_space<vmem>>
        %dma_start3A_140 = tpu.memref_squeeze %dma_start3A_139 : memref<1x128xi32, #tpu.memory_space<vmem>> -> memref<128xi32, #tpu.memory_space<vmem>>
        %dma_start3A_141 = arith.constant 0 : i32
        %dma_start3A_142 = arith.constant 0 : i32
        %dma_start3A_143 = tpu.memref_slice %arg12[%dma_start3A_141, %dma_start3A_142] : memref<10240x64xf32, #tpu.memory_space<vmem_shared>> -> memref<10240x64xf32, #tpu.memory_space<vmem_shared>>
        tpu.enqueue_indirect_dma source(%arg8 : memref<128x64xf32, #tpu.memory_space<vmem>>) target(%dma_start3A_143 : memref<10240x64xf32, #tpu.memory_space<vmem_shared>>) offsets(%dma_start3A_140 : memref<128xi32, #tpu.memory_space<vmem>>) semaphore(%run_scoped3A : memref<!tpu.dma_semaphore, #tpu.memory_space<semaphore_mem>>) {add = true}
        %dma_wait3A_144 = arith.constant 0 : i32
        %dma_wait3A_145 = tpu.memref_slice %arg7[%add3A_77, %dma_wait3A_144] : memref<160x128xi32, #tpu.memory_space<vmem>> -> memref<1x128xi32, #tpu.memory_space<vmem>>
        %dma_wait3A_146 = tpu.memref_squeeze %dma_wait3A_145 : memref<1x128xi32, #tpu.memory_space<vmem>> -> memref<128xi32, #tpu.memory_space<vmem>>
        %dma_wait3A_147 = arith.constant 0 : i32
        %dma_wait3A_148 = arith.constant 0 : i32
        %dma_wait3A_149 = tpu.memref_slice %arg12[%dma_wait3A_147, %dma_wait3A_148] : memref<10240x64xf32, #tpu.memory_space<vmem_shared>> -> memref<10240x64xf32, #tpu.memory_space<vmem_shared>>
        tpu.wait_indirect_dma semaphore(%run_scoped3A : memref<!tpu.dma_semaphore, #tpu.memory_space<semaphore_mem>>) src(%arg8 : memref<128x64xf32, #tpu.memory_space<vmem>>) dst(%dma_wait3A_149 : memref<10240x64xf32, #tpu.memory_space<vmem_shared>>)
        tpu.yield
      }) : () -> ()
      %add3A_83 = arith.constant 4 : i32
      %add3A_84 = arith.addi %add3A_77, %add3A_83 : i32
      %lt3A = arith.constant 160 : i32
      %lt3A_85 = arith.cmpi slt, %add3A_84, %lt3A : i32
      %convert_element_type3A = arith.extui %lt3A_85 : i1 to i32
      %cond3A = arith.constant 0 : i32
      %cond3A_86 = arith.cmpi ne, %convert_element_type3A, %cond3A : i32
      scf.if %cond3A_86 {
        %add3A_138 = arith.constant 4 : i32
        %add3A_139 = arith.addi %add3A_77, %add3A_138 : i32
        %dma_start3A_140 = arith.constant 0 : i32
        %dma_start3A_141 = tpu.memref_slice %arg6[%add3A_139, %dma_start3A_140] : memref<160x128xi32, #tpu.memory_space<vmem>> -> memref<1x128xi32, #tpu.memory_space<vmem>>
        %dma_start3A_142 = tpu.memref_squeeze %dma_start3A_141 : memref<1x128xi32, #tpu.memory_space<vmem>> -> memref<128xi32, #tpu.memory_space<vmem>>
        %dma_start3A_143 = arith.constant 0 : i32
        %dma_start3A_144 = arith.constant 0 : i32
        %dma_start3A_145 = tpu.memref_slice %arg2[%dma_start3A_143, %dma_start3A_144] : memref<20000x64xf32, #tpu.memory_space<hbm>> -> memref<20000x64xf32, #tpu.memory_space<hbm>>
        tpu.enqueue_indirect_dma source(%dma_start3A_145 : memref<20000x64xf32, #tpu.memory_space<hbm>>) target(%arg8 : memref<128x64xf32, #tpu.memory_space<vmem>>) offsets(%dma_start3A_142 : memref<128xi32, #tpu.memory_space<vmem>>) semaphore(%arg13 : memref<!tpu.dma_semaphore, #tpu.memory_space<semaphore_mem>>)
      } else {
      }
      %mul3A_87 = arith.constant 4 : i32
      %mul3A_88 = arith.muli %add3A_73, %mul3A_87 : i32
      %add3A_89 = arith.constant 1 : i32
      %add3A_90 = arith.addi %mul3A_88, %add3A_89 : i32
      %dma_wait3A_91 = arith.constant 0 : i32
      %dma_wait3A_92 = arith.constant 0 : i32
      %dma_wait3A_93 = tpu.memref_slice %arg2[%dma_wait3A_91, %dma_wait3A_92] : memref<20000x64xf32, #tpu.memory_space<hbm>> -> memref<128x64xf32, #tpu.memory_space<hbm>>
      %dma_wait3A_94 = arith.constant 0 : i32
      %dma_wait3A_95 = arith.constant 0 : i32
      %dma_wait3A_96 = tpu.memref_slice %arg2[%dma_wait3A_94, %dma_wait3A_95] : memref<20000x64xf32, #tpu.memory_space<hbm>> -> memref<128x64xf32, #tpu.memory_space<hbm>>
      tpu.wait_dma2 semaphore(%arg14 : memref<!tpu.dma_semaphore, #tpu.memory_space<semaphore_mem>>) src(%dma_wait3A_96 : memref<128x64xf32, #tpu.memory_space<hbm>>) dst(%arg9 : memref<128x64xf32, #tpu.memory_space<vmem>>)
      "tpu.region"() ({
        %run_scoped3A = tpu.sem_alloc : memref<!tpu.dma_semaphore, #tpu.memory_space<semaphore_mem>>
        %dma_start3A_138 = arith.constant 0 : i32
        %dma_start3A_139 = tpu.memref_slice %arg7[%add3A_90, %dma_start3A_138] : memref<160x128xi32, #tpu.memory_space<vmem>> -> memref<1x128xi32, #tpu.memory_space<vmem>>
        %dma_start3A_140 = tpu.memref_squeeze %dma_start3A_139 : memref<1x128xi32, #tpu.memory_space<vmem>> -> memref<128xi32, #tpu.memory_space<vmem>>
        %dma_start3A_141 = arith.constant 0 : i32
        %dma_start3A_142 = arith.constant 0 : i32
        %dma_start3A_143 = tpu.memref_slice %arg12[%dma_start3A_141, %dma_start3A_142] : memref<10240x64xf32, #tpu.memory_space<vmem_shared>> -> memref<10240x64xf32, #tpu.memory_space<vmem_shared>>
        tpu.enqueue_indirect_dma source(%arg9 : memref<128x64xf32, #tpu.memory_space<vmem>>) target(%dma_start3A_143 : memref<10240x64xf32, #tpu.memory_space<vmem_shared>>) offsets(%dma_start3A_140 : memref<128xi32, #tpu.memory_space<vmem>>) semaphore(%run_scoped3A : memref<!tpu.dma_semaphore, #tpu.memory_space<semaphore_mem>>) {add = true}
        %dma_wait3A_144 = arith.constant 0 : i32
        %dma_wait3A_145 = tpu.memref_slice %arg7[%add3A_90, %dma_wait3A_144] : memref<160x128xi32, #tpu.memory_space<vmem>> -> memref<1x128xi32, #tpu.memory_space<vmem>>
        %dma_wait3A_146 = tpu.memref_squeeze %dma_wait3A_145 : memref<1x128xi32, #tpu.memory_space<vmem>> -> memref<128xi32, #tpu.memory_space<vmem>>
        %dma_wait3A_147 = arith.constant 0 : i32
        %dma_wait3A_148 = arith.constant 0 : i32
        %dma_wait3A_149 = tpu.memref_slice %arg12[%dma_wait3A_147, %dma_wait3A_148] : memref<10240x64xf32, #tpu.memory_space<vmem_shared>> -> memref<10240x64xf32, #tpu.memory_space<vmem_shared>>
        tpu.wait_indirect_dma semaphore(%run_scoped3A : memref<!tpu.dma_semaphore, #tpu.memory_space<semaphore_mem>>) src(%arg9 : memref<128x64xf32, #tpu.memory_space<vmem>>) dst(%dma_wait3A_149 : memref<10240x64xf32, #tpu.memory_space<vmem_shared>>)
        tpu.yield
      }) : () -> ()
      %add3A_97 = arith.constant 4 : i32
      %add3A_98 = arith.addi %add3A_90, %add3A_97 : i32
      %lt3A_99 = arith.constant 160 : i32
      %lt3A_100 = arith.cmpi slt, %add3A_98, %lt3A_99 : i32
      %convert_element_type3A_101 = arith.extui %lt3A_100 : i1 to i32
      %cond3A_102 = arith.constant 0 : i32
      %cond3A_103 = arith.cmpi ne, %convert_element_type3A_101, %cond3A_102 : i32
      scf.if %cond3A_103 {
        %add3A_138 = arith.constant 4 : i32
        %add3A_139 = arith.addi %add3A_90, %add3A_138 : i32
        %dma_start3A_140 = arith.constant 0 : i32
        %dma_start3A_141 = tpu.memref_slice %arg6[%add3A_139, %dma_start3A_140] : memref<160x128xi32, #tpu.memory_space<vmem>> -> memref<1x128xi32, #tpu.memory_space<vmem>>
        %dma_start3A_142 = tpu.memref_squeeze %dma_start3A_141 : memref<1x128xi32, #tpu.memory_space<vmem>> -> memref<128xi32, #tpu.memory_space<vmem>>
        %dma_start3A_143 = arith.constant 0 : i32
        %dma_start3A_144 = arith.constant 0 : i32
        %dma_start3A_145 = tpu.memref_slice %arg2[%dma_start3A_143, %dma_start3A_144] : memref<20000x64xf32, #tpu.memory_space<hbm>> -> memref<20000x64xf32, #tpu.memory_space<hbm>>
        tpu.enqueue_indirect_dma source(%dma_start3A_145 : memref<20000x64xf32, #tpu.memory_space<hbm>>) target(%arg9 : memref<128x64xf32, #tpu.memory_space<vmem>>) offsets(%dma_start3A_142 : memref<128xi32, #tpu.memory_space<vmem>>) semaphore(%arg14 : memref<!tpu.dma_semaphore, #tpu.memory_space<semaphore_mem>>)
      } else {
      }
      %mul3A_104 = arith.constant 4 : i32
      %mul3A_105 = arith.muli %add3A_73, %mul3A_104 : i32
      %add3A_106 = arith.constant 2 : i32
      %add3A_107 = arith.addi %mul3A_105, %add3A_106 : i32
      %dma_wait3A_108 = arith.constant 0 : i32
      %dma_wait3A_109 = arith.constant 0 : i32
      %dma_wait3A_110 = tpu.memref_slice %arg2[%dma_wait3A_108, %dma_wait3A_109] : memref<20000x64xf32, #tpu.memory_space<hbm>> -> memref<128x64xf32, #tpu.memory_space<hbm>>
      %dma_wait3A_111 = arith.constant 0 : i32
      %dma_wait3A_112 = arith.constant 0 : i32
      %dma_wait3A_113 = tpu.memref_slice %arg2[%dma_wait3A_111, %dma_wait3A_112] : memref<20000x64xf32, #tpu.memory_space<hbm>> -> memref<128x64xf32, #tpu.memory_space<hbm>>
      tpu.wait_dma2 semaphore(%arg15 : memref<!tpu.dma_semaphore, #tpu.memory_space<semaphore_mem>>) src(%dma_wait3A_113 : memref<128x64xf32, #tpu.memory_space<hbm>>) dst(%arg10 : memref<128x64xf32, #tpu.memory_space<vmem>>)
      "tpu.region"() ({
        %run_scoped3A = tpu.sem_alloc : memref<!tpu.dma_semaphore, #tpu.memory_space<semaphore_mem>>
        %dma_start3A_138 = arith.constant 0 : i32
        %dma_start3A_139 = tpu.memref_slice %arg7[%add3A_107, %dma_start3A_138] : memref<160x128xi32, #tpu.memory_space<vmem>> -> memref<1x128xi32, #tpu.memory_space<vmem>>
        %dma_start3A_140 = tpu.memref_squeeze %dma_start3A_139 : memref<1x128xi32, #tpu.memory_space<vmem>> -> memref<128xi32, #tpu.memory_space<vmem>>
        %dma_start3A_141 = arith.constant 0 : i32
        %dma_start3A_142 = arith.constant 0 : i32
        %dma_start3A_143 = tpu.memref_slice %arg12[%dma_start3A_141, %dma_start3A_142] : memref<10240x64xf32, #tpu.memory_space<vmem_shared>> -> memref<10240x64xf32, #tpu.memory_space<vmem_shared>>
        tpu.enqueue_indirect_dma source(%arg10 : memref<128x64xf32, #tpu.memory_space<vmem>>) target(%dma_start3A_143 : memref<10240x64xf32, #tpu.memory_space<vmem_shared>>) offsets(%dma_start3A_140 : memref<128xi32, #tpu.memory_space<vmem>>) semaphore(%run_scoped3A : memref<!tpu.dma_semaphore, #tpu.memory_space<semaphore_mem>>) {add = true}
        %dma_wait3A_144 = arith.constant 0 : i32
        %dma_wait3A_145 = tpu.memref_slice %arg7[%add3A_107, %dma_wait3A_144] : memref<160x128xi32, #tpu.memory_space<vmem>> -> memref<1x128xi32, #tpu.memory_space<vmem>>
        %dma_wait3A_146 = tpu.memref_squeeze %dma_wait3A_145 : memref<1x128xi32, #tpu.memory_space<vmem>> -> memref<128xi32, #tpu.memory_space<vmem>>
        %dma_wait3A_147 = arith.constant 0 : i32
        %dma_wait3A_148 = arith.constant 0 : i32
        %dma_wait3A_149 = tpu.memref_slice %arg12[%dma_wait3A_147, %dma_wait3A_148] : memref<10240x64xf32, #tpu.memory_space<vmem_shared>> -> memref<10240x64xf32, #tpu.memory_space<vmem_shared>>
        tpu.wait_indirect_dma semaphore(%run_scoped3A : memref<!tpu.dma_semaphore, #tpu.memory_space<semaphore_mem>>) src(%arg10 : memref<128x64xf32, #tpu.memory_space<vmem>>) dst(%dma_wait3A_149 : memref<10240x64xf32, #tpu.memory_space<vmem_shared>>)
        tpu.yield
      }) : () -> ()
      %add3A_114 = arith.constant 4 : i32
      %add3A_115 = arith.addi %add3A_107, %add3A_114 : i32
      %lt3A_116 = arith.constant 160 : i32
      %lt3A_117 = arith.cmpi slt, %add3A_115, %lt3A_116 : i32
      %convert_element_type3A_118 = arith.extui %lt3A_117 : i1 to i32
      %cond3A_119 = arith.constant 0 : i32
      %cond3A_120 = arith.cmpi ne, %convert_element_type3A_118, %cond3A_119 : i32
      scf.if %cond3A_120 {
        %add3A_138 = arith.constant 4 : i32
        %add3A_139 = arith.addi %add3A_107, %add3A_138 : i32
        %dma_start3A_140 = arith.constant 0 : i32
        %dma_start3A_141 = tpu.memref_slice %arg6[%add3A_139, %dma_start3A_140] : memref<160x128xi32, #tpu.memory_space<vmem>> -> memref<1x128xi32, #tpu.memory_space<vmem>>
        %dma_start3A_142 = tpu.memref_squeeze %dma_start3A_141 : memref<1x128xi32, #tpu.memory_space<vmem>> -> memref<128xi32, #tpu.memory_space<vmem>>
        %dma_start3A_143 = arith.constant 0 : i32
        %dma_start3A_144 = arith.constant 0 : i32
        %dma_start3A_145 = tpu.memref_slice %arg2[%dma_start3A_143, %dma_start3A_144] : memref<20000x64xf32, #tpu.memory_space<hbm>> -> memref<20000x64xf32, #tpu.memory_space<hbm>>
        tpu.enqueue_indirect_dma source(%dma_start3A_145 : memref<20000x64xf32, #tpu.memory_space<hbm>>) target(%arg10 : memref<128x64xf32, #tpu.memory_space<vmem>>) offsets(%dma_start3A_142 : memref<128xi32, #tpu.memory_space<vmem>>) semaphore(%arg15 : memref<!tpu.dma_semaphore, #tpu.memory_space<semaphore_mem>>)
      } else {
      }
      %mul3A_121 = arith.constant 4 : i32
      %mul3A_122 = arith.muli %add3A_73, %mul3A_121 : i32
      %add3A_123 = arith.constant 3 : i32
      %add3A_124 = arith.addi %mul3A_122, %add3A_123 : i32
      %dma_wait3A_125 = arith.constant 0 : i32
      %dma_wait3A_126 = arith.constant 0 : i32
      %dma_wait3A_127 = tpu.memref_slice %arg2[%dma_wait3A_125, %dma_wait3A_126] : memref<20000x64xf32, #tpu.memory_space<hbm>> -> memref<128x64xf32, #tpu.memory_space<hbm>>
      %dma_wait3A_128 = arith.constant 0 : i32
      %dma_wait3A_129 = arith.constant 0 : i32
      %dma_wait3A_130 = tpu.memref_slice %arg2[%dma_wait3A_128, %dma_wait3A_129] : memref<20000x64xf32, #tpu.memory_space<hbm>> -> memref<128x64xf32, #tpu.memory_space<hbm>>
      tpu.wait_dma2 semaphore(%arg16 : memref<!tpu.dma_semaphore, #tpu.memory_space<semaphore_mem>>) src(%dma_wait3A_130 : memref<128x64xf32, #tpu.memory_space<hbm>>) dst(%arg11 : memref<128x64xf32, #tpu.memory_space<vmem>>)
      "tpu.region"() ({
        %run_scoped3A = tpu.sem_alloc : memref<!tpu.dma_semaphore, #tpu.memory_space<semaphore_mem>>
        %dma_start3A_138 = arith.constant 0 : i32
        %dma_start3A_139 = tpu.memref_slice %arg7[%add3A_124, %dma_start3A_138] : memref<160x128xi32, #tpu.memory_space<vmem>> -> memref<1x128xi32, #tpu.memory_space<vmem>>
        %dma_start3A_140 = tpu.memref_squeeze %dma_start3A_139 : memref<1x128xi32, #tpu.memory_space<vmem>> -> memref<128xi32, #tpu.memory_space<vmem>>
        %dma_start3A_141 = arith.constant 0 : i32
        %dma_start3A_142 = arith.constant 0 : i32
        %dma_start3A_143 = tpu.memref_slice %arg12[%dma_start3A_141, %dma_start3A_142] : memref<10240x64xf32, #tpu.memory_space<vmem_shared>> -> memref<10240x64xf32, #tpu.memory_space<vmem_shared>>
        tpu.enqueue_indirect_dma source(%arg11 : memref<128x64xf32, #tpu.memory_space<vmem>>) target(%dma_start3A_143 : memref<10240x64xf32, #tpu.memory_space<vmem_shared>>) offsets(%dma_start3A_140 : memref<128xi32, #tpu.memory_space<vmem>>) semaphore(%run_scoped3A : memref<!tpu.dma_semaphore, #tpu.memory_space<semaphore_mem>>) {add = true}
        %dma_wait3A_144 = arith.constant 0 : i32
        %dma_wait3A_145 = tpu.memref_slice %arg7[%add3A_124, %dma_wait3A_144] : memref<160x128xi32, #tpu.memory_space<vmem>> -> memref<1x128xi32, #tpu.memory_space<vmem>>
        %dma_wait3A_146 = tpu.memref_squeeze %dma_wait3A_145 : memref<1x128xi32, #tpu.memory_space<vmem>> -> memref<128xi32, #tpu.memory_space<vmem>>
        %dma_wait3A_147 = arith.constant 0 : i32
        %dma_wait3A_148 = arith.constant 0 : i32
        %dma_wait3A_149 = tpu.memref_slice %arg12[%dma_wait3A_147, %dma_wait3A_148] : memref<10240x64xf32, #tpu.memory_space<vmem_shared>> -> memref<10240x64xf32, #tpu.memory_space<vmem_shared>>
        tpu.wait_indirect_dma semaphore(%run_scoped3A : memref<!tpu.dma_semaphore, #tpu.memory_space<semaphore_mem>>) src(%arg11 : memref<128x64xf32, #tpu.memory_space<vmem>>) dst(%dma_wait3A_149 : memref<10240x64xf32, #tpu.memory_space<vmem_shared>>)
        tpu.yield
      }) : () -> ()
      %add3A_131 = arith.constant 4 : i32
      %add3A_132 = arith.addi %add3A_124, %add3A_131 : i32
      %lt3A_133 = arith.constant 160 : i32
      %lt3A_134 = arith.cmpi slt, %add3A_132, %lt3A_133 : i32
      %convert_element_type3A_135 = arith.extui %lt3A_134 : i1 to i32
      %cond3A_136 = arith.constant 0 : i32
      %cond3A_137 = arith.cmpi ne, %convert_element_type3A_135, %cond3A_136 : i32
      scf.if %cond3A_137 {
        %add3A_138 = arith.constant 4 : i32
        %add3A_139 = arith.addi %add3A_124, %add3A_138 : i32
        %dma_start3A_140 = arith.constant 0 : i32
        %dma_start3A_141 = tpu.memref_slice %arg6[%add3A_139, %dma_start3A_140] : memref<160x128xi32, #tpu.memory_space<vmem>> -> memref<1x128xi32, #tpu.memory_space<vmem>>
        %dma_start3A_142 = tpu.memref_squeeze %dma_start3A_141 : memref<1x128xi32, #tpu.memory_space<vmem>> -> memref<128xi32, #tpu.memory_space<vmem>>
        %dma_start3A_143 = arith.constant 0 : i32
        %dma_start3A_144 = arith.constant 0 : i32
        %dma_start3A_145 = tpu.memref_slice %arg2[%dma_start3A_143, %dma_start3A_144] : memref<20000x64xf32, #tpu.memory_space<hbm>> -> memref<20000x64xf32, #tpu.memory_space<hbm>>
        tpu.enqueue_indirect_dma source(%dma_start3A_145 : memref<20000x64xf32, #tpu.memory_space<hbm>>) target(%arg11 : memref<128x64xf32, #tpu.memory_space<vmem>>) offsets(%dma_start3A_142 : memref<128xi32, #tpu.memory_space<vmem>>) semaphore(%arg16 : memref<!tpu.dma_semaphore, #tpu.memory_space<semaphore_mem>>)
      } else {
      }
    }
    %scan3A_61 = arith.constant 40 : i32
    %barrier3A_62 = arith.constant 0 : index
    tpu.barrier barrier_id(%barrier3A_62)
    %mul3A_63 = arith.constant 640 : i32
    %mul3A_64 = arith.muli %arg1, %mul3A_63 : i32
    %mul3A_65 = arith.constant 640 : i32
    %mul3A_66 = arith.muli %arg1, %mul3A_65 : i32
    %mul3A_67 = arith.constant 64 : i32
    %mul3A_68 = arith.muli %arg0, %mul3A_67 : i32
    "tpu.region"() ({
      %run_scoped3A = tpu.sem_alloc : memref<!tpu.dma_semaphore, #tpu.memory_space<semaphore_mem>>
      %dma_start3A_69 = tpu.memref_slice %arg5[%mul3A_66, %mul3A_68] : memref<10240x128xf32, #tpu.memory_space<hbm>> -> memref<640x64xf32, #tpu.memory_space<hbm>>
      %dma_start3A_70 = arith.constant 0 : i32
      %dma_start3A_71 = tpu.memref_slice %arg12[%mul3A_64, %dma_start3A_70] : memref<10240x64xf32, #tpu.memory_space<vmem_shared>> -> memref<640x64xf32, #tpu.memory_space<vmem_shared>>
      tpu.enqueue_dma source(%dma_start3A_71 : memref<640x64xf32, #tpu.memory_space<vmem_shared>>) target(%dma_start3A_69 : memref<640x64xf32, #tpu.memory_space<hbm>>) target_semaphore(%run_scoped3A : memref<!tpu.dma_semaphore, #tpu.memory_space<semaphore_mem>>)
      %dma_wait3A = tpu.memref_slice %arg5[%mul3A_66, %mul3A_68] : memref<10240x128xf32, #tpu.memory_space<hbm>> -> memref<640x64xf32, #tpu.memory_space<hbm>>
      %dma_wait3A_72 = arith.constant 0 : i32
      %dma_wait3A_73 = tpu.memref_slice %arg12[%mul3A_64, %dma_wait3A_72] : memref<10240x64xf32, #tpu.memory_space<vmem_shared>> -> memref<640x64xf32, #tpu.memory_space<vmem_shared>>
      tpu.wait_dma2 semaphore(%run_scoped3A : memref<!tpu.dma_semaphore, #tpu.memory_space<semaphore_mem>>) src(%dma_wait3A_73 : memref<640x64xf32, #tpu.memory_space<vmem_shared>>) dst(%dma_wait3A : memref<640x64xf32, #tpu.memory_space<hbm>>)
      tpu.yield
    }) : () -> ()
    return
  }
}

#map = affine_map<(d0, d1) -> (0, 0)>
module attributes {stable_mosaic.version = 14 : i64} {
  func.func @_sc_deg(%arg0: i32, %arg1: i32, %arg2: memref<5120x128xi32, #tpu.memory_space<hbm>>, %arg3: memref<2x10240xf32, #tpu.memory_space<hbm>>, %arg4: memref<160x128xi32, #tpu.memory_space<vmem>>, %arg5: memref<128xf32, #tpu.memory_space<vmem>>, %arg6: memref<640xf32, #tpu.memory_space<vmem>>, %arg7: memref<10240xf32, #tpu.memory_space<vmem_shared>>, %arg8: memref<!tpu.dma_semaphore, #tpu.memory_space<semaphore_mem>>) attributes {dimension_semantics = [#tpu.dimension_semantics<core_parallel>, #tpu.dimension_semantics<subcore_parallel>], iteration_bounds = array<i64: 2, 16>, scalar_prefetch = 0 : i64, scratch_operands = 5 : i64, tpu.core_type = #tpu.core_type<sc_vector_subcore>, window_params = [{transform_indices = #map}, {transform_indices = #map}]} {
    %mul3A = arith.constant 16 : i32
    %mul3A_0 = arith.muli %arg0, %mul3A : i32
    %add3A = arith.addi %mul3A_0, %arg1 : i32
    %broadcast_in_dim3A = arith.constant 0.000000e+00 : f32
    %broadcast_in_dim3A_1 = vector.broadcast %broadcast_in_dim3A : f32 to vector<16xf32>
    %broadcast_in_dim3A_2 = arith.constant 1.000000e+00 : f32
    %broadcast_in_dim3A_3 = vector.broadcast %broadcast_in_dim3A_2 : f32 to vector<16xf32>
    %scan3A = arith.constant 0 : i32
    %scan3A_4 = arith.constant 8 : i32
    %scan3A_5 = arith.addi %scan3A, %scan3A_4 : i32
    %scan3A_6 = arith.constant 1 : i32
    scf.for %scan3A_27 = %scan3A to %scan3A_5 step %scan3A_6  : i32 {
      %mul3A_28 = arith.constant 1 : i32
      %mul3A_29 = arith.muli %scan3A_27, %mul3A_28 : i32
      %add3A_30 = arith.constant 0 : i32
      %add3A_31 = arith.addi %add3A_30, %mul3A_29 : i32
      %mul3A_32 = arith.constant 16 : i32
      %mul3A_33 = arith.muli %add3A_31, %mul3A_32 : i32
      %swap3A = arith.index_cast %mul3A_33 : i32 to index
      %swap3A_34 = tpu.vector_load %arg5[%swap3A] {strides = array<i32>} : memref<128xf32, #tpu.memory_space<vmem>>, vector<16xf32>,
      %swap3A_35 = vector.shape_cast %swap3A_34 : vector<16xf32> to vector<16xf32>
      %swap3A_36 = vector.shape_cast %broadcast_in_dim3A_3 : vector<16xf32> to vector<16xf32>
      tpu.vector_store %arg5[%swap3A], %swap3A_36 {strides = array<i32>} : memref<128xf32, #tpu.memory_space<vmem>>, vector<16xf32>,
    }
    %scan3A_7 = arith.constant 8 : i32
    %scan3A_8 = arith.constant 0 : i32
    %scan3A_9 = arith.constant 40 : i32
    %scan3A_10 = arith.addi %scan3A_8, %scan3A_9 : i32
    %scan3A_11 = arith.constant 1 : i32
    scf.for %scan3A_27 = %scan3A_8 to %scan3A_10 step %scan3A_11  : i32 {
      %mul3A_28 = arith.constant 1 : i32
      %mul3A_29 = arith.muli %scan3A_27, %mul3A_28 : i32
      %add3A_30 = arith.constant 0 : i32
      %add3A_31 = arith.addi %add3A_30, %mul3A_29 : i32
      %mul3A_32 = arith.constant 16 : i32
      %mul3A_33 = arith.muli %add3A_31, %mul3A_32 : i32
      %swap3A = arith.index_cast %mul3A_33 : i32 to index
      %swap3A_34 = tpu.vector_load %arg6[%swap3A] {strides = array<i32>} : memref<640xf32, #tpu.memory_space<vmem>>, vector<16xf32>,
      %swap3A_35 = vector.shape_cast %swap3A_34 : vector<16xf32> to vector<16xf32>
      %swap3A_36 = vector.shape_cast %broadcast_in_dim3A_1 : vector<16xf32> to vector<16xf32>
      tpu.vector_store %arg6[%swap3A], %swap3A_36 {strides = array<i32>} : memref<640xf32, #tpu.memory_space<vmem>>, vector<16xf32>,
    }
    %scan3A_12 = arith.constant 40 : i32
    %mul3A_13 = arith.constant 160 : i32
    %mul3A_14 = arith.muli %add3A, %mul3A_13 : i32
    "tpu.region"() ({
      %run_scoped3A = tpu.sem_alloc : memref<!tpu.dma_semaphore, #tpu.memory_space<semaphore_mem>>
      %dma_start3A = arith.constant 0 : i32
      %dma_start3A_27 = tpu.memref_slice %arg2[%mul3A_14, %dma_start3A] : memref<5120x128xi32, #tpu.memory_space<hbm>> -> memref<160x128xi32, #tpu.memory_space<hbm>>
      %dma_start3A_28 = arith.constant 0 : i32
      %dma_start3A_29 = tpu.memref_slice %arg2[%mul3A_14, %dma_start3A_28] : memref<5120x128xi32, #tpu.memory_space<hbm>> -> memref<160x128xi32, #tpu.memory_space<hbm>>
      tpu.enqueue_dma source(%dma_start3A_29 : memref<160x128xi32, #tpu.memory_space<hbm>>) target(%arg4 : memref<160x128xi32, #tpu.memory_space<vmem>>) target_semaphore(%run_scoped3A : memref<!tpu.dma_semaphore, #tpu.memory_space<semaphore_mem>>)
      %dma_wait3A = arith.constant 0 : i32
      %dma_wait3A_30 = tpu.memref_slice %arg2[%mul3A_14, %dma_wait3A] : memref<5120x128xi32, #tpu.memory_space<hbm>> -> memref<160x128xi32, #tpu.memory_space<hbm>>
      %dma_wait3A_31 = arith.constant 0 : i32
      %dma_wait3A_32 = tpu.memref_slice %arg2[%mul3A_14, %dma_wait3A_31] : memref<5120x128xi32, #tpu.memory_space<hbm>> -> memref<160x128xi32, #tpu.memory_space<hbm>>
      tpu.wait_dma2 semaphore(%run_scoped3A : memref<!tpu.dma_semaphore, #tpu.memory_space<semaphore_mem>>) src(%dma_wait3A_32 : memref<160x128xi32, #tpu.memory_space<hbm>>) dst(%arg4 : memref<160x128xi32, #tpu.memory_space<vmem>>)
      tpu.yield
    }) : () -> ()
    %mul3A_15 = arith.constant 640 : i32
    %mul3A_16 = arith.muli %arg1, %mul3A_15 : i32
    "tpu.region"() ({
      %run_scoped3A = tpu.sem_alloc : memref<!tpu.dma_semaphore, #tpu.memory_space<semaphore_mem>>
      %dma_start3A = tpu.memref_slice %arg7[%mul3A_16] : memref<10240xf32, #tpu.memory_space<vmem_shared>> -> memref<640xf32, #tpu.memory_space<vmem_shared>>
      %dma_start3A_27 = tpu.memref_slice %arg7[%mul3A_16] : memref<10240xf32, #tpu.memory_space<vmem_shared>> -> memref<640xf32, #tpu.memory_space<vmem_shared>>
      tpu.enqueue_dma source(%arg6 : memref<640xf32, #tpu.memory_space<vmem>>) target(%dma_start3A_27 : memref<640xf32, #tpu.memory_space<vmem_shared>>) target_semaphore(%run_scoped3A : memref<!tpu.dma_semaphore, #tpu.memory_space<semaphore_mem>>)
      %dma_wait3A = tpu.memref_slice %arg7[%mul3A_16] : memref<10240xf32, #tpu.memory_space<vmem_shared>> -> memref<640xf32, #tpu.memory_space<vmem_shared>>
      %dma_wait3A_28 = tpu.memref_slice %arg7[%mul3A_16] : memref<10240xf32, #tpu.memory_space<vmem_shared>> -> memref<640xf32, #tpu.memory_space<vmem_shared>>
      tpu.wait_dma2 semaphore(%run_scoped3A : memref<!tpu.dma_semaphore, #tpu.memory_space<semaphore_mem>>) src(%arg6 : memref<640xf32, #tpu.memory_space<vmem>>) dst(%dma_wait3A_28 : memref<640xf32, #tpu.memory_space<vmem_shared>>)
      tpu.yield
    }) : () -> ()
    %barrier3A = arith.constant 0 : index
    tpu.barrier barrier_id(%barrier3A)
    %scan3A_17 = arith.constant 0 : i32
    %scan3A_18 = arith.constant 20 : i32
    %scan3A_19 = arith.addi %scan3A_17, %scan3A_18 : i32
    %scan3A_20 = arith.constant 1 : i32
    scf.for %scan3A_27 = %scan3A_17 to %scan3A_19 step %scan3A_20  : i32 {
      %mul3A_28 = arith.constant 1 : i32
      %mul3A_29 = arith.muli %scan3A_27, %mul3A_28 : i32
      %add3A_30 = arith.constant 0 : i32
      %add3A_31 = arith.addi %add3A_30, %mul3A_29 : i32
      %mul3A_32 = arith.constant 8 : i32
      %mul3A_33 = arith.muli %add3A_31, %mul3A_32 : i32
      %add3A_34 = arith.constant 0 : i32
      %add3A_35 = arith.addi %mul3A_33, %add3A_34 : i32
      %dma_start3A = arith.constant 0 : i32
      %dma_start3A_36 = tpu.memref_slice %arg4[%add3A_35, %dma_start3A] : memref<160x128xi32, #tpu.memory_space<vmem>> -> memref<1x128xi32, #tpu.memory_space<vmem>>
      %dma_start3A_37 = tpu.memref_squeeze %dma_start3A_36 : memref<1x128xi32, #tpu.memory_space<vmem>> -> memref<128xi32, #tpu.memory_space<vmem>>
      %dma_start3A_38 = arith.constant 0 : i32
      %dma_start3A_39 = tpu.memref_slice %arg7[%dma_start3A_38] : memref<10240xf32, #tpu.memory_space<vmem_shared>> -> memref<10240xf32, #tpu.memory_space<vmem_shared>>
      tpu.enqueue_indirect_dma source(%arg5 : memref<128xf32, #tpu.memory_space<vmem>>) target(%dma_start3A_39 : memref<10240xf32, #tpu.memory_space<vmem_shared>>) offsets(%dma_start3A_37 : memref<128xi32, #tpu.memory_space<vmem>>) semaphore(%arg8 : memref<!tpu.dma_semaphore, #tpu.memory_space<semaphore_mem>>) {add = true}
      %mul3A_40 = arith.constant 8 : i32
      %mul3A_41 = arith.muli %add3A_31, %mul3A_40 : i32
      %add3A_42 = arith.constant 1 : i32
      %add3A_43 = arith.addi %mul3A_41, %add3A_42 : i32
      %dma_start3A_44 = arith.constant 0 : i32
      %dma_start3A_45 = tpu.memref_slice %arg4[%add3A_43, %dma_start3A_44] : memref<160x128xi32, #tpu.memory_space<vmem>> -> memref<1x128xi32, #tpu.memory_space<vmem>>
      %dma_start3A_46 = tpu.memref_squeeze %dma_start3A_45 : memref<1x128xi32, #tpu.memory_space<vmem>> -> memref<128xi32, #tpu.memory_space<vmem>>
      %dma_start3A_47 = arith.constant 0 : i32
      %dma_start3A_48 = tpu.memref_slice %arg7[%dma_start3A_47] : memref<10240xf32, #tpu.memory_space<vmem_shared>> -> memref<10240xf32, #tpu.memory_space<vmem_shared>>
      tpu.enqueue_indirect_dma source(%arg5 : memref<128xf32, #tpu.memory_space<vmem>>) target(%dma_start3A_48 : memref<10240xf32, #tpu.memory_space<vmem_shared>>) offsets(%dma_start3A_46 : memref<128xi32, #tpu.memory_space<vmem>>) semaphore(%arg8 : memref<!tpu.dma_semaphore, #tpu.memory_space<semaphore_mem>>) {add = true}
      %mul3A_49 = arith.constant 8 : i32
      %mul3A_50 = arith.muli %add3A_31, %mul3A_49 : i32
      %add3A_51 = arith.constant 2 : i32
      %add3A_52 = arith.addi %mul3A_50, %add3A_51 : i32
      %dma_start3A_53 = arith.constant 0 : i32
      %dma_start3A_54 = tpu.memref_slice %arg4[%add3A_52, %dma_start3A_53] : memref<160x128xi32, #tpu.memory_space<vmem>> -> memref<1x128xi32, #tpu.memory_space<vmem>>
      %dma_start3A_55 = tpu.memref_squeeze %dma_start3A_54 : memref<1x128xi32, #tpu.memory_space<vmem>> -> memref<128xi32, #tpu.memory_space<vmem>>
      %dma_start3A_56 = arith.constant 0 : i32
      %dma_start3A_57 = tpu.memref_slice %arg7[%dma_start3A_56] : memref<10240xf32, #tpu.memory_space<vmem_shared>> -> memref<10240xf32, #tpu.memory_space<vmem_shared>>
      tpu.enqueue_indirect_dma source(%arg5 : memref<128xf32, #tpu.memory_space<vmem>>) target(%dma_start3A_57 : memref<10240xf32, #tpu.memory_space<vmem_shared>>) offsets(%dma_start3A_55 : memref<128xi32, #tpu.memory_space<vmem>>) semaphore(%arg8 : memref<!tpu.dma_semaphore, #tpu.memory_space<semaphore_mem>>) {add = true}
      %mul3A_58 = arith.constant 8 : i32
      %mul3A_59 = arith.muli %add3A_31, %mul3A_58 : i32
      %add3A_60 = arith.constant 3 : i32
      %add3A_61 = arith.addi %mul3A_59, %add3A_60 : i32
      %dma_start3A_62 = arith.constant 0 : i32
      %dma_start3A_63 = tpu.memref_slice %arg4[%add3A_61, %dma_start3A_62] : memref<160x128xi32, #tpu.memory_space<vmem>> -> memref<1x128xi32, #tpu.memory_space<vmem>>
      %dma_start3A_64 = tpu.memref_squeeze %dma_start3A_63 : memref<1x128xi32, #tpu.memory_space<vmem>> -> memref<128xi32, #tpu.memory_space<vmem>>
      %dma_start3A_65 = arith.constant 0 : i32
      %dma_start3A_66 = tpu.memref_slice %arg7[%dma_start3A_65] : memref<10240xf32, #tpu.memory_space<vmem_shared>> -> memref<10240xf32, #tpu.memory_space<vmem_shared>>
      tpu.enqueue_indirect_dma source(%arg5 : memref<128xf32, #tpu.memory_space<vmem>>) target(%dma_start3A_66 : memref<10240xf32, #tpu.memory_space<vmem_shared>>) offsets(%dma_start3A_64 : memref<128xi32, #tpu.memory_space<vmem>>) semaphore(%arg8 : memref<!tpu.dma_semaphore, #tpu.memory_space<semaphore_mem>>) {add = true}
      %mul3A_67 = arith.constant 8 : i32
      %mul3A_68 = arith.muli %add3A_31, %mul3A_67 : i32
      %add3A_69 = arith.constant 4 : i32
      %add3A_70 = arith.addi %mul3A_68, %add3A_69 : i32
      %dma_start3A_71 = arith.constant 0 : i32
      %dma_start3A_72 = tpu.memref_slice %arg4[%add3A_70, %dma_start3A_71] : memref<160x128xi32, #tpu.memory_space<vmem>> -> memref<1x128xi32, #tpu.memory_space<vmem>>
      %dma_start3A_73 = tpu.memref_squeeze %dma_start3A_72 : memref<1x128xi32, #tpu.memory_space<vmem>> -> memref<128xi32, #tpu.memory_space<vmem>>
      %dma_start3A_74 = arith.constant 0 : i32
      %dma_start3A_75 = tpu.memref_slice %arg7[%dma_start3A_74] : memref<10240xf32, #tpu.memory_space<vmem_shared>> -> memref<10240xf32, #tpu.memory_space<vmem_shared>>
      tpu.enqueue_indirect_dma source(%arg5 : memref<128xf32, #tpu.memory_space<vmem>>) target(%dma_start3A_75 : memref<10240xf32, #tpu.memory_space<vmem_shared>>) offsets(%dma_start3A_73 : memref<128xi32, #tpu.memory_space<vmem>>) semaphore(%arg8 : memref<!tpu.dma_semaphore, #tpu.memory_space<semaphore_mem>>) {add = true}
      %mul3A_76 = arith.constant 8 : i32
      %mul3A_77 = arith.muli %add3A_31, %mul3A_76 : i32
      %add3A_78 = arith.constant 5 : i32
      %add3A_79 = arith.addi %mul3A_77, %add3A_78 : i32
      %dma_start3A_80 = arith.constant 0 : i32
      %dma_start3A_81 = tpu.memref_slice %arg4[%add3A_79, %dma_start3A_80] : memref<160x128xi32, #tpu.memory_space<vmem>> -> memref<1x128xi32, #tpu.memory_space<vmem>>
      %dma_start3A_82 = tpu.memref_squeeze %dma_start3A_81 : memref<1x128xi32, #tpu.memory_space<vmem>> -> memref<128xi32, #tpu.memory_space<vmem>>
      %dma_start3A_83 = arith.constant 0 : i32
      %dma_start3A_84 = tpu.memref_slice %arg7[%dma_start3A_83] : memref<10240xf32, #tpu.memory_space<vmem_shared>> -> memref<10240xf32, #tpu.memory_space<vmem_shared>>
      tpu.enqueue_indirect_dma source(%arg5 : memref<128xf32, #tpu.memory_space<vmem>>) target(%dma_start3A_84 : memref<10240xf32, #tpu.memory_space<vmem_shared>>) offsets(%dma_start3A_82 : memref<128xi32, #tpu.memory_space<vmem>>) semaphore(%arg8 : memref<!tpu.dma_semaphore, #tpu.memory_space<semaphore_mem>>) {add = true}
      %mul3A_85 = arith.constant 8 : i32
      %mul3A_86 = arith.muli %add3A_31, %mul3A_85 : i32
      %add3A_87 = arith.constant 6 : i32
      %add3A_88 = arith.addi %mul3A_86, %add3A_87 : i32
      %dma_start3A_89 = arith.constant 0 : i32
      %dma_start3A_90 = tpu.memref_slice %arg4[%add3A_88, %dma_start3A_89] : memref<160x128xi32, #tpu.memory_space<vmem>> -> memref<1x128xi32, #tpu.memory_space<vmem>>
      %dma_start3A_91 = tpu.memref_squeeze %dma_start3A_90 : memref<1x128xi32, #tpu.memory_space<vmem>> -> memref<128xi32, #tpu.memory_space<vmem>>
      %dma_start3A_92 = arith.constant 0 : i32
      %dma_start3A_93 = tpu.memref_slice %arg7[%dma_start3A_92] : memref<10240xf32, #tpu.memory_space<vmem_shared>> -> memref<10240xf32, #tpu.memory_space<vmem_shared>>
      tpu.enqueue_indirect_dma source(%arg5 : memref<128xf32, #tpu.memory_space<vmem>>) target(%dma_start3A_93 : memref<10240xf32, #tpu.memory_space<vmem_shared>>) offsets(%dma_start3A_91 : memref<128xi32, #tpu.memory_space<vmem>>) semaphore(%arg8 : memref<!tpu.dma_semaphore, #tpu.memory_space<semaphore_mem>>) {add = true}
      %mul3A_94 = arith.constant 8 : i32
      %mul3A_95 = arith.muli %add3A_31, %mul3A_94 : i32
      %add3A_96 = arith.constant 7 : i32
      %add3A_97 = arith.addi %mul3A_95, %add3A_96 : i32
      %dma_start3A_98 = arith.constant 0 : i32
      %dma_start3A_99 = tpu.memref_slice %arg4[%add3A_97, %dma_start3A_98] : memref<160x128xi32, #tpu.memory_space<vmem>> -> memref<1x128xi32, #tpu.memory_space<vmem>>
      %dma_start3A_100 = tpu.memref_squeeze %dma_start3A_99 : memref<1x128xi32, #tpu.memory_space<vmem>> -> memref<128xi32, #tpu.memory_space<vmem>>
      %dma_start3A_101 = arith.constant 0 : i32
      %dma_start3A_102 = tpu.memref_slice %arg7[%dma_start3A_101] : memref<10240xf32, #tpu.memory_space<vmem_shared>> -> memref<10240xf32, #tpu.memory_space<vmem_shared>>
      tpu.enqueue_indirect_dma source(%arg5 : memref<128xf32, #tpu.memory_space<vmem>>) target(%dma_start3A_102 : memref<10240xf32, #tpu.memory_space<vmem_shared>>) offsets(%dma_start3A_100 : memref<128xi32, #tpu.memory_space<vmem>>) semaphore(%arg8 : memref<!tpu.dma_semaphore, #tpu.memory_space<semaphore_mem>>) {add = true}
      %dma_wait3A = arith.constant 0 : i32
      %dma_wait3A_103 = tpu.memref_slice %arg4[%add3A_35, %dma_wait3A] : memref<160x128xi32, #tpu.memory_space<vmem>> -> memref<1x128xi32, #tpu.memory_space<vmem>>
      %dma_wait3A_104 = tpu.memref_squeeze %dma_wait3A_103 : memref<1x128xi32, #tpu.memory_space<vmem>> -> memref<128xi32, #tpu.memory_space<vmem>>
      %dma_wait3A_105 = arith.constant 0 : i32
      %dma_wait3A_106 = tpu.memref_slice %arg7[%dma_wait3A_105] : memref<10240xf32, #tpu.memory_space<vmem_shared>> -> memref<10240xf32, #tpu.memory_space<vmem_shared>>
      tpu.wait_indirect_dma semaphore(%arg8 : memref<!tpu.dma_semaphore, #tpu.memory_space<semaphore_mem>>) src(%arg5 : memref<128xf32, #tpu.memory_space<vmem>>) dst(%dma_wait3A_106 : memref<10240xf32, #tpu.memory_space<vmem_shared>>)
      %dma_wait3A_107 = arith.constant 0 : i32
      %dma_wait3A_108 = tpu.memref_slice %arg4[%add3A_43, %dma_wait3A_107] : memref<160x128xi32, #tpu.memory_space<vmem>> -> memref<1x128xi32, #tpu.memory_space<vmem>>
      %dma_wait3A_109 = tpu.memref_squeeze %dma_wait3A_108 : memref<1x128xi32, #tpu.memory_space<vmem>> -> memref<128xi32, #tpu.memory_space<vmem>>
      %dma_wait3A_110 = arith.constant 0 : i32
      %dma_wait3A_111 = tpu.memref_slice %arg7[%dma_wait3A_110] : memref<10240xf32, #tpu.memory_space<vmem_shared>> -> memref<10240xf32, #tpu.memory_space<vmem_shared>>
      tpu.wait_indirect_dma semaphore(%arg8 : memref<!tpu.dma_semaphore, #tpu.memory_space<semaphore_mem>>) src(%arg5 : memref<128xf32, #tpu.memory_space<vmem>>) dst(%dma_wait3A_111 : memref<10240xf32, #tpu.memory_space<vmem_shared>>)
      %dma_wait3A_112 = arith.constant 0 : i32
      %dma_wait3A_113 = tpu.memref_slice %arg4[%add3A_52, %dma_wait3A_112] : memref<160x128xi32, #tpu.memory_space<vmem>> -> memref<1x128xi32, #tpu.memory_space<vmem>>
      %dma_wait3A_114 = tpu.memref_squeeze %dma_wait3A_113 : memref<1x128xi32, #tpu.memory_space<vmem>> -> memref<128xi32, #tpu.memory_space<vmem>>
      %dma_wait3A_115 = arith.constant 0 : i32
      %dma_wait3A_116 = tpu.memref_slice %arg7[%dma_wait3A_115] : memref<10240xf32, #tpu.memory_space<vmem_shared>> -> memref<10240xf32, #tpu.memory_space<vmem_shared>>
      tpu.wait_indirect_dma semaphore(%arg8 : memref<!tpu.dma_semaphore, #tpu.memory_space<semaphore_mem>>) src(%arg5 : memref<128xf32, #tpu.memory_space<vmem>>) dst(%dma_wait3A_116 : memref<10240xf32, #tpu.memory_space<vmem_shared>>)
      %dma_wait3A_117 = arith.constant 0 : i32
      %dma_wait3A_118 = tpu.memref_slice %arg4[%add3A_61, %dma_wait3A_117] : memref<160x128xi32, #tpu.memory_space<vmem>> -> memref<1x128xi32, #tpu.memory_space<vmem>>
      %dma_wait3A_119 = tpu.memref_squeeze %dma_wait3A_118 : memref<1x128xi32, #tpu.memory_space<vmem>> -> memref<128xi32, #tpu.memory_space<vmem>>
      %dma_wait3A_120 = arith.constant 0 : i32
      %dma_wait3A_121 = tpu.memref_slice %arg7[%dma_wait3A_120] : memref<10240xf32, #tpu.memory_space<vmem_shared>> -> memref<10240xf32, #tpu.memory_space<vmem_shared>>
      tpu.wait_indirect_dma semaphore(%arg8 : memref<!tpu.dma_semaphore, #tpu.memory_space<semaphore_mem>>) src(%arg5 : memref<128xf32, #tpu.memory_space<vmem>>) dst(%dma_wait3A_121 : memref<10240xf32, #tpu.memory_space<vmem_shared>>)
      %dma_wait3A_122 = arith.constant 0 : i32
      %dma_wait3A_123 = tpu.memref_slice %arg4[%add3A_70, %dma_wait3A_122] : memref<160x128xi32, #tpu.memory_space<vmem>> -> memref<1x128xi32, #tpu.memory_space<vmem>>
      %dma_wait3A_124 = tpu.memref_squeeze %dma_wait3A_123 : memref<1x128xi32, #tpu.memory_space<vmem>> -> memref<128xi32, #tpu.memory_space<vmem>>
      %dma_wait3A_125 = arith.constant 0 : i32
      %dma_wait3A_126 = tpu.memref_slice %arg7[%dma_wait3A_125] : memref<10240xf32, #tpu.memory_space<vmem_shared>> -> memref<10240xf32, #tpu.memory_space<vmem_shared>>
      tpu.wait_indirect_dma semaphore(%arg8 : memref<!tpu.dma_semaphore, #tpu.memory_space<semaphore_mem>>) src(%arg5 : memref<128xf32, #tpu.memory_space<vmem>>) dst(%dma_wait3A_126 : memref<10240xf32, #tpu.memory_space<vmem_shared>>)
      %dma_wait3A_127 = arith.constant 0 : i32
      %dma_wait3A_128 = tpu.memref_slice %arg4[%add3A_79, %dma_wait3A_127] : memref<160x128xi32, #tpu.memory_space<vmem>> -> memref<1x128xi32, #tpu.memory_space<vmem>>
      %dma_wait3A_129 = tpu.memref_squeeze %dma_wait3A_128 : memref<1x128xi32, #tpu.memory_space<vmem>> -> memref<128xi32, #tpu.memory_space<vmem>>
      %dma_wait3A_130 = arith.constant 0 : i32
      %dma_wait3A_131 = tpu.memref_slice %arg7[%dma_wait3A_130] : memref<10240xf32, #tpu.memory_space<vmem_shared>> -> memref<10240xf32, #tpu.memory_space<vmem_shared>>
      tpu.wait_indirect_dma semaphore(%arg8 : memref<!tpu.dma_semaphore, #tpu.memory_space<semaphore_mem>>) src(%arg5 : memref<128xf32, #tpu.memory_space<vmem>>) dst(%dma_wait3A_131 : memref<10240xf32, #tpu.memory_space<vmem_shared>>)
      %dma_wait3A_132 = arith.constant 0 : i32
      %dma_wait3A_133 = tpu.memref_slice %arg4[%add3A_88, %dma_wait3A_132] : memref<160x128xi32, #tpu.memory_space<vmem>> -> memref<1x128xi32, #tpu.memory_space<vmem>>
      %dma_wait3A_134 = tpu.memref_squeeze %dma_wait3A_133 : memref<1x128xi32, #tpu.memory_space<vmem>> -> memref<128xi32, #tpu.memory_space<vmem>>
      %dma_wait3A_135 = arith.constant 0 : i32
      %dma_wait3A_136 = tpu.memref_slice %arg7[%dma_wait3A_135] : memref<10240xf32, #tpu.memory_space<vmem_shared>> -> memref<10240xf32, #tpu.memory_space<vmem_shared>>
      tpu.wait_indirect_dma semaphore(%arg8 : memref<!tpu.dma_semaphore, #tpu.memory_space<semaphore_mem>>) src(%arg5 : memref<128xf32, #tpu.memory_space<vmem>>) dst(%dma_wait3A_136 : memref<10240xf32, #tpu.memory_space<vmem_shared>>)
      %dma_wait3A_137 = arith.constant 0 : i32
      %dma_wait3A_138 = tpu.memref_slice %arg4[%add3A_97, %dma_wait3A_137] : memref<160x128xi32, #tpu.memory_space<vmem>> -> memref<1x128xi32, #tpu.memory_space<vmem>>
      %dma_wait3A_139 = tpu.memref_squeeze %dma_wait3A_138 : memref<1x128xi32, #tpu.memory_space<vmem>> -> memref<128xi32, #tpu.memory_space<vmem>>
      %dma_wait3A_140 = arith.constant 0 : i32
      %dma_wait3A_141 = tpu.memref_slice %arg7[%dma_wait3A_140] : memref<10240xf32, #tpu.memory_space<vmem_shared>> -> memref<10240xf32, #tpu.memory_space<vmem_shared>>
      tpu.wait_indirect_dma semaphore(%arg8 : memref<!tpu.dma_semaphore, #tpu.memory_space<semaphore_mem>>) src(%arg5 : memref<128xf32, #tpu.memory_space<vmem>>) dst(%dma_wait3A_141 : memref<10240xf32, #tpu.memory_space<vmem_shared>>)
    }
    %scan3A_21 = arith.constant 20 : i32
    %barrier3A_22 = arith.constant 0 : index
    tpu.barrier barrier_id(%barrier3A_22)
    %mul3A_23 = arith.constant 640 : i32
    %mul3A_24 = arith.muli %arg1, %mul3A_23 : i32
    %mul3A_25 = arith.constant 640 : i32
    %mul3A_26 = arith.muli %arg1, %mul3A_25 : i32
    "tpu.region"() ({
      %run_scoped3A = tpu.sem_alloc : memref<!tpu.dma_semaphore, #tpu.memory_space<semaphore_mem>>
      %dma_start3A = tpu.memref_slice %arg3[%arg0, %mul3A_26] : memref<2x10240xf32, #tpu.memory_space<hbm>> -> memref<1x640xf32, #tpu.memory_space<hbm>>
      %dma_start3A_27 = tpu.memref_squeeze %dma_start3A : memref<1x640xf32, #tpu.memory_space<hbm>> -> memref<640xf32, #tpu.memory_space<hbm>>
      %dma_start3A_28 = tpu.memref_slice %arg7[%mul3A_24] : memref<10240xf32, #tpu.memory_space<vmem_shared>> -> memref<640xf32, #tpu.memory_space<vmem_shared>>
      tpu.enqueue_dma source(%dma_start3A_28 : memref<640xf32, #tpu.memory_space<vmem_shared>>) target(%dma_start3A_27 : memref<640xf32, #tpu.memory_space<hbm>>) target_semaphore(%run_scoped3A : memref<!tpu.dma_semaphore, #tpu.memory_space<semaphore_mem>>)
      %dma_wait3A = tpu.memref_slice %arg3[%arg0, %mul3A_26] : memref<2x10240xf32, #tpu.memory_space<hbm>> -> memref<1x640xf32, #tpu.memory_space<hbm>>
      %dma_wait3A_29 = tpu.memref_squeeze %dma_wait3A : memref<1x640xf32, #tpu.memory_space<hbm>> -> memref<640xf32, #tpu.memory_space<hbm>>
      %dma_wait3A_30 = tpu.memref_slice %arg7[%mul3A_24] : memref<10240xf32, #tpu.memory_space<vmem_shared>> -> memref<640xf32, #tpu.memory_space<vmem_shared>>
      tpu.wait_dma2 semaphore(%run_scoped3A : memref<!tpu.dma_semaphore, #tpu.memory_space<semaphore_mem>>) src(%dma_wait3A_30 : memref<640xf32, #tpu.memory_space<vmem_shared>>) dst(%dma_wait3A_29 : memref<640xf32, #tpu.memory_space<hbm>>)
      tpu.yield
    }) : () -> ()
    return
  }
}

#map = affine_map<(d0, d1) -> (0, 0)>
#map1 = affine_map<(d0, d1) -> (0, 0, 0)>
module attributes {stable_mosaic.version = 14 : i64} {
  func.func @agg(%arg0: i32, %arg1: i32, %arg2: memref<20000x32xf32, #tpu.memory_space<hbm>>, %arg3: memref<5120x128xi32, #tpu.memory_space<hbm>>, %arg4: memref<5120x128xi32, #tpu.memory_space<hbm>>, %arg5: memref<2x10240x32xf32, #tpu.memory_space<hbm>>, %arg6: memref<160x128xi32, #tpu.memory_space<vmem>>, %arg7: memref<160x128xi32, #tpu.memory_space<vmem>>, %arg8: memref<128x32xf32, #tpu.memory_space<vmem>>, %arg9: memref<128x32xf32, #tpu.memory_space<vmem>>, %arg10: memref<128x32xf32, #tpu.memory_space<vmem>>, %arg11: memref<128x32xf32, #tpu.memory_space<vmem>>, %arg12: memref<128x32xf32, #tpu.memory_space<vmem>>, %arg13: memref<128x32xf32, #tpu.memory_space<vmem>>, %arg14: memref<128x32xf32, #tpu.memory_space<vmem>>, %arg15: memref<128x32xf32, #tpu.memory_space<vmem>>, %arg16: memref<10240x32xf32, #tpu.memory_space<vmem_shared>>, %arg17: memref<!tpu.dma_semaphore, #tpu.memory_space<semaphore_mem>>, %arg18: memref<!tpu.dma_semaphore, #tpu.memory_space<semaphore_mem>>, %arg19: memref<!tpu.dma_semaphore, #tpu.memory_space<semaphore_mem>>, %arg20: memref<!tpu.dma_semaphore, #tpu.memory_space<semaphore_mem>>, %arg21: memref<!tpu.dma_semaphore, #tpu.memory_space<semaphore_mem>>, %arg22: memref<!tpu.dma_semaphore, #tpu.memory_space<semaphore_mem>>, %arg23: memref<!tpu.dma_semaphore, #tpu.memory_space<semaphore_mem>>, %arg24: memref<!tpu.dma_semaphore, #tpu.memory_space<semaphore_mem>>) attributes {dimension_semantics = [#tpu.dimension_semantics<core_parallel>, #tpu.dimension_semantics<subcore_parallel>], iteration_bounds = array<i64: 2, 16>, scalar_prefetch = 0 : i64, scratch_operands = 19 : i64, tpu.core_type = #tpu.core_type<sc_vector_subcore>, window_params = [{transform_indices = #map}, {transform_indices = #map}, {transform_indices = #map}, {transform_indices = #map1}]} {
    %mul3A = arith.constant 16 : i32
    %mul3A_0 = arith.muli %arg0, %mul3A : i32
    %add3A = arith.addi %mul3A_0, %arg1 : i32
    %broadcast_in_dim3A = arith.constant 0.000000e+00 : f32
    %broadcast_in_dim3A_1 = vector.broadcast %broadcast_in_dim3A : f32 to vector<16xf32>
    %scan3A = arith.constant 0 : i32
    %scan3A_2 = arith.constant 128 : i32
    %scan3A_3 = arith.addi %scan3A, %scan3A_2 : i32
    %scan3A_4 = arith.constant 1 : i32
    scf.for %scan3A_95 = %scan3A to %scan3A_3 step %scan3A_4  : i32 {
      %mul3A_96 = arith.constant 1 : i32
      %mul3A_97 = arith.muli %scan3A_95, %mul3A_96 : i32
      %add3A_98 = arith.constant 0 : i32
      %add3A_99 = arith.addi %add3A_98, %mul3A_97 : i32
      %swap3A = arith.index_cast %add3A_99 : i32 to index
      %swap3A_100 = arith.constant 0 : index
      %swap3A_101 = tpu.vector_load %arg8[%swap3A, %swap3A_100] {strides = array<i32>} : memref<128x32xf32, #tpu.memory_space<vmem>>, vector<1x16xf32>,
      %swap3A_102 = vector.shape_cast %swap3A_101 : vector<1x16xf32> to vector<16xf32>
      %swap3A_103 = vector.shape_cast %broadcast_in_dim3A_1 : vector<16xf32> to vector<1x16xf32>
      tpu.vector_store %arg8[%swap3A, %swap3A_100], %swap3A_103 {strides = array<i32>} : memref<128x32xf32, #tpu.memory_space<vmem>>, vector<1x16xf32>,
      %swap3A_104 = arith.index_cast %add3A_99 : i32 to index
      %swap3A_105 = arith.constant 16 : index
      %swap3A_106 = tpu.vector_load %arg8[%swap3A_104, %swap3A_105] {strides = array<i32>} : memref<128x32xf32, #tpu.memory_space<vmem>>, vector<1x16xf32>,
      %swap3A_107 = vector.shape_cast %swap3A_106 : vector<1x16xf32> to vector<16xf32>
      %swap3A_108 = vector.shape_cast %broadcast_in_dim3A_1 : vector<16xf32> to vector<1x16xf32>
      tpu.vector_store %arg8[%swap3A_104, %swap3A_105], %swap3A_108 {strides = array<i32>} : memref<128x32xf32, #tpu.memory_space<vmem>>, vector<1x16xf32>,
    }
    %scan3A_5 = arith.constant 128 : i32
    %mul3A_6 = arith.constant 160 : i32
    %mul3A_7 = arith.muli %add3A, %mul3A_6 : i32
    "tpu.region"() ({
      %run_scoped3A = tpu.sem_alloc : memref<!tpu.dma_semaphore, #tpu.memory_space<semaphore_mem>>
      %dma_start3A_95 = arith.constant 0 : i32
      %dma_start3A_96 = tpu.memref_slice %arg3[%mul3A_7, %dma_start3A_95] : memref<5120x128xi32, #tpu.memory_space<hbm>> -> memref<160x128xi32, #tpu.memory_space<hbm>>
      %dma_start3A_97 = arith.constant 0 : i32
      %dma_start3A_98 = tpu.memref_slice %arg3[%mul3A_7, %dma_start3A_97] : memref<5120x128xi32, #tpu.memory_space<hbm>> -> memref<160x128xi32, #tpu.memory_space<hbm>>
      tpu.enqueue_dma source(%dma_start3A_98 : memref<160x128xi32, #tpu.memory_space<hbm>>) target(%arg6 : memref<160x128xi32, #tpu.memory_space<vmem>>) target_semaphore(%run_scoped3A : memref<!tpu.dma_semaphore, #tpu.memory_space<semaphore_mem>>)
      %dma_wait3A = arith.constant 0 : i32
      %dma_wait3A_99 = tpu.memref_slice %arg3[%mul3A_7, %dma_wait3A] : memref<5120x128xi32, #tpu.memory_space<hbm>> -> memref<160x128xi32, #tpu.memory_space<hbm>>
      %dma_wait3A_100 = arith.constant 0 : i32
      %dma_wait3A_101 = tpu.memref_slice %arg3[%mul3A_7, %dma_wait3A_100] : memref<5120x128xi32, #tpu.memory_space<hbm>> -> memref<160x128xi32, #tpu.memory_space<hbm>>
      tpu.wait_dma2 semaphore(%run_scoped3A : memref<!tpu.dma_semaphore, #tpu.memory_space<semaphore_mem>>) src(%dma_wait3A_101 : memref<160x128xi32, #tpu.memory_space<hbm>>) dst(%arg6 : memref<160x128xi32, #tpu.memory_space<vmem>>)
      tpu.yield
    }) : () -> ()
    %mul3A_8 = arith.constant 160 : i32
    %mul3A_9 = arith.muli %add3A, %mul3A_8 : i32
    "tpu.region"() ({
      %run_scoped3A = tpu.sem_alloc : memref<!tpu.dma_semaphore, #tpu.memory_space<semaphore_mem>>
      %dma_start3A_95 = arith.constant 0 : i32
      %dma_start3A_96 = tpu.memref_slice %arg4[%mul3A_9, %dma_start3A_95] : memref<5120x128xi32, #tpu.memory_space<hbm>> -> memref<160x128xi32, #tpu.memory_space<hbm>>
      %dma_start3A_97 = arith.constant 0 : i32
      %dma_start3A_98 = tpu.memref_slice %arg4[%mul3A_9, %dma_start3A_97] : memref<5120x128xi32, #tpu.memory_space<hbm>> -> memref<160x128xi32, #tpu.memory_space<hbm>>
      tpu.enqueue_dma source(%dma_start3A_98 : memref<160x128xi32, #tpu.memory_space<hbm>>) target(%arg7 : memref<160x128xi32, #tpu.memory_space<vmem>>) target_semaphore(%run_scoped3A : memref<!tpu.dma_semaphore, #tpu.memory_space<semaphore_mem>>)
      %dma_wait3A = arith.constant 0 : i32
      %dma_wait3A_99 = tpu.memref_slice %arg4[%mul3A_9, %dma_wait3A] : memref<5120x128xi32, #tpu.memory_space<hbm>> -> memref<160x128xi32, #tpu.memory_space<hbm>>
      %dma_wait3A_100 = arith.constant 0 : i32
      %dma_wait3A_101 = tpu.memref_slice %arg4[%mul3A_9, %dma_wait3A_100] : memref<5120x128xi32, #tpu.memory_space<hbm>> -> memref<160x128xi32, #tpu.memory_space<hbm>>
      tpu.wait_dma2 semaphore(%run_scoped3A : memref<!tpu.dma_semaphore, #tpu.memory_space<semaphore_mem>>) src(%dma_wait3A_101 : memref<160x128xi32, #tpu.memory_space<hbm>>) dst(%arg7 : memref<160x128xi32, #tpu.memory_space<vmem>>)
      tpu.yield
    }) : () -> ()
    %mul3A_10 = arith.constant 640 : i32
    %mul3A_11 = arith.muli %arg1, %mul3A_10 : i32
    %add3A_12 = arith.constant 0 : i32
    %add3A_13 = arith.addi %mul3A_11, %add3A_12 : i32
    "tpu.region"() ({
      %run_scoped3A = tpu.sem_alloc : memref<!tpu.dma_semaphore, #tpu.memory_space<semaphore_mem>>
      %dma_start3A_95 = arith.constant 0 : i32
      %dma_start3A_96 = tpu.memref_slice %arg16[%add3A_13, %dma_start3A_95] : memref<10240x32xf32, #tpu.memory_space<vmem_shared>> -> memref<128x32xf32, #tpu.memory_space<vmem_shared>>
      %dma_start3A_97 = arith.constant 0 : i32
      %dma_start3A_98 = tpu.memref_slice %arg16[%add3A_13, %dma_start3A_97] : memref<10240x32xf32, #tpu.memory_space<vmem_shared>> -> memref<128x32xf32, #tpu.memory_space<vmem_shared>>
      tpu.enqueue_dma source(%arg8 : memref<128x32xf32, #tpu.memory_space<vmem>>) target(%dma_start3A_98 : memref<128x32xf32, #tpu.memory_space<vmem_shared>>) target_semaphore(%run_scoped3A : memref<!tpu.dma_semaphore, #tpu.memory_space<semaphore_mem>>)
      %dma_wait3A = arith.constant 0 : i32
      %dma_wait3A_99 = tpu.memref_slice %arg16[%add3A_13, %dma_wait3A] : memref<10240x32xf32, #tpu.memory_space<vmem_shared>> -> memref<128x32xf32, #tpu.memory_space<vmem_shared>>
      %dma_wait3A_100 = arith.constant 0 : i32
      %dma_wait3A_101 = tpu.memref_slice %arg16[%add3A_13, %dma_wait3A_100] : memref<10240x32xf32, #tpu.memory_space<vmem_shared>> -> memref<128x32xf32, #tpu.memory_space<vmem_shared>>
      tpu.wait_dma2 semaphore(%run_scoped3A : memref<!tpu.dma_semaphore, #tpu.memory_space<semaphore_mem>>) src(%arg8 : memref<128x32xf32, #tpu.memory_space<vmem>>) dst(%dma_wait3A_101 : memref<128x32xf32, #tpu.memory_space<vmem_shared>>)
      tpu.yield
    }) : () -> ()
    %mul3A_14 = arith.constant 640 : i32
    %mul3A_15 = arith.muli %arg1, %mul3A_14 : i32
    %add3A_16 = arith.constant 128 : i32
    %add3A_17 = arith.addi %mul3A_15, %add3A_16 : i32
    "tpu.region"() ({
      %run_scoped3A = tpu.sem_alloc : memref<!tpu.dma_semaphore, #tpu.memory_space<semaphore_mem>>
      %dma_start3A_95 = arith.constant 0 : i32
      %dma_start3A_96 = tpu.memref_slice %arg16[%add3A_17, %dma_start3A_95] : memref<10240x32xf32, #tpu.memory_space<vmem_shared>> -> memref<128x32xf32, #tpu.memory_space<vmem_shared>>
      %dma_start3A_97 = arith.constant 0 : i32
      %dma_start3A_98 = tpu.memref_slice %arg16[%add3A_17, %dma_start3A_97] : memref<10240x32xf32, #tpu.memory_space<vmem_shared>> -> memref<128x32xf32, #tpu.memory_space<vmem_shared>>
      tpu.enqueue_dma source(%arg8 : memref<128x32xf32, #tpu.memory_space<vmem>>) target(%dma_start3A_98 : memref<128x32xf32, #tpu.memory_space<vmem_shared>>) target_semaphore(%run_scoped3A : memref<!tpu.dma_semaphore, #tpu.memory_space<semaphore_mem>>)
      %dma_wait3A = arith.constant 0 : i32
      %dma_wait3A_99 = tpu.memref_slice %arg16[%add3A_17, %dma_wait3A] : memref<10240x32xf32, #tpu.memory_space<vmem_shared>> -> memref<128x32xf32, #tpu.memory_space<vmem_shared>>
      %dma_wait3A_100 = arith.constant 0 : i32
      %dma_wait3A_101 = tpu.memref_slice %arg16[%add3A_17, %dma_wait3A_100] : memref<10240x32xf32, #tpu.memory_space<vmem_shared>> -> memref<128x32xf32, #tpu.memory_space<vmem_shared>>
      tpu.wait_dma2 semaphore(%run_scoped3A : memref<!tpu.dma_semaphore, #tpu.memory_space<semaphore_mem>>) src(%arg8 : memref<128x32xf32, #tpu.memory_space<vmem>>) dst(%dma_wait3A_101 : memref<128x32xf32, #tpu.memory_space<vmem_shared>>)
      tpu.yield
    }) : () -> ()
    %mul3A_18 = arith.constant 640 : i32
    %mul3A_19 = arith.muli %arg1, %mul3A_18 : i32
    %add3A_20 = arith.constant 256 : i32
    %add3A_21 = arith.addi %mul3A_19, %add3A_20 : i32
    "tpu.region"() ({
      %run_scoped3A = tpu.sem_alloc : memref<!tpu.dma_semaphore, #tpu.memory_space<semaphore_mem>>
      %dma_start3A_95 = arith.constant 0 : i32
      %dma_start3A_96 = tpu.memref_slice %arg16[%add3A_21, %dma_start3A_95] : memref<10240x32xf32, #tpu.memory_space<vmem_shared>> -> memref<128x32xf32, #tpu.memory_space<vmem_shared>>
      %dma_start3A_97 = arith.constant 0 : i32
      %dma_start3A_98 = tpu.memref_slice %arg16[%add3A_21, %dma_start3A_97] : memref<10240x32xf32, #tpu.memory_space<vmem_shared>> -> memref<128x32xf32, #tpu.memory_space<vmem_shared>>
      tpu.enqueue_dma source(%arg8 : memref<128x32xf32, #tpu.memory_space<vmem>>) target(%dma_start3A_98 : memref<128x32xf32, #tpu.memory_space<vmem_shared>>) target_semaphore(%run_scoped3A : memref<!tpu.dma_semaphore, #tpu.memory_space<semaphore_mem>>)
      %dma_wait3A = arith.constant 0 : i32
      %dma_wait3A_99 = tpu.memref_slice %arg16[%add3A_21, %dma_wait3A] : memref<10240x32xf32, #tpu.memory_space<vmem_shared>> -> memref<128x32xf32, #tpu.memory_space<vmem_shared>>
      %dma_wait3A_100 = arith.constant 0 : i32
      %dma_wait3A_101 = tpu.memref_slice %arg16[%add3A_21, %dma_wait3A_100] : memref<10240x32xf32, #tpu.memory_space<vmem_shared>> -> memref<128x32xf32, #tpu.memory_space<vmem_shared>>
      tpu.wait_dma2 semaphore(%run_scoped3A : memref<!tpu.dma_semaphore, #tpu.memory_space<semaphore_mem>>) src(%arg8 : memref<128x32xf32, #tpu.memory_space<vmem>>) dst(%dma_wait3A_101 : memref<128x32xf32, #tpu.memory_space<vmem_shared>>)
      tpu.yield
    }) : () -> ()
    %mul3A_22 = arith.constant 640 : i32
    %mul3A_23 = arith.muli %arg1, %mul3A_22 : i32
    %add3A_24 = arith.constant 384 : i32
    %add3A_25 = arith.addi %mul3A_23, %add3A_24 : i32
    "tpu.region"() ({
      %run_scoped3A = tpu.sem_alloc : memref<!tpu.dma_semaphore, #tpu.memory_space<semaphore_mem>>
      %dma_start3A_95 = arith.constant 0 : i32
      %dma_start3A_96 = tpu.memref_slice %arg16[%add3A_25, %dma_start3A_95] : memref<10240x32xf32, #tpu.memory_space<vmem_shared>> -> memref<128x32xf32, #tpu.memory_space<vmem_shared>>
      %dma_start3A_97 = arith.constant 0 : i32
      %dma_start3A_98 = tpu.memref_slice %arg16[%add3A_25, %dma_start3A_97] : memref<10240x32xf32, #tpu.memory_space<vmem_shared>> -> memref<128x32xf32, #tpu.memory_space<vmem_shared>>
      tpu.enqueue_dma source(%arg8 : memref<128x32xf32, #tpu.memory_space<vmem>>) target(%dma_start3A_98 : memref<128x32xf32, #tpu.memory_space<vmem_shared>>) target_semaphore(%run_scoped3A : memref<!tpu.dma_semaphore, #tpu.memory_space<semaphore_mem>>)
      %dma_wait3A = arith.constant 0 : i32
      %dma_wait3A_99 = tpu.memref_slice %arg16[%add3A_25, %dma_wait3A] : memref<10240x32xf32, #tpu.memory_space<vmem_shared>> -> memref<128x32xf32, #tpu.memory_space<vmem_shared>>
      %dma_wait3A_100 = arith.constant 0 : i32
      %dma_wait3A_101 = tpu.memref_slice %arg16[%add3A_25, %dma_wait3A_100] : memref<10240x32xf32, #tpu.memory_space<vmem_shared>> -> memref<128x32xf32, #tpu.memory_space<vmem_shared>>
      tpu.wait_dma2 semaphore(%run_scoped3A : memref<!tpu.dma_semaphore, #tpu.memory_space<semaphore_mem>>) src(%arg8 : memref<128x32xf32, #tpu.memory_space<vmem>>) dst(%dma_wait3A_101 : memref<128x32xf32, #tpu.memory_space<vmem_shared>>)
      tpu.yield
    }) : () -> ()
    %mul3A_26 = arith.constant 640 : i32
    %mul3A_27 = arith.muli %arg1, %mul3A_26 : i32
    %add3A_28 = arith.constant 512 : i32
    %add3A_29 = arith.addi %mul3A_27, %add3A_28 : i32
    "tpu.region"() ({
      %run_scoped3A = tpu.sem_alloc : memref<!tpu.dma_semaphore, #tpu.memory_space<semaphore_mem>>
      %dma_start3A_95 = arith.constant 0 : i32
      %dma_start3A_96 = tpu.memref_slice %arg16[%add3A_29, %dma_start3A_95] : memref<10240x32xf32, #tpu.memory_space<vmem_shared>> -> memref<128x32xf32, #tpu.memory_space<vmem_shared>>
      %dma_start3A_97 = arith.constant 0 : i32
      %dma_start3A_98 = tpu.memref_slice %arg16[%add3A_29, %dma_start3A_97] : memref<10240x32xf32, #tpu.memory_space<vmem_shared>> -> memref<128x32xf32, #tpu.memory_space<vmem_shared>>
      tpu.enqueue_dma source(%arg8 : memref<128x32xf32, #tpu.memory_space<vmem>>) target(%dma_start3A_98 : memref<128x32xf32, #tpu.memory_space<vmem_shared>>) target_semaphore(%run_scoped3A : memref<!tpu.dma_semaphore, #tpu.memory_space<semaphore_mem>>)
      %dma_wait3A = arith.constant 0 : i32
      %dma_wait3A_99 = tpu.memref_slice %arg16[%add3A_29, %dma_wait3A] : memref<10240x32xf32, #tpu.memory_space<vmem_shared>> -> memref<128x32xf32, #tpu.memory_space<vmem_shared>>
      %dma_wait3A_100 = arith.constant 0 : i32
      %dma_wait3A_101 = tpu.memref_slice %arg16[%add3A_29, %dma_wait3A_100] : memref<10240x32xf32, #tpu.memory_space<vmem_shared>> -> memref<128x32xf32, #tpu.memory_space<vmem_shared>>
      tpu.wait_dma2 semaphore(%run_scoped3A : memref<!tpu.dma_semaphore, #tpu.memory_space<semaphore_mem>>) src(%arg8 : memref<128x32xf32, #tpu.memory_space<vmem>>) dst(%dma_wait3A_101 : memref<128x32xf32, #tpu.memory_space<vmem_shared>>)
      tpu.yield
    }) : () -> ()
    %barrier3A = arith.constant 0 : index
    tpu.barrier barrier_id(%barrier3A)
    %dma_start3A = arith.constant 0 : i32
    %dma_start3A_30 = arith.constant 0 : i32
    %dma_start3A_31 = tpu.memref_slice %arg6[%dma_start3A, %dma_start3A_30] : memref<160x128xi32, #tpu.memory_space<vmem>> -> memref<1x128xi32, #tpu.memory_space<vmem>>
    %dma_start3A_32 = tpu.memref_squeeze %dma_start3A_31 : memref<1x128xi32, #tpu.memory_space<vmem>> -> memref<128xi32, #tpu.memory_space<vmem>>
    %dma_start3A_33 = arith.constant 0 : i32
    %dma_start3A_34 = arith.constant 0 : i32
    %dma_start3A_35 = tpu.memref_slice %arg2[%dma_start3A_33, %dma_start3A_34] : memref<20000x32xf32, #tpu.memory_space<hbm>> -> memref<20000x32xf32, #tpu.memory_space<hbm>>
    tpu.enqueue_indirect_dma source(%dma_start3A_35 : memref<20000x32xf32, #tpu.memory_space<hbm>>) target(%arg8 : memref<128x32xf32, #tpu.memory_space<vmem>>) offsets(%dma_start3A_32 : memref<128xi32, #tpu.memory_space<vmem>>) semaphore(%arg17 : memref<!tpu.dma_semaphore, #tpu.memory_space<semaphore_mem>>)
    %dma_start3A_36 = arith.constant 1 : i32
    %dma_start3A_37 = arith.constant 0 : i32
    %dma_start3A_38 = tpu.memref_slice %arg6[%dma_start3A_36, %dma_start3A_37] : memref<160x128xi32, #tpu.memory_space<vmem>> -> memref<1x128xi32, #tpu.memory_space<vmem>>
    %dma_start3A_39 = tpu.memref_squeeze %dma_start3A_38 : memref<1x128xi32, #tpu.memory_space<vmem>> -> memref<128xi32, #tpu.memory_space<vmem>>
    %dma_start3A_40 = arith.constant 0 : i32
    %dma_start3A_41 = arith.constant 0 : i32
    %dma_start3A_42 = tpu.memref_slice %arg2[%dma_start3A_40, %dma_start3A_41] : memref<20000x32xf32, #tpu.memory_space<hbm>> -> memref<20000x32xf32, #tpu.memory_space<hbm>>
    tpu.enqueue_indirect_dma source(%dma_start3A_42 : memref<20000x32xf32, #tpu.memory_space<hbm>>) target(%arg9 : memref<128x32xf32, #tpu.memory_space<vmem>>) offsets(%dma_start3A_39 : memref<128xi32, #tpu.memory_space<vmem>>) semaphore(%arg18 : memref<!tpu.dma_semaphore, #tpu.memory_space<semaphore_mem>>)
    %dma_start3A_43 = arith.constant 2 : i32
    %dma_start3A_44 = arith.constant 0 : i32
    %dma_start3A_45 = tpu.memref_slice %arg6[%dma_start3A_43, %dma_start3A_44] : memref<160x128xi32, #tpu.memory_space<vmem>> -> memref<1x128xi32, #tpu.memory_space<vmem>>
    %dma_start3A_46 = tpu.memref_squeeze %dma_start3A_45 : memref<1x128xi32, #tpu.memory_space<vmem>> -> memref<128xi32, #tpu.memory_space<vmem>>
    %dma_start3A_47 = arith.constant 0 : i32
    %dma_start3A_48 = arith.constant 0 : i32
    %dma_start3A_49 = tpu.memref_slice %arg2[%dma_start3A_47, %dma_start3A_48] : memref<20000x32xf32, #tpu.memory_space<hbm>> -> memref<20000x32xf32, #tpu.memory_space<hbm>>
    tpu.enqueue_indirect_dma source(%dma_start3A_49 : memref<20000x32xf32, #tpu.memory_space<hbm>>) target(%arg10 : memref<128x32xf32, #tpu.memory_space<vmem>>) offsets(%dma_start3A_46 : memref<128xi32, #tpu.memory_space<vmem>>) semaphore(%arg19 : memref<!tpu.dma_semaphore, #tpu.memory_space<semaphore_mem>>)
    %dma_start3A_50 = arith.constant 3 : i32
    %dma_start3A_51 = arith.constant 0 : i32
    %dma_start3A_52 = tpu.memref_slice %arg6[%dma_start3A_50, %dma_start3A_51] : memref<160x128xi32, #tpu.memory_space<vmem>> -> memref<1x128xi32, #tpu.memory_space<vmem>>
    %dma_start3A_53 = tpu.memref_squeeze %dma_start3A_52 : memref<1x128xi32, #tpu.memory_space<vmem>> -> memref<128xi32, #tpu.memory_space<vmem>>
    %dma_start3A_54 = arith.constant 0 : i32
    %dma_start3A_55 = arith.constant 0 : i32
    %dma_start3A_56 = tpu.memref_slice %arg2[%dma_start3A_54, %dma_start3A_55] : memref<20000x32xf32, #tpu.memory_space<hbm>> -> memref<20000x32xf32, #tpu.memory_space<hbm>>
    tpu.enqueue_indirect_dma source(%dma_start3A_56 : memref<20000x32xf32, #tpu.memory_space<hbm>>) target(%arg11 : memref<128x32xf32, #tpu.memory_space<vmem>>) offsets(%dma_start3A_53 : memref<128xi32, #tpu.memory_space<vmem>>) semaphore(%arg20 : memref<!tpu.dma_semaphore, #tpu.memory_space<semaphore_mem>>)
    %dma_start3A_57 = arith.constant 4 : i32
    %dma_start3A_58 = arith.constant 0 : i32
    %dma_start3A_59 = tpu.memref_slice %arg6[%dma_start3A_57, %dma_start3A_58] : memref<160x128xi32, #tpu.memory_space<vmem>> -> memref<1x128xi32, #tpu.memory_space<vmem>>
    %dma_start3A_60 = tpu.memref_squeeze %dma_start3A_59 : memref<1x128xi32, #tpu.memory_space<vmem>> -> memref<128xi32, #tpu.memory_space<vmem>>
    %dma_start3A_61 = arith.constant 0 : i32
    %dma_start3A_62 = arith.constant 0 : i32
    %dma_start3A_63 = tpu.memref_slice %arg2[%dma_start3A_61, %dma_start3A_62] : memref<20000x32xf32, #tpu.memory_space<hbm>> -> memref<20000x32xf32, #tpu.memory_space<hbm>>
    tpu.enqueue_indirect_dma source(%dma_start3A_63 : memref<20000x32xf32, #tpu.memory_space<hbm>>) target(%arg12 : memref<128x32xf32, #tpu.memory_space<vmem>>) offsets(%dma_start3A_60 : memref<128xi32, #tpu.memory_space<vmem>>) semaphore(%arg21 : memref<!tpu.dma_semaphore, #tpu.memory_space<semaphore_mem>>)
    %dma_start3A_64 = arith.constant 5 : i32
    %dma_start3A_65 = arith.constant 0 : i32
    %dma_start3A_66 = tpu.memref_slice %arg6[%dma_start3A_64, %dma_start3A_65] : memref<160x128xi32, #tpu.memory_space<vmem>> -> memref<1x128xi32, #tpu.memory_space<vmem>>
    %dma_start3A_67 = tpu.memref_squeeze %dma_start3A_66 : memref<1x128xi32, #tpu.memory_space<vmem>> -> memref<128xi32, #tpu.memory_space<vmem>>
    %dma_start3A_68 = arith.constant 0 : i32
    %dma_start3A_69 = arith.constant 0 : i32
    %dma_start3A_70 = tpu.memref_slice %arg2[%dma_start3A_68, %dma_start3A_69] : memref<20000x32xf32, #tpu.memory_space<hbm>> -> memref<20000x32xf32, #tpu.memory_space<hbm>>
    tpu.enqueue_indirect_dma source(%dma_start3A_70 : memref<20000x32xf32, #tpu.memory_space<hbm>>) target(%arg13 : memref<128x32xf32, #tpu.memory_space<vmem>>) offsets(%dma_start3A_67 : memref<128xi32, #tpu.memory_space<vmem>>) semaphore(%arg22 : memref<!tpu.dma_semaphore, #tpu.memory_space<semaphore_mem>>)
    %dma_start3A_71 = arith.constant 6 : i32
    %dma_start3A_72 = arith.constant 0 : i32
    %dma_start3A_73 = tpu.memref_slice %arg6[%dma_start3A_71, %dma_start3A_72] : memref<160x128xi32, #tpu.memory_space<vmem>> -> memref<1x128xi32, #tpu.memory_space<vmem>>
    %dma_start3A_74 = tpu.memref_squeeze %dma_start3A_73 : memref<1x128xi32, #tpu.memory_space<vmem>> -> memref<128xi32, #tpu.memory_space<vmem>>
    %dma_start3A_75 = arith.constant 0 : i32
    %dma_start3A_76 = arith.constant 0 : i32
    %dma_start3A_77 = tpu.memref_slice %arg2[%dma_start3A_75, %dma_start3A_76] : memref<20000x32xf32, #tpu.memory_space<hbm>> -> memref<20000x32xf32, #tpu.memory_space<hbm>>
    tpu.enqueue_indirect_dma source(%dma_start3A_77 : memref<20000x32xf32, #tpu.memory_space<hbm>>) target(%arg14 : memref<128x32xf32, #tpu.memory_space<vmem>>) offsets(%dma_start3A_74 : memref<128xi32, #tpu.memory_space<vmem>>) semaphore(%arg23 : memref<!tpu.dma_semaphore, #tpu.memory_space<semaphore_mem>>)
    %dma_start3A_78 = arith.constant 7 : i32
    %dma_start3A_79 = arith.constant 0 : i32
    %dma_start3A_80 = tpu.memref_slice %arg6[%dma_start3A_78, %dma_start3A_79] : memref<160x128xi32, #tpu.memory_space<vmem>> -> memref<1x128xi32, #tpu.memory_space<vmem>>
    %dma_start3A_81 = tpu.memref_squeeze %dma_start3A_80 : memref<1x128xi32, #tpu.memory_space<vmem>> -> memref<128xi32, #tpu.memory_space<vmem>>
    %dma_start3A_82 = arith.constant 0 : i32
    %dma_start3A_83 = arith.constant 0 : i32
    %dma_start3A_84 = tpu.memref_slice %arg2[%dma_start3A_82, %dma_start3A_83] : memref<20000x32xf32, #tpu.memory_space<hbm>> -> memref<20000x32xf32, #tpu.memory_space<hbm>>
    tpu.enqueue_indirect_dma source(%dma_start3A_84 : memref<20000x32xf32, #tpu.memory_space<hbm>>) target(%arg15 : memref<128x32xf32, #tpu.memory_space<vmem>>) offsets(%dma_start3A_81 : memref<128xi32, #tpu.memory_space<vmem>>) semaphore(%arg24 : memref<!tpu.dma_semaphore, #tpu.memory_space<semaphore_mem>>)
    %scan3A_85 = arith.constant 0 : i32
    %scan3A_86 = arith.constant 20 : i32
    %scan3A_87 = arith.addi %scan3A_85, %scan3A_86 : i32
    %scan3A_88 = arith.constant 1 : i32
    scf.for %scan3A_95 = %scan3A_85 to %scan3A_87 step %scan3A_88  : i32 {
      %mul3A_96 = arith.constant 1 : i32
      %mul3A_97 = arith.muli %scan3A_95, %mul3A_96 : i32
      %add3A_98 = arith.constant 0 : i32
      %add3A_99 = arith.addi %add3A_98, %mul3A_97 : i32
      %mul3A_100 = arith.constant 8 : i32
      %mul3A_101 = arith.muli %add3A_99, %mul3A_100 : i32
      %add3A_102 = arith.constant 0 : i32
      %add3A_103 = arith.addi %mul3A_101, %add3A_102 : i32
      %dma_wait3A = arith.constant 0 : i32
      %dma_wait3A_104 = arith.constant 0 : i32
      %dma_wait3A_105 = tpu.memref_slice %arg2[%dma_wait3A, %dma_wait3A_104] : memref<20000x32xf32, #tpu.memory_space<hbm>> -> memref<128x32xf32, #tpu.memory_space<hbm>>
      %dma_wait3A_106 = arith.constant 0 : i32
      %dma_wait3A_107 = arith.constant 0 : i32
      %dma_wait3A_108 = tpu.memref_slice %arg2[%dma_wait3A_106, %dma_wait3A_107] : memref<20000x32xf32, #tpu.memory_space<hbm>> -> memref<128x32xf32, #tpu.memory_space<hbm>>
      tpu.wait_dma2 semaphore(%arg17 : memref<!tpu.dma_semaphore, #tpu.memory_space<semaphore_mem>>) src(%dma_wait3A_108 : memref<128x32xf32, #tpu.memory_space<hbm>>) dst(%arg8 : memref<128x32xf32, #tpu.memory_space<vmem>>)
      "tpu.region"() ({
        %run_scoped3A = tpu.sem_alloc : memref<!tpu.dma_semaphore, #tpu.memory_space<semaphore_mem>>
        %dma_start3A_232 = arith.constant 0 : i32
        %dma_start3A_233 = tpu.memref_slice %arg7[%add3A_103, %dma_start3A_232] : memref<160x128xi32, #tpu.memory_space<vmem>> -> memref<1x128xi32, #tpu.memory_space<vmem>>
        %dma_start3A_234 = tpu.memref_squeeze %dma_start3A_233 : memref<1x128xi32, #tpu.memory_space<vmem>> -> memref<128xi32, #tpu.memory_space<vmem>>
        %dma_start3A_235 = arith.constant 0 : i32
        %dma_start3A_236 = arith.constant 0 : i32
        %dma_start3A_237 = tpu.memref_slice %arg16[%dma_start3A_235, %dma_start3A_236] : memref<10240x32xf32, #tpu.memory_space<vmem_shared>> -> memref<10240x32xf32, #tpu.memory_space<vmem_shared>>
        tpu.enqueue_indirect_dma source(%arg8 : memref<128x32xf32, #tpu.memory_space<vmem>>) target(%dma_start3A_237 : memref<10240x32xf32, #tpu.memory_space<vmem_shared>>) offsets(%dma_start3A_234 : memref<128xi32, #tpu.memory_space<vmem>>) semaphore(%run_scoped3A : memref<!tpu.dma_semaphore, #tpu.memory_space<semaphore_mem>>) {add = true}
        %dma_wait3A_238 = arith.constant 0 : i32
        %dma_wait3A_239 = tpu.memref_slice %arg7[%add3A_103, %dma_wait3A_238] : memref<160x128xi32, #tpu.memory_space<vmem>> -> memref<1x128xi32, #tpu.memory_space<vmem>>
        %dma_wait3A_240 = tpu.memref_squeeze %dma_wait3A_239 : memref<1x128xi32, #tpu.memory_space<vmem>> -> memref<128xi32, #tpu.memory_space<vmem>>
        %dma_wait3A_241 = arith.constant 0 : i32
        %dma_wait3A_242 = arith.constant 0 : i32
        %dma_wait3A_243 = tpu.memref_slice %arg16[%dma_wait3A_241, %dma_wait3A_242] : memref<10240x32xf32, #tpu.memory_space<vmem_shared>> -> memref<10240x32xf32, #tpu.memory_space<vmem_shared>>
        tpu.wait_indirect_dma semaphore(%run_scoped3A : memref<!tpu.dma_semaphore, #tpu.memory_space<semaphore_mem>>) src(%arg8 : memref<128x32xf32, #tpu.memory_space<vmem>>) dst(%dma_wait3A_243 : memref<10240x32xf32, #tpu.memory_space<vmem_shared>>)
        tpu.yield
      }) : () -> ()
      %add3A_109 = arith.constant 8 : i32
      %add3A_110 = arith.addi %add3A_103, %add3A_109 : i32
      %lt3A = arith.constant 160 : i32
      %lt3A_111 = arith.cmpi slt, %add3A_110, %lt3A : i32
      %convert_element_type3A = arith.extui %lt3A_111 : i1 to i32
      %cond3A = arith.constant 0 : i32
      %cond3A_112 = arith.cmpi ne, %convert_element_type3A, %cond3A : i32
      scf.if %cond3A_112 {
        %add3A_232 = arith.constant 8 : i32
        %add3A_233 = arith.addi %add3A_103, %add3A_232 : i32
        %dma_start3A_234 = arith.constant 0 : i32
        %dma_start3A_235 = tpu.memref_slice %arg6[%add3A_233, %dma_start3A_234] : memref<160x128xi32, #tpu.memory_space<vmem>> -> memref<1x128xi32, #tpu.memory_space<vmem>>
        %dma_start3A_236 = tpu.memref_squeeze %dma_start3A_235 : memref<1x128xi32, #tpu.memory_space<vmem>> -> memref<128xi32, #tpu.memory_space<vmem>>
        %dma_start3A_237 = arith.constant 0 : i32
        %dma_start3A_238 = arith.constant 0 : i32
        %dma_start3A_239 = tpu.memref_slice %arg2[%dma_start3A_237, %dma_start3A_238] : memref<20000x32xf32, #tpu.memory_space<hbm>> -> memref<20000x32xf32, #tpu.memory_space<hbm>>
        tpu.enqueue_indirect_dma source(%dma_start3A_239 : memref<20000x32xf32, #tpu.memory_space<hbm>>) target(%arg8 : memref<128x32xf32, #tpu.memory_space<vmem>>) offsets(%dma_start3A_236 : memref<128xi32, #tpu.memory_space<vmem>>) semaphore(%arg17 : memref<!tpu.dma_semaphore, #tpu.memory_space<semaphore_mem>>)
      } else {
      }
      %mul3A_113 = arith.constant 8 : i32
      %mul3A_114 = arith.muli %add3A_99, %mul3A_113 : i32
      %add3A_115 = arith.constant 1 : i32
      %add3A_116 = arith.addi %mul3A_114, %add3A_115 : i32
      %dma_wait3A_117 = arith.constant 0 : i32
      %dma_wait3A_118 = arith.constant 0 : i32
      %dma_wait3A_119 = tpu.memref_slice %arg2[%dma_wait3A_117, %dma_wait3A_118] : memref<20000x32xf32, #tpu.memory_space<hbm>> -> memref<128x32xf32, #tpu.memory_space<hbm>>
      %dma_wait3A_120 = arith.constant 0 : i32
      %dma_wait3A_121 = arith.constant 0 : i32
      %dma_wait3A_122 = tpu.memref_slice %arg2[%dma_wait3A_120, %dma_wait3A_121] : memref<20000x32xf32, #tpu.memory_space<hbm>> -> memref<128x32xf32, #tpu.memory_space<hbm>>
      tpu.wait_dma2 semaphore(%arg18 : memref<!tpu.dma_semaphore, #tpu.memory_space<semaphore_mem>>) src(%dma_wait3A_122 : memref<128x32xf32, #tpu.memory_space<hbm>>) dst(%arg9 : memref<128x32xf32, #tpu.memory_space<vmem>>)
      "tpu.region"() ({
        %run_scoped3A = tpu.sem_alloc : memref<!tpu.dma_semaphore, #tpu.memory_space<semaphore_mem>>
        %dma_start3A_232 = arith.constant 0 : i32
        %dma_start3A_233 = tpu.memref_slice %arg7[%add3A_116, %dma_start3A_232] : memref<160x128xi32, #tpu.memory_space<vmem>> -> memref<1x128xi32, #tpu.memory_space<vmem>>
        %dma_start3A_234 = tpu.memref_squeeze %dma_start3A_233 : memref<1x128xi32, #tpu.memory_space<vmem>> -> memref<128xi32, #tpu.memory_space<vmem>>
        %dma_start3A_235 = arith.constant 0 : i32
        %dma_start3A_236 = arith.constant 0 : i32
        %dma_start3A_237 = tpu.memref_slice %arg16[%dma_start3A_235, %dma_start3A_236] : memref<10240x32xf32, #tpu.memory_space<vmem_shared>> -> memref<10240x32xf32, #tpu.memory_space<vmem_shared>>
        tpu.enqueue_indirect_dma source(%arg9 : memref<128x32xf32, #tpu.memory_space<vmem>>) target(%dma_start3A_237 : memref<10240x32xf32, #tpu.memory_space<vmem_shared>>) offsets(%dma_start3A_234 : memref<128xi32, #tpu.memory_space<vmem>>) semaphore(%run_scoped3A : memref<!tpu.dma_semaphore, #tpu.memory_space<semaphore_mem>>) {add = true}
        %dma_wait3A_238 = arith.constant 0 : i32
        %dma_wait3A_239 = tpu.memref_slice %arg7[%add3A_116, %dma_wait3A_238] : memref<160x128xi32, #tpu.memory_space<vmem>> -> memref<1x128xi32, #tpu.memory_space<vmem>>
        %dma_wait3A_240 = tpu.memref_squeeze %dma_wait3A_239 : memref<1x128xi32, #tpu.memory_space<vmem>> -> memref<128xi32, #tpu.memory_space<vmem>>
        %dma_wait3A_241 = arith.constant 0 : i32
        %dma_wait3A_242 = arith.constant 0 : i32
        %dma_wait3A_243 = tpu.memref_slice %arg16[%dma_wait3A_241, %dma_wait3A_242] : memref<10240x32xf32, #tpu.memory_space<vmem_shared>> -> memref<10240x32xf32, #tpu.memory_space<vmem_shared>>
        tpu.wait_indirect_dma semaphore(%run_scoped3A : memref<!tpu.dma_semaphore, #tpu.memory_space<semaphore_mem>>) src(%arg9 : memref<128x32xf32, #tpu.memory_space<vmem>>) dst(%dma_wait3A_243 : memref<10240x32xf32, #tpu.memory_space<vmem_shared>>)
        tpu.yield
      }) : () -> ()
      %add3A_123 = arith.constant 8 : i32
      %add3A_124 = arith.addi %add3A_116, %add3A_123 : i32
      %lt3A_125 = arith.constant 160 : i32
      %lt3A_126 = arith.cmpi slt, %add3A_124, %lt3A_125 : i32
      %convert_element_type3A_127 = arith.extui %lt3A_126 : i1 to i32
      %cond3A_128 = arith.constant 0 : i32
      %cond3A_129 = arith.cmpi ne, %convert_element_type3A_127, %cond3A_128 : i32
      scf.if %cond3A_129 {
        %add3A_232 = arith.constant 8 : i32
        %add3A_233 = arith.addi %add3A_116, %add3A_232 : i32
        %dma_start3A_234 = arith.constant 0 : i32
        %dma_start3A_235 = tpu.memref_slice %arg6[%add3A_233, %dma_start3A_234] : memref<160x128xi32, #tpu.memory_space<vmem>> -> memref<1x128xi32, #tpu.memory_space<vmem>>
        %dma_start3A_236 = tpu.memref_squeeze %dma_start3A_235 : memref<1x128xi32, #tpu.memory_space<vmem>> -> memref<128xi32, #tpu.memory_space<vmem>>
        %dma_start3A_237 = arith.constant 0 : i32
        %dma_start3A_238 = arith.constant 0 : i32
        %dma_start3A_239 = tpu.memref_slice %arg2[%dma_start3A_237, %dma_start3A_238] : memref<20000x32xf32, #tpu.memory_space<hbm>> -> memref<20000x32xf32, #tpu.memory_space<hbm>>
        tpu.enqueue_indirect_dma source(%dma_start3A_239 : memref<20000x32xf32, #tpu.memory_space<hbm>>) target(%arg9 : memref<128x32xf32, #tpu.memory_space<vmem>>) offsets(%dma_start3A_236 : memref<128xi32, #tpu.memory_space<vmem>>) semaphore(%arg18 : memref<!tpu.dma_semaphore, #tpu.memory_space<semaphore_mem>>)
      } else {
      }
      %mul3A_130 = arith.constant 8 : i32
      %mul3A_131 = arith.muli %add3A_99, %mul3A_130 : i32
      %add3A_132 = arith.constant 2 : i32
      %add3A_133 = arith.addi %mul3A_131, %add3A_132 : i32
      %dma_wait3A_134 = arith.constant 0 : i32
      %dma_wait3A_135 = arith.constant 0 : i32
      %dma_wait3A_136 = tpu.memref_slice %arg2[%dma_wait3A_134, %dma_wait3A_135] : memref<20000x32xf32, #tpu.memory_space<hbm>> -> memref<128x32xf32, #tpu.memory_space<hbm>>
      %dma_wait3A_137 = arith.constant 0 : i32
      %dma_wait3A_138 = arith.constant 0 : i32
      %dma_wait3A_139 = tpu.memref_slice %arg2[%dma_wait3A_137, %dma_wait3A_138] : memref<20000x32xf32, #tpu.memory_space<hbm>> -> memref<128x32xf32, #tpu.memory_space<hbm>>
      tpu.wait_dma2 semaphore(%arg19 : memref<!tpu.dma_semaphore, #tpu.memory_space<semaphore_mem>>) src(%dma_wait3A_139 : memref<128x32xf32, #tpu.memory_space<hbm>>) dst(%arg10 : memref<128x32xf32, #tpu.memory_space<vmem>>)
      "tpu.region"() ({
        %run_scoped3A = tpu.sem_alloc : memref<!tpu.dma_semaphore, #tpu.memory_space<semaphore_mem>>
        %dma_start3A_232 = arith.constant 0 : i32
        %dma_start3A_233 = tpu.memref_slice %arg7[%add3A_133, %dma_start3A_232] : memref<160x128xi32, #tpu.memory_space<vmem>> -> memref<1x128xi32, #tpu.memory_space<vmem>>
        %dma_start3A_234 = tpu.memref_squeeze %dma_start3A_233 : memref<1x128xi32, #tpu.memory_space<vmem>> -> memref<128xi32, #tpu.memory_space<vmem>>
        %dma_start3A_235 = arith.constant 0 : i32
        %dma_start3A_236 = arith.constant 0 : i32
        %dma_start3A_237 = tpu.memref_slice %arg16[%dma_start3A_235, %dma_start3A_236] : memref<10240x32xf32, #tpu.memory_space<vmem_shared>> -> memref<10240x32xf32, #tpu.memory_space<vmem_shared>>
        tpu.enqueue_indirect_dma source(%arg10 : memref<128x32xf32, #tpu.memory_space<vmem>>) target(%dma_start3A_237 : memref<10240x32xf32, #tpu.memory_space<vmem_shared>>) offsets(%dma_start3A_234 : memref<128xi32, #tpu.memory_space<vmem>>) semaphore(%run_scoped3A : memref<!tpu.dma_semaphore, #tpu.memory_space<semaphore_mem>>) {add = true}
        %dma_wait3A_238 = arith.constant 0 : i32
        %dma_wait3A_239 = tpu.memref_slice %arg7[%add3A_133, %dma_wait3A_238] : memref<160x128xi32, #tpu.memory_space<vmem>> -> memref<1x128xi32, #tpu.memory_space<vmem>>
        %dma_wait3A_240 = tpu.memref_squeeze %dma_wait3A_239 : memref<1x128xi32, #tpu.memory_space<vmem>> -> memref<128xi32, #tpu.memory_space<vmem>>
        %dma_wait3A_241 = arith.constant 0 : i32
        %dma_wait3A_242 = arith.constant 0 : i32
        %dma_wait3A_243 = tpu.memref_slice %arg16[%dma_wait3A_241, %dma_wait3A_242] : memref<10240x32xf32, #tpu.memory_space<vmem_shared>> -> memref<10240x32xf32, #tpu.memory_space<vmem_shared>>
        tpu.wait_indirect_dma semaphore(%run_scoped3A : memref<!tpu.dma_semaphore, #tpu.memory_space<semaphore_mem>>) src(%arg10 : memref<128x32xf32, #tpu.memory_space<vmem>>) dst(%dma_wait3A_243 : memref<10240x32xf32, #tpu.memory_space<vmem_shared>>)
        tpu.yield
      }) : () -> ()
      %add3A_140 = arith.constant 8 : i32
      %add3A_141 = arith.addi %add3A_133, %add3A_140 : i32
      %lt3A_142 = arith.constant 160 : i32
      %lt3A_143 = arith.cmpi slt, %add3A_141, %lt3A_142 : i32
      %convert_element_type3A_144 = arith.extui %lt3A_143 : i1 to i32
      %cond3A_145 = arith.constant 0 : i32
      %cond3A_146 = arith.cmpi ne, %convert_element_type3A_144, %cond3A_145 : i32
      scf.if %cond3A_146 {
        %add3A_232 = arith.constant 8 : i32
        %add3A_233 = arith.addi %add3A_133, %add3A_232 : i32
        %dma_start3A_234 = arith.constant 0 : i32
        %dma_start3A_235 = tpu.memref_slice %arg6[%add3A_233, %dma_start3A_234] : memref<160x128xi32, #tpu.memory_space<vmem>> -> memref<1x128xi32, #tpu.memory_space<vmem>>
        %dma_start3A_236 = tpu.memref_squeeze %dma_start3A_235 : memref<1x128xi32, #tpu.memory_space<vmem>> -> memref<128xi32, #tpu.memory_space<vmem>>
        %dma_start3A_237 = arith.constant 0 : i32
        %dma_start3A_238 = arith.constant 0 : i32
        %dma_start3A_239 = tpu.memref_slice %arg2[%dma_start3A_237, %dma_start3A_238] : memref<20000x32xf32, #tpu.memory_space<hbm>> -> memref<20000x32xf32, #tpu.memory_space<hbm>>
        tpu.enqueue_indirect_dma source(%dma_start3A_239 : memref<20000x32xf32, #tpu.memory_space<hbm>>) target(%arg10 : memref<128x32xf32, #tpu.memory_space<vmem>>) offsets(%dma_start3A_236 : memref<128xi32, #tpu.memory_space<vmem>>) semaphore(%arg19 : memref<!tpu.dma_semaphore, #tpu.memory_space<semaphore_mem>>)
      } else {
      }
      %mul3A_147 = arith.constant 8 : i32
      %mul3A_148 = arith.muli %add3A_99, %mul3A_147 : i32
      %add3A_149 = arith.constant 3 : i32
      %add3A_150 = arith.addi %mul3A_148, %add3A_149 : i32
      %dma_wait3A_151 = arith.constant 0 : i32
      %dma_wait3A_152 = arith.constant 0 : i32
      %dma_wait3A_153 = tpu.memref_slice %arg2[%dma_wait3A_151, %dma_wait3A_152] : memref<20000x32xf32, #tpu.memory_space<hbm>> -> memref<128x32xf32, #tpu.memory_space<hbm>>
      %dma_wait3A_154 = arith.constant 0 : i32
      %dma_wait3A_155 = arith.constant 0 : i32
      %dma_wait3A_156 = tpu.memref_slice %arg2[%dma_wait3A_154, %dma_wait3A_155] : memref<20000x32xf32, #tpu.memory_space<hbm>> -> memref<128x32xf32, #tpu.memory_space<hbm>>
      tpu.wait_dma2 semaphore(%arg20 : memref<!tpu.dma_semaphore, #tpu.memory_space<semaphore_mem>>) src(%dma_wait3A_156 : memref<128x32xf32, #tpu.memory_space<hbm>>) dst(%arg11 : memref<128x32xf32, #tpu.memory_space<vmem>>)
      "tpu.region"() ({
        %run_scoped3A = tpu.sem_alloc : memref<!tpu.dma_semaphore, #tpu.memory_space<semaphore_mem>>
        %dma_start3A_232 = arith.constant 0 : i32
        %dma_start3A_233 = tpu.memref_slice %arg7[%add3A_150, %dma_start3A_232] : memref<160x128xi32, #tpu.memory_space<vmem>> -> memref<1x128xi32, #tpu.memory_space<vmem>>
        %dma_start3A_234 = tpu.memref_squeeze %dma_start3A_233 : memref<1x128xi32, #tpu.memory_space<vmem>> -> memref<128xi32, #tpu.memory_space<vmem>>
        %dma_start3A_235 = arith.constant 0 : i32
        %dma_start3A_236 = arith.constant 0 : i32
        %dma_start3A_237 = tpu.memref_slice %arg16[%dma_start3A_235, %dma_start3A_236] : memref<10240x32xf32, #tpu.memory_space<vmem_shared>> -> memref<10240x32xf32, #tpu.memory_space<vmem_shared>>
        tpu.enqueue_indirect_dma source(%arg11 : memref<128x32xf32, #tpu.memory_space<vmem>>) target(%dma_start3A_237 : memref<10240x32xf32, #tpu.memory_space<vmem_shared>>) offsets(%dma_start3A_234 : memref<128xi32, #tpu.memory_space<vmem>>) semaphore(%run_scoped3A : memref<!tpu.dma_semaphore, #tpu.memory_space<semaphore_mem>>) {add = true}
        %dma_wait3A_238 = arith.constant 0 : i32
        %dma_wait3A_239 = tpu.memref_slice %arg7[%add3A_150, %dma_wait3A_238] : memref<160x128xi32, #tpu.memory_space<vmem>> -> memref<1x128xi32, #tpu.memory_space<vmem>>
        %dma_wait3A_240 = tpu.memref_squeeze %dma_wait3A_239 : memref<1x128xi32, #tpu.memory_space<vmem>> -> memref<128xi32, #tpu.memory_space<vmem>>
        %dma_wait3A_241 = arith.constant 0 : i32
        %dma_wait3A_242 = arith.constant 0 : i32
        %dma_wait3A_243 = tpu.memref_slice %arg16[%dma_wait3A_241, %dma_wait3A_242] : memref<10240x32xf32, #tpu.memory_space<vmem_shared>> -> memref<10240x32xf32, #tpu.memory_space<vmem_shared>>
        tpu.wait_indirect_dma semaphore(%run_scoped3A : memref<!tpu.dma_semaphore, #tpu.memory_space<semaphore_mem>>) src(%arg11 : memref<128x32xf32, #tpu.memory_space<vmem>>) dst(%dma_wait3A_243 : memref<10240x32xf32, #tpu.memory_space<vmem_shared>>)
        tpu.yield
      }) : () -> ()
      %add3A_157 = arith.constant 8 : i32
      %add3A_158 = arith.addi %add3A_150, %add3A_157 : i32
      %lt3A_159 = arith.constant 160 : i32
      %lt3A_160 = arith.cmpi slt, %add3A_158, %lt3A_159 : i32
      %convert_element_type3A_161 = arith.extui %lt3A_160 : i1 to i32
      %cond3A_162 = arith.constant 0 : i32
      %cond3A_163 = arith.cmpi ne, %convert_element_type3A_161, %cond3A_162 : i32
      scf.if %cond3A_163 {
        %add3A_232 = arith.constant 8 : i32
        %add3A_233 = arith.addi %add3A_150, %add3A_232 : i32
        %dma_start3A_234 = arith.constant 0 : i32
        %dma_start3A_235 = tpu.memref_slice %arg6[%add3A_233, %dma_start3A_234] : memref<160x128xi32, #tpu.memory_space<vmem>> -> memref<1x128xi32, #tpu.memory_space<vmem>>
        %dma_start3A_236 = tpu.memref_squeeze %dma_start3A_235 : memref<1x128xi32, #tpu.memory_space<vmem>> -> memref<128xi32, #tpu.memory_space<vmem>>
        %dma_start3A_237 = arith.constant 0 : i32
        %dma_start3A_238 = arith.constant 0 : i32
        %dma_start3A_239 = tpu.memref_slice %arg2[%dma_start3A_237, %dma_start3A_238] : memref<20000x32xf32, #tpu.memory_space<hbm>> -> memref<20000x32xf32, #tpu.memory_space<hbm>>
        tpu.enqueue_indirect_dma source(%dma_start3A_239 : memref<20000x32xf32, #tpu.memory_space<hbm>>) target(%arg11 : memref<128x32xf32, #tpu.memory_space<vmem>>) offsets(%dma_start3A_236 : memref<128xi32, #tpu.memory_space<vmem>>) semaphore(%arg20 : memref<!tpu.dma_semaphore, #tpu.memory_space<semaphore_mem>>)
      } else {
      }
      %mul3A_164 = arith.constant 8 : i32
      %mul3A_165 = arith.muli %add3A_99, %mul3A_164 : i32
      %add3A_166 = arith.constant 4 : i32
      %add3A_167 = arith.addi %mul3A_165, %add3A_166 : i32
      %dma_wait3A_168 = arith.constant 0 : i32
      %dma_wait3A_169 = arith.constant 0 : i32
      %dma_wait3A_170 = tpu.memref_slice %arg2[%dma_wait3A_168, %dma_wait3A_169] : memref<20000x32xf32, #tpu.memory_space<hbm>> -> memref<128x32xf32, #tpu.memory_space<hbm>>
      %dma_wait3A_171 = arith.constant 0 : i32
      %dma_wait3A_172 = arith.constant 0 : i32
      %dma_wait3A_173 = tpu.memref_slice %arg2[%dma_wait3A_171, %dma_wait3A_172] : memref<20000x32xf32, #tpu.memory_space<hbm>> -> memref<128x32xf32, #tpu.memory_space<hbm>>
      tpu.wait_dma2 semaphore(%arg21 : memref<!tpu.dma_semaphore, #tpu.memory_space<semaphore_mem>>) src(%dma_wait3A_173 : memref<128x32xf32, #tpu.memory_space<hbm>>) dst(%arg12 : memref<128x32xf32, #tpu.memory_space<vmem>>)
      "tpu.region"() ({
        %run_scoped3A = tpu.sem_alloc : memref<!tpu.dma_semaphore, #tpu.memory_space<semaphore_mem>>
        %dma_start3A_232 = arith.constant 0 : i32
        %dma_start3A_233 = tpu.memref_slice %arg7[%add3A_167, %dma_start3A_232] : memref<160x128xi32, #tpu.memory_space<vmem>> -> memref<1x128xi32, #tpu.memory_space<vmem>>
        %dma_start3A_234 = tpu.memref_squeeze %dma_start3A_233 : memref<1x128xi32, #tpu.memory_space<vmem>> -> memref<128xi32, #tpu.memory_space<vmem>>
        %dma_start3A_235 = arith.constant 0 : i32
        %dma_start3A_236 = arith.constant 0 : i32
        %dma_start3A_237 = tpu.memref_slice %arg16[%dma_start3A_235, %dma_start3A_236] : memref<10240x32xf32, #tpu.memory_space<vmem_shared>> -> memref<10240x32xf32, #tpu.memory_space<vmem_shared>>
        tpu.enqueue_indirect_dma source(%arg12 : memref<128x32xf32, #tpu.memory_space<vmem>>) target(%dma_start3A_237 : memref<10240x32xf32, #tpu.memory_space<vmem_shared>>) offsets(%dma_start3A_234 : memref<128xi32, #tpu.memory_space<vmem>>) semaphore(%run_scoped3A : memref<!tpu.dma_semaphore, #tpu.memory_space<semaphore_mem>>) {add = true}
        %dma_wait3A_238 = arith.constant 0 : i32
        %dma_wait3A_239 = tpu.memref_slice %arg7[%add3A_167, %dma_wait3A_238] : memref<160x128xi32, #tpu.memory_space<vmem>> -> memref<1x128xi32, #tpu.memory_space<vmem>>
        %dma_wait3A_240 = tpu.memref_squeeze %dma_wait3A_239 : memref<1x128xi32, #tpu.memory_space<vmem>> -> memref<128xi32, #tpu.memory_space<vmem>>
        %dma_wait3A_241 = arith.constant 0 : i32
        %dma_wait3A_242 = arith.constant 0 : i32
        %dma_wait3A_243 = tpu.memref_slice %arg16[%dma_wait3A_241, %dma_wait3A_242] : memref<10240x32xf32, #tpu.memory_space<vmem_shared>> -> memref<10240x32xf32, #tpu.memory_space<vmem_shared>>
        tpu.wait_indirect_dma semaphore(%run_scoped3A : memref<!tpu.dma_semaphore, #tpu.memory_space<semaphore_mem>>) src(%arg12 : memref<128x32xf32, #tpu.memory_space<vmem>>) dst(%dma_wait3A_243 : memref<10240x32xf32, #tpu.memory_space<vmem_shared>>)
        tpu.yield
      }) : () -> ()
      %add3A_174 = arith.constant 8 : i32
      %add3A_175 = arith.addi %add3A_167, %add3A_174 : i32
      %lt3A_176 = arith.constant 160 : i32
      %lt3A_177 = arith.cmpi slt, %add3A_175, %lt3A_176 : i32
      %convert_element_type3A_178 = arith.extui %lt3A_177 : i1 to i32
      %cond3A_179 = arith.constant 0 : i32
      %cond3A_180 = arith.cmpi ne, %convert_element_type3A_178, %cond3A_179 : i32
      scf.if %cond3A_180 {
        %add3A_232 = arith.constant 8 : i32
        %add3A_233 = arith.addi %add3A_167, %add3A_232 : i32
        %dma_start3A_234 = arith.constant 0 : i32
        %dma_start3A_235 = tpu.memref_slice %arg6[%add3A_233, %dma_start3A_234] : memref<160x128xi32, #tpu.memory_space<vmem>> -> memref<1x128xi32, #tpu.memory_space<vmem>>
        %dma_start3A_236 = tpu.memref_squeeze %dma_start3A_235 : memref<1x128xi32, #tpu.memory_space<vmem>> -> memref<128xi32, #tpu.memory_space<vmem>>
        %dma_start3A_237 = arith.constant 0 : i32
        %dma_start3A_238 = arith.constant 0 : i32
        %dma_start3A_239 = tpu.memref_slice %arg2[%dma_start3A_237, %dma_start3A_238] : memref<20000x32xf32, #tpu.memory_space<hbm>> -> memref<20000x32xf32, #tpu.memory_space<hbm>>
        tpu.enqueue_indirect_dma source(%dma_start3A_239 : memref<20000x32xf32, #tpu.memory_space<hbm>>) target(%arg12 : memref<128x32xf32, #tpu.memory_space<vmem>>) offsets(%dma_start3A_236 : memref<128xi32, #tpu.memory_space<vmem>>) semaphore(%arg21 : memref<!tpu.dma_semaphore, #tpu.memory_space<semaphore_mem>>)
      } else {
      }
      %mul3A_181 = arith.constant 8 : i32
      %mul3A_182 = arith.muli %add3A_99, %mul3A_181 : i32
      %add3A_183 = arith.constant 5 : i32
      %add3A_184 = arith.addi %mul3A_182, %add3A_183 : i32
      %dma_wait3A_185 = arith.constant 0 : i32
      %dma_wait3A_186 = arith.constant 0 : i32
      %dma_wait3A_187 = tpu.memref_slice %arg2[%dma_wait3A_185, %dma_wait3A_186] : memref<20000x32xf32, #tpu.memory_space<hbm>> -> memref<128x32xf32, #tpu.memory_space<hbm>>
      %dma_wait3A_188 = arith.constant 0 : i32
      %dma_wait3A_189 = arith.constant 0 : i32
      %dma_wait3A_190 = tpu.memref_slice %arg2[%dma_wait3A_188, %dma_wait3A_189] : memref<20000x32xf32, #tpu.memory_space<hbm>> -> memref<128x32xf32, #tpu.memory_space<hbm>>
      tpu.wait_dma2 semaphore(%arg22 : memref<!tpu.dma_semaphore, #tpu.memory_space<semaphore_mem>>) src(%dma_wait3A_190 : memref<128x32xf32, #tpu.memory_space<hbm>>) dst(%arg13 : memref<128x32xf32, #tpu.memory_space<vmem>>)
      "tpu.region"() ({
        %run_scoped3A = tpu.sem_alloc : memref<!tpu.dma_semaphore, #tpu.memory_space<semaphore_mem>>
        %dma_start3A_232 = arith.constant 0 : i32
        %dma_start3A_233 = tpu.memref_slice %arg7[%add3A_184, %dma_start3A_232] : memref<160x128xi32, #tpu.memory_space<vmem>> -> memref<1x128xi32, #tpu.memory_space<vmem>>
        %dma_start3A_234 = tpu.memref_squeeze %dma_start3A_233 : memref<1x128xi32, #tpu.memory_space<vmem>> -> memref<128xi32, #tpu.memory_space<vmem>>
        %dma_start3A_235 = arith.constant 0 : i32
        %dma_start3A_236 = arith.constant 0 : i32
        %dma_start3A_237 = tpu.memref_slice %arg16[%dma_start3A_235, %dma_start3A_236] : memref<10240x32xf32, #tpu.memory_space<vmem_shared>> -> memref<10240x32xf32, #tpu.memory_space<vmem_shared>>
        tpu.enqueue_indirect_dma source(%arg13 : memref<128x32xf32, #tpu.memory_space<vmem>>) target(%dma_start3A_237 : memref<10240x32xf32, #tpu.memory_space<vmem_shared>>) offsets(%dma_start3A_234 : memref<128xi32, #tpu.memory_space<vmem>>) semaphore(%run_scoped3A : memref<!tpu.dma_semaphore, #tpu.memory_space<semaphore_mem>>) {add = true}
        %dma_wait3A_238 = arith.constant 0 : i32
        %dma_wait3A_239 = tpu.memref_slice %arg7[%add3A_184, %dma_wait3A_238] : memref<160x128xi32, #tpu.memory_space<vmem>> -> memref<1x128xi32, #tpu.memory_space<vmem>>
        %dma_wait3A_240 = tpu.memref_squeeze %dma_wait3A_239 : memref<1x128xi32, #tpu.memory_space<vmem>> -> memref<128xi32, #tpu.memory_space<vmem>>
        %dma_wait3A_241 = arith.constant 0 : i32
        %dma_wait3A_242 = arith.constant 0 : i32
        %dma_wait3A_243 = tpu.memref_slice %arg16[%dma_wait3A_241, %dma_wait3A_242] : memref<10240x32xf32, #tpu.memory_space<vmem_shared>> -> memref<10240x32xf32, #tpu.memory_space<vmem_shared>>
        tpu.wait_indirect_dma semaphore(%run_scoped3A : memref<!tpu.dma_semaphore, #tpu.memory_space<semaphore_mem>>) src(%arg13 : memref<128x32xf32, #tpu.memory_space<vmem>>) dst(%dma_wait3A_243 : memref<10240x32xf32, #tpu.memory_space<vmem_shared>>)
        tpu.yield
      }) : () -> ()
      %add3A_191 = arith.constant 8 : i32
      %add3A_192 = arith.addi %add3A_184, %add3A_191 : i32
      %lt3A_193 = arith.constant 160 : i32
      %lt3A_194 = arith.cmpi slt, %add3A_192, %lt3A_193 : i32
      %convert_element_type3A_195 = arith.extui %lt3A_194 : i1 to i32
      %cond3A_196 = arith.constant 0 : i32
      %cond3A_197 = arith.cmpi ne, %convert_element_type3A_195, %cond3A_196 : i32
      scf.if %cond3A_197 {
        %add3A_232 = arith.constant 8 : i32
        %add3A_233 = arith.addi %add3A_184, %add3A_232 : i32
        %dma_start3A_234 = arith.constant 0 : i32
        %dma_start3A_235 = tpu.memref_slice %arg6[%add3A_233, %dma_start3A_234] : memref<160x128xi32, #tpu.memory_space<vmem>> -> memref<1x128xi32, #tpu.memory_space<vmem>>
        %dma_start3A_236 = tpu.memref_squeeze %dma_start3A_235 : memref<1x128xi32, #tpu.memory_space<vmem>> -> memref<128xi32, #tpu.memory_space<vmem>>
        %dma_start3A_237 = arith.constant 0 : i32
        %dma_start3A_238 = arith.constant 0 : i32
        %dma_start3A_239 = tpu.memref_slice %arg2[%dma_start3A_237, %dma_start3A_238] : memref<20000x32xf32, #tpu.memory_space<hbm>> -> memref<20000x32xf32, #tpu.memory_space<hbm>>
        tpu.enqueue_indirect_dma source(%dma_start3A_239 : memref<20000x32xf32, #tpu.memory_space<hbm>>) target(%arg13 : memref<128x32xf32, #tpu.memory_space<vmem>>) offsets(%dma_start3A_236 : memref<128xi32, #tpu.memory_space<vmem>>) semaphore(%arg22 : memref<!tpu.dma_semaphore, #tpu.memory_space<semaphore_mem>>)
      } else {
      }
      %mul3A_198 = arith.constant 8 : i32
      %mul3A_199 = arith.muli %add3A_99, %mul3A_198 : i32
      %add3A_200 = arith.constant 6 : i32
      %add3A_201 = arith.addi %mul3A_199, %add3A_200 : i32
      %dma_wait3A_202 = arith.constant 0 : i32
      %dma_wait3A_203 = arith.constant 0 : i32
      %dma_wait3A_204 = tpu.memref_slice %arg2[%dma_wait3A_202, %dma_wait3A_203] : memref<20000x32xf32, #tpu.memory_space<hbm>> -> memref<128x32xf32, #tpu.memory_space<hbm>>
      %dma_wait3A_205 = arith.constant 0 : i32
      %dma_wait3A_206 = arith.constant 0 : i32
      %dma_wait3A_207 = tpu.memref_slice %arg2[%dma_wait3A_205, %dma_wait3A_206] : memref<20000x32xf32, #tpu.memory_space<hbm>> -> memref<128x32xf32, #tpu.memory_space<hbm>>
      tpu.wait_dma2 semaphore(%arg23 : memref<!tpu.dma_semaphore, #tpu.memory_space<semaphore_mem>>) src(%dma_wait3A_207 : memref<128x32xf32, #tpu.memory_space<hbm>>) dst(%arg14 : memref<128x32xf32, #tpu.memory_space<vmem>>)
      "tpu.region"() ({
        %run_scoped3A = tpu.sem_alloc : memref<!tpu.dma_semaphore, #tpu.memory_space<semaphore_mem>>
        %dma_start3A_232 = arith.constant 0 : i32
        %dma_start3A_233 = tpu.memref_slice %arg7[%add3A_201, %dma_start3A_232] : memref<160x128xi32, #tpu.memory_space<vmem>> -> memref<1x128xi32, #tpu.memory_space<vmem>>
        %dma_start3A_234 = tpu.memref_squeeze %dma_start3A_233 : memref<1x128xi32, #tpu.memory_space<vmem>> -> memref<128xi32, #tpu.memory_space<vmem>>
        %dma_start3A_235 = arith.constant 0 : i32
        %dma_start3A_236 = arith.constant 0 : i32
        %dma_start3A_237 = tpu.memref_slice %arg16[%dma_start3A_235, %dma_start3A_236] : memref<10240x32xf32, #tpu.memory_space<vmem_shared>> -> memref<10240x32xf32, #tpu.memory_space<vmem_shared>>
        tpu.enqueue_indirect_dma source(%arg14 : memref<128x32xf32, #tpu.memory_space<vmem>>) target(%dma_start3A_237 : memref<10240x32xf32, #tpu.memory_space<vmem_shared>>) offsets(%dma_start3A_234 : memref<128xi32, #tpu.memory_space<vmem>>) semaphore(%run_scoped3A : memref<!tpu.dma_semaphore, #tpu.memory_space<semaphore_mem>>) {add = true}
        %dma_wait3A_238 = arith.constant 0 : i32
        %dma_wait3A_239 = tpu.memref_slice %arg7[%add3A_201, %dma_wait3A_238] : memref<160x128xi32, #tpu.memory_space<vmem>> -> memref<1x128xi32, #tpu.memory_space<vmem>>
        %dma_wait3A_240 = tpu.memref_squeeze %dma_wait3A_239 : memref<1x128xi32, #tpu.memory_space<vmem>> -> memref<128xi32, #tpu.memory_space<vmem>>
        %dma_wait3A_241 = arith.constant 0 : i32
        %dma_wait3A_242 = arith.constant 0 : i32
        %dma_wait3A_243 = tpu.memref_slice %arg16[%dma_wait3A_241, %dma_wait3A_242] : memref<10240x32xf32, #tpu.memory_space<vmem_shared>> -> memref<10240x32xf32, #tpu.memory_space<vmem_shared>>
        tpu.wait_indirect_dma semaphore(%run_scoped3A : memref<!tpu.dma_semaphore, #tpu.memory_space<semaphore_mem>>) src(%arg14 : memref<128x32xf32, #tpu.memory_space<vmem>>) dst(%dma_wait3A_243 : memref<10240x32xf32, #tpu.memory_space<vmem_shared>>)
        tpu.yield
      }) : () -> ()
      %add3A_208 = arith.constant 8 : i32
      %add3A_209 = arith.addi %add3A_201, %add3A_208 : i32
      %lt3A_210 = arith.constant 160 : i32
      %lt3A_211 = arith.cmpi slt, %add3A_209, %lt3A_210 : i32
      %convert_element_type3A_212 = arith.extui %lt3A_211 : i1 to i32
      %cond3A_213 = arith.constant 0 : i32
      %cond3A_214 = arith.cmpi ne, %convert_element_type3A_212, %cond3A_213 : i32
      scf.if %cond3A_214 {
        %add3A_232 = arith.constant 8 : i32
        %add3A_233 = arith.addi %add3A_201, %add3A_232 : i32
        %dma_start3A_234 = arith.constant 0 : i32
        %dma_start3A_235 = tpu.memref_slice %arg6[%add3A_233, %dma_start3A_234] : memref<160x128xi32, #tpu.memory_space<vmem>> -> memref<1x128xi32, #tpu.memory_space<vmem>>
        %dma_start3A_236 = tpu.memref_squeeze %dma_start3A_235 : memref<1x128xi32, #tpu.memory_space<vmem>> -> memref<128xi32, #tpu.memory_space<vmem>>
        %dma_start3A_237 = arith.constant 0 : i32
        %dma_start3A_238 = arith.constant 0 : i32
        %dma_start3A_239 = tpu.memref_slice %arg2[%dma_start3A_237, %dma_start3A_238] : memref<20000x32xf32, #tpu.memory_space<hbm>> -> memref<20000x32xf32, #tpu.memory_space<hbm>>
        tpu.enqueue_indirect_dma source(%dma_start3A_239 : memref<20000x32xf32, #tpu.memory_space<hbm>>) target(%arg14 : memref<128x32xf32, #tpu.memory_space<vmem>>) offsets(%dma_start3A_236 : memref<128xi32, #tpu.memory_space<vmem>>) semaphore(%arg23 : memref<!tpu.dma_semaphore, #tpu.memory_space<semaphore_mem>>)
      } else {
      }
      %mul3A_215 = arith.constant 8 : i32
      %mul3A_216 = arith.muli %add3A_99, %mul3A_215 : i32
      %add3A_217 = arith.constant 7 : i32
      %add3A_218 = arith.addi %mul3A_216, %add3A_217 : i32
      %dma_wait3A_219 = arith.constant 0 : i32
      %dma_wait3A_220 = arith.constant 0 : i32
      %dma_wait3A_221 = tpu.memref_slice %arg2[%dma_wait3A_219, %dma_wait3A_220] : memref<20000x32xf32, #tpu.memory_space<hbm>> -> memref<128x32xf32, #tpu.memory_space<hbm>>
      %dma_wait3A_222 = arith.constant 0 : i32
      %dma_wait3A_223 = arith.constant 0 : i32
      %dma_wait3A_224 = tpu.memref_slice %arg2[%dma_wait3A_222, %dma_wait3A_223] : memref<20000x32xf32, #tpu.memory_space<hbm>> -> memref<128x32xf32, #tpu.memory_space<hbm>>
      tpu.wait_dma2 semaphore(%arg24 : memref<!tpu.dma_semaphore, #tpu.memory_space<semaphore_mem>>) src(%dma_wait3A_224 : memref<128x32xf32, #tpu.memory_space<hbm>>) dst(%arg15 : memref<128x32xf32, #tpu.memory_space<vmem>>)
      "tpu.region"() ({
        %run_scoped3A = tpu.sem_alloc : memref<!tpu.dma_semaphore, #tpu.memory_space<semaphore_mem>>
        %dma_start3A_232 = arith.constant 0 : i32
        %dma_start3A_233 = tpu.memref_slice %arg7[%add3A_218, %dma_start3A_232] : memref<160x128xi32, #tpu.memory_space<vmem>> -> memref<1x128xi32, #tpu.memory_space<vmem>>
        %dma_start3A_234 = tpu.memref_squeeze %dma_start3A_233 : memref<1x128xi32, #tpu.memory_space<vmem>> -> memref<128xi32, #tpu.memory_space<vmem>>
        %dma_start3A_235 = arith.constant 0 : i32
        %dma_start3A_236 = arith.constant 0 : i32
        %dma_start3A_237 = tpu.memref_slice %arg16[%dma_start3A_235, %dma_start3A_236] : memref<10240x32xf32, #tpu.memory_space<vmem_shared>> -> memref<10240x32xf32, #tpu.memory_space<vmem_shared>>
        tpu.enqueue_indirect_dma source(%arg15 : memref<128x32xf32, #tpu.memory_space<vmem>>) target(%dma_start3A_237 : memref<10240x32xf32, #tpu.memory_space<vmem_shared>>) offsets(%dma_start3A_234 : memref<128xi32, #tpu.memory_space<vmem>>) semaphore(%run_scoped3A : memref<!tpu.dma_semaphore, #tpu.memory_space<semaphore_mem>>) {add = true}
        %dma_wait3A_238 = arith.constant 0 : i32
        %dma_wait3A_239 = tpu.memref_slice %arg7[%add3A_218, %dma_wait3A_238] : memref<160x128xi32, #tpu.memory_space<vmem>> -> memref<1x128xi32, #tpu.memory_space<vmem>>
        %dma_wait3A_240 = tpu.memref_squeeze %dma_wait3A_239 : memref<1x128xi32, #tpu.memory_space<vmem>> -> memref<128xi32, #tpu.memory_space<vmem>>
        %dma_wait3A_241 = arith.constant 0 : i32
        %dma_wait3A_242 = arith.constant 0 : i32
        %dma_wait3A_243 = tpu.memref_slice %arg16[%dma_wait3A_241, %dma_wait3A_242] : memref<10240x32xf32, #tpu.memory_space<vmem_shared>> -> memref<10240x32xf32, #tpu.memory_space<vmem_shared>>
        tpu.wait_indirect_dma semaphore(%run_scoped3A : memref<!tpu.dma_semaphore, #tpu.memory_space<semaphore_mem>>) src(%arg15 : memref<128x32xf32, #tpu.memory_space<vmem>>) dst(%dma_wait3A_243 : memref<10240x32xf32, #tpu.memory_space<vmem_shared>>)
        tpu.yield
      }) : () -> ()
      %add3A_225 = arith.constant 8 : i32
      %add3A_226 = arith.addi %add3A_218, %add3A_225 : i32
      %lt3A_227 = arith.constant 160 : i32
      %lt3A_228 = arith.cmpi slt, %add3A_226, %lt3A_227 : i32
      %convert_element_type3A_229 = arith.extui %lt3A_228 : i1 to i32
      %cond3A_230 = arith.constant 0 : i32
      %cond3A_231 = arith.cmpi ne, %convert_element_type3A_229, %cond3A_230 : i32
      scf.if %cond3A_231 {
        %add3A_232 = arith.constant 8 : i32
        %add3A_233 = arith.addi %add3A_218, %add3A_232 : i32
        %dma_start3A_234 = arith.constant 0 : i32
        %dma_start3A_235 = tpu.memref_slice %arg6[%add3A_233, %dma_start3A_234] : memref<160x128xi32, #tpu.memory_space<vmem>> -> memref<1x128xi32, #tpu.memory_space<vmem>>
        %dma_start3A_236 = tpu.memref_squeeze %dma_start3A_235 : memref<1x128xi32, #tpu.memory_space<vmem>> -> memref<128xi32, #tpu.memory_space<vmem>>
        %dma_start3A_237 = arith.constant 0 : i32
        %dma_start3A_238 = arith.constant 0 : i32
        %dma_start3A_239 = tpu.memref_slice %arg2[%dma_start3A_237, %dma_start3A_238] : memref<20000x32xf32, #tpu.memory_space<hbm>> -> memref<20000x32xf32, #tpu.memory_space<hbm>>
        tpu.enqueue_indirect_dma source(%dma_start3A_239 : memref<20000x32xf32, #tpu.memory_space<hbm>>) target(%arg15 : memref<128x32xf32, #tpu.memory_space<vmem>>) offsets(%dma_start3A_236 : memref<128xi32, #tpu.memory_space<vmem>>) semaphore(%arg24 : memref<!tpu.dma_semaphore, #tpu.memory_space<semaphore_mem>>)
      } else {
      }
    }
    %scan3A_89 = arith.constant 20 : i32
    %barrier3A_90 = arith.constant 0 : index
    tpu.barrier barrier_id(%barrier3A_90)
    %mul3A_91 = arith.constant 640 : i32
    %mul3A_92 = arith.muli %arg1, %mul3A_91 : i32
    %mul3A_93 = arith.constant 640 : i32
    %mul3A_94 = arith.muli %arg1, %mul3A_93 : i32
    "tpu.region"() ({
      %run_scoped3A = tpu.sem_alloc : memref<!tpu.dma_semaphore, #tpu.memory_space<semaphore_mem>>
      %dma_start3A_95 = arith.constant 0 : i32
      %dma_start3A_96 = tpu.memref_slice %arg5[%arg0, %mul3A_94, %dma_start3A_95] : memref<2x10240x32xf32, #tpu.memory_space<hbm>> -> memref<1x640x32xf32, #tpu.memory_space<hbm>>
      %dma_start3A_97 = tpu.memref_squeeze %dma_start3A_96 : memref<1x640x32xf32, #tpu.memory_space<hbm>> -> memref<640x32xf32, #tpu.memory_space<hbm>>
      %dma_start3A_98 = arith.constant 0 : i32
      %dma_start3A_99 = tpu.memref_slice %arg16[%mul3A_92, %dma_start3A_98] : memref<10240x32xf32, #tpu.memory_space<vmem_shared>> -> memref<640x32xf32, #tpu.memory_space<vmem_shared>>
      tpu.enqueue_dma source(%dma_start3A_99 : memref<640x32xf32, #tpu.memory_space<vmem_shared>>) target(%dma_start3A_97 : memref<640x32xf32, #tpu.memory_space<hbm>>) target_semaphore(%run_scoped3A : memref<!tpu.dma_semaphore, #tpu.memory_space<semaphore_mem>>)
      %dma_wait3A = arith.constant 0 : i32
      %dma_wait3A_100 = tpu.memref_slice %arg5[%arg0, %mul3A_94, %dma_wait3A] : memref<2x10240x32xf32, #tpu.memory_space<hbm>> -> memref<1x640x32xf32, #tpu.memory_space<hbm>>
      %dma_wait3A_101 = tpu.memref_squeeze %dma_wait3A_100 : memref<1x640x32xf32, #tpu.memory_space<hbm>> -> memref<640x32xf32, #tpu.memory_space<hbm>>
      %dma_wait3A_102 = arith.constant 0 : i32
      %dma_wait3A_103 = tpu.memref_slice %arg16[%mul3A_92, %dma_wait3A_102] : memref<10240x32xf32, #tpu.memory_space<vmem_shared>> -> memref<640x32xf32, #tpu.memory_space<vmem_shared>>
      tpu.wait_dma2 semaphore(%run_scoped3A : memref<!tpu.dma_semaphore, #tpu.memory_space<semaphore_mem>>) src(%dma_wait3A_103 : memref<640x32xf32, #tpu.memory_space<vmem_shared>>) dst(%dma_wait3A_101 : memref<640x32xf32, #tpu.memory_space<hbm>>)
      tpu.yield
    }) : () -> ()
    return
  }
}

module attributes {stable_mosaic.version = 14 : i64} {
  func.func @_tc1_body(%arg0: i32, %arg1: memref<1x2x1000xf32, #tpu.memory_space<vmem>>, %arg2: memref<1000x128xf32, #tpu.memory_space<vmem>>, %arg3: memref<128x128xf32, #tpu.memory_space<vmem>>, %arg4: memref<1000x128xf32, #tpu.memory_space<vmem>>, %arg5: memref<1x1x1000xf32, #tpu.memory_space<vmem>>) attributes {dimension_semantics = [#tpu.dimension_semantics<arbitrary>], iteration_bounds = array<i64: 10>, scalar_prefetch = 0 : i64, scratch_operands = 0 : i64, tpu.core_type = #tpu.core_type<tc>, window_params = [{transform_indices = @transform_0, window_bounds = array<i64: 1, 2, 1000>}, {transform_indices = @transform_1, window_bounds = array<i64: 1000, 128>}, {pipeline_mode = #tpu.pipeline_mode<synchronous>, transform_indices = @transform_2, window_bounds = array<i64: 128, 128>}, {transform_indices = @transform_3, window_bounds = array<i64: 1000, 128>}, {transform_indices = @transform_4, window_bounds = array<i64: 1, 1, 1000>}]} {
    %get3A = arith.constant 0 : index
    %get3A_0 = arith.constant 0 : index
    %get3A_1 = arith.constant 0 : index
    %get3A_2 = vector.load %arg1[%get3A, %get3A_0, %get3A_1] : memref<1x2x1000xf32, #tpu.memory_space<vmem>>, vector<1x1x1000xf32>
    %get3A_3 = vector.shape_cast %get3A_2 : vector<1x1x1000xf32> to vector<1000xf32>
    %get3A_4 = arith.constant 0 : index
    %get3A_5 = arith.constant 1 : index
    %get3A_6 = arith.constant 0 : index
    %get3A_7 = vector.load %arg1[%get3A_4, %get3A_5, %get3A_6] : memref<1x2x1000xf32, #tpu.memory_space<vmem>>, vector<1x1x1000xf32>
    %get3A_8 = vector.shape_cast %get3A_7 : vector<1x1x1000xf32> to vector<1000xf32>
    %add3A = arith.addf %get3A_3, %get3A_8 : vector<1000xf32>
    %mul3A = arith.constant 5.000000e-01 : f32
    %mul3A_9 = vector.broadcast %mul3A : f32 to vector<1000xf32>
    %mul3A_10 = arith.mulf %mul3A_9, %add3A : vector<1000xf32>
    %add3A_11 = arith.constant 1.000000e+00 : f32
    %add3A_12 = vector.broadcast %add3A_11 : f32 to vector<1000xf32>
    %add3A_13 = arith.addf %mul3A_10, %add3A_12 : vector<1000xf32>
    %rsqrt3A = math.rsqrt %add3A_13 : vector<1000xf32>
    %get3A_14 = arith.constant 0 : index
    %get3A_15 = arith.constant 0 : index
    %get3A_16 = vector.load %arg2[%get3A_14, %get3A_15] : memref<1000x128xf32, #tpu.memory_space<vmem>>, vector<1000x128xf32>
    %get3A_17 = arith.constant 0 : index
    %get3A_18 = arith.constant 0 : index
    %get3A_19 = vector.load %arg3[%get3A_17, %get3A_18] : memref<128x128xf32, #tpu.memory_space<vmem>>, vector<128x128xf32>
    %dot_general3A = arith.constant dense<0.000000e+00> : vector<1000x128xf32>
    %dot_general3A_20 = tpu.matmul %get3A_16, %get3A_19, %dot_general3A {dimension_numbers = #tpu.dot_dimension_numbers<[1], [0], [0], [1], [0, 0, 1, 1], [], []>, transpose_lhs_hint = false} : vector<1000x128xf32>, vector<128x128xf32>, vector<1000x128xf32> -> vector<1000x128xf32>
    %broadcast_in_dim3A = vector.shape_cast %rsqrt3A : vector<1000xf32> to vector<1000x1xf32>
    %mul3A_21 = vector.broadcast %broadcast_in_dim3A : vector<1000x1xf32> to vector<1000x128xf32>
    %mul3A_22 = arith.mulf %mul3A_21, %dot_general3A_20 : vector<1000x128xf32>
    %swap3A = arith.constant 0 : index
    %swap3A_23 = arith.constant 0 : index
    %swap3A_24 = vector.load %arg4[%swap3A, %swap3A_23] : memref<1000x128xf32, #tpu.memory_space<vmem>>, vector<1000x128xf32>
    tpu.vector_store %arg4[%swap3A, %swap3A_23], %mul3A_22 {strides = array<i32>} : memref<1000x128xf32, #tpu.memory_space<vmem>>, vector<1000x128xf32>,
    %swap3A_25 = arith.constant 0 : index
    %swap3A_26 = arith.constant 0 : index
    %swap3A_27 = arith.constant 0 : index
    %swap3A_28 = vector.load %arg5[%swap3A_25, %swap3A_26, %swap3A_27] : memref<1x1x1000xf32, #tpu.memory_space<vmem>>, vector<1x1x1000xf32>
    %swap3A_29 = vector.shape_cast %swap3A_28 : vector<1x1x1000xf32> to vector<1000xf32>
    %swap3A_30 = vector.shape_cast %rsqrt3A : vector<1000xf32> to vector<1x1x1000xf32>
    tpu.vector_store %arg5[%swap3A_25, %swap3A_26, %swap3A_27], %swap3A_30 {strides = array<i32>} : memref<1x1x1000xf32, #tpu.memory_space<vmem>>, vector<1x1x1000xf32>,
    return
  }
  func.func @transform_0(%arg0: i32) -> (i32, i32, i32) {
    %c0_i32 = arith.constant 0 : i32
    %c0_i32_0 = arith.constant 0 : i32
    %c0_i32_1 = arith.constant 0 : i32
    return %arg0, %c0_i32, %c0_i32_0 : i32, i32, i32
  }
  func.func @transform_1(%arg0: i32) -> (i32, i32) {
    %c0_i32 = arith.constant 0 : i32
    %c0_i32_0 = arith.constant 0 : i32
    return %arg0, %c0_i32 : i32, i32
  }
  func.func @transform_2(%arg0: i32) -> (i32, i32) {
    %c0_i32 = arith.constant 0 : i32
    %c0_i32_0 = arith.constant 0 : i32
    %c0_i32_1 = arith.constant 0 : i32
    return %c0_i32, %c0_i32_0 : i32, i32
  }
  func.func @transform_3(%arg0: i32) -> (i32, i32) {
    %c0_i32 = arith.constant 0 : i32
    %c0_i32_0 = arith.constant 0 : i32
    return %arg0, %c0_i32 : i32, i32
  }
  func.func @transform_4(%arg0: i32) -> (i32, i32, i32) {
    %c0_i32 = arith.constant 0 : i32
    %c0_i32_0 = arith.constant 0 : i32
    %c0_i32_1 = arith.constant 0 : i32
    return %arg0, %c0_i32, %c0_i32_0 : i32, i32, i32
  }
}

module attributes {stable_mosaic.version = 14 : i64} {
  func.func @_tc2_body(%arg0: i32, %arg1: memref<1000x128xf32, #tpu.memory_space<vmem>>, %arg2: memref<1000x128xf32, #tpu.memory_space<vmem>>, %arg3: memref<1x1x1000xf32, #tpu.memory_space<vmem>>, %arg4: memref<128x64xf32, #tpu.memory_space<vmem>>, %arg5: memref<128xf32, #tpu.memory_space<vmem>>, %arg6: memref<1000x64xf32, #tpu.memory_space<vmem>>) attributes {dimension_semantics = [#tpu.dimension_semantics<arbitrary>], iteration_bounds = array<i64: 10>, scalar_prefetch = 0 : i64, scratch_operands = 0 : i64, tpu.core_type = #tpu.core_type<tc>, window_params = [{transform_indices = @transform_0, window_bounds = array<i64: 1000, 128>}, {transform_indices = @transform_1, window_bounds = array<i64: 1000, 128>}, {transform_indices = @transform_2, window_bounds = array<i64: 1, 1, 1000>}, {pipeline_mode = #tpu.pipeline_mode<synchronous>, transform_indices = @transform_3, window_bounds = array<i64: 128, 64>}, {pipeline_mode = #tpu.pipeline_mode<synchronous>, transform_indices = @transform_4, window_bounds = array<i64: 128>}, {transform_indices = @transform_5, window_bounds = array<i64: 1000, 64>}]} {
    %get3A = arith.constant 0 : index
    %get3A_0 = arith.constant 0 : index
    %get3A_1 = arith.constant 0 : index
    %get3A_2 = vector.load %arg3[%get3A, %get3A_0, %get3A_1] : memref<1x1x1000xf32, #tpu.memory_space<vmem>>, vector<1x1x1000xf32>
    %get3A_3 = vector.shape_cast %get3A_2 : vector<1x1x1000xf32> to vector<1000xf32>
    %get3A_4 = arith.constant 0 : index
    %get3A_5 = arith.constant 0 : index
    %get3A_6 = vector.load %arg1[%get3A_4, %get3A_5] : memref<1000x128xf32, #tpu.memory_space<vmem>>, vector<1000x128xf32>
    %get3A_7 = arith.constant 0 : index
    %get3A_8 = arith.constant 0 : index
    %get3A_9 = vector.load %arg2[%get3A_7, %get3A_8] : memref<1000x128xf32, #tpu.memory_space<vmem>>, vector<1000x128xf32>
    %add3A = arith.addf %get3A_6, %get3A_9 : vector<1000x128xf32>
    %broadcast_in_dim3A = vector.shape_cast %get3A_3 : vector<1000xf32> to vector<1000x1xf32>
    %mul3A = vector.broadcast %broadcast_in_dim3A : vector<1000x1xf32> to vector<1000x128xf32>
    %mul3A_10 = arith.mulf %mul3A, %add3A : vector<1000x128xf32>
    %get3A_11 = arith.constant 0 : index
    %get3A_12 = vector.load %arg5[%get3A_11] : memref<128xf32, #tpu.memory_space<vmem>>, vector<128xf32>
    %broadcast_in_dim3A_13 = vector.shape_cast %get3A_12 : vector<128xf32> to vector<1x128xf32>
    %add3A_14 = vector.broadcast %broadcast_in_dim3A_13 : vector<1x128xf32> to vector<1000x128xf32>
    %add3A_15 = arith.addf %mul3A_10, %add3A_14 : vector<1000x128xf32>
    %max3A = arith.constant 0.000000e+00 : f32
    %max3A_16 = vector.broadcast %max3A : f32 to vector<1000x128xf32>
    %max3A_17 = arith.maximumf %add3A_15, %max3A_16 : vector<1000x128xf32>
    %broadcast_in_dim3A_18 = vector.shape_cast %get3A_3 : vector<1000xf32> to vector<1000x1xf32>
    %get3A_19 = arith.constant 0 : index
    %get3A_20 = arith.constant 0 : index
    %get3A_21 = vector.load %arg4[%get3A_19, %get3A_20] : memref<128x64xf32, #tpu.memory_space<vmem>>, vector<128x64xf32>
    %dot_general3A = arith.constant dense<0.000000e+00> : vector<1000x64xf32>
    %dot_general3A_22 = tpu.matmul %max3A_17, %get3A_21, %dot_general3A {dimension_numbers = #tpu.dot_dimension_numbers<[1], [0], [0], [1], [0, 0, 1, 1], [], []>, transpose_lhs_hint = false} : vector<1000x128xf32>, vector<128x64xf32>, vector<1000x64xf32> -> vector<1000x64xf32>
    %mul3A_23 = vector.broadcast %broadcast_in_dim3A_18 : vector<1000x1xf32> to vector<1000x64xf32>
    %mul3A_24 = arith.mulf %mul3A_23, %dot_general3A_22 : vector<1000x64xf32>
    %swap3A = arith.constant 0 : index
    %swap3A_25 = arith.constant 0 : index
    %swap3A_26 = vector.load %arg6[%swap3A, %swap3A_25] : memref<1000x64xf32, #tpu.memory_space<vmem>>, vector<1000x64xf32>
    tpu.vector_store %arg6[%swap3A, %swap3A_25], %mul3A_24 {strides = array<i32>} : memref<1000x64xf32, #tpu.memory_space<vmem>>, vector<1000x64xf32>,
    return
  }
  func.func @transform_0(%arg0: i32) -> (i32, i32) {
    %c0_i32 = arith.constant 0 : i32
    %c0_i32_0 = arith.constant 0 : i32
    return %arg0, %c0_i32 : i32, i32
  }
  func.func @transform_1(%arg0: i32) -> (i32, i32) {
    %c0_i32 = arith.constant 0 : i32
    %c0_i32_0 = arith.constant 0 : i32
    return %arg0, %c0_i32 : i32, i32
  }
  func.func @transform_2(%arg0: i32) -> (i32, i32, i32) {
    %c0_i32 = arith.constant 0 : i32
    %c0_i32_0 = arith.constant 0 : i32
    %c0_i32_1 = arith.constant 0 : i32
    return %arg0, %c0_i32, %c0_i32_0 : i32, i32, i32
  }
  func.func @transform_3(%arg0: i32) -> (i32, i32) {
    %c0_i32 = arith.constant 0 : i32
    %c0_i32_0 = arith.constant 0 : i32
    %c0_i32_1 = arith.constant 0 : i32
    return %c0_i32, %c0_i32_0 : i32, i32
  }
  func.func @transform_4(%arg0: i32) -> i32 {
    %c0_i32 = arith.constant 0 : i32
    %c0_i32_0 = arith.constant 0 : i32
    return %c0_i32 : i32
  }
  func.func @transform_5(%arg0: i32) -> (i32, i32) {
    %c0_i32 = arith.constant 0 : i32
    %c0_i32_0 = arith.constant 0 : i32
    return %arg0, %c0_i32 : i32, i32
  }
}

module attributes {stable_mosaic.version = 14 : i64} {
  func.func @_tc3_body(%arg0: i32, %arg1: memref<2x1000x32xf32, #tpu.memory_space<vmem>>, %arg2: memref<1000x64xf32, #tpu.memory_space<vmem>>, %arg3: memref<1x1x1000xf32, #tpu.memory_space<vmem>>, %arg4: memref<64xf32, #tpu.memory_space<vmem>>, %arg5: memref<1000x64xf32, #tpu.memory_space<vmem>>) attributes {dimension_semantics = [#tpu.dimension_semantics<arbitrary>], iteration_bounds = array<i64: 10>, scalar_prefetch = 0 : i64, scratch_operands = 0 : i64, tpu.core_type = #tpu.core_type<tc>, window_params = [{transform_indices = @transform_0, window_bounds = array<i64: 2, 1000, 32>}, {transform_indices = @transform_1, window_bounds = array<i64: 1000, 64>}, {transform_indices = @transform_2, window_bounds = array<i64: 1, 1, 1000>}, {pipeline_mode = #tpu.pipeline_mode<synchronous>, transform_indices = @transform_3, window_bounds = array<i64: 64>}, {transform_indices = @transform_4, window_bounds = array<i64: 1000, 64>}]} {
    %get3A = arith.constant 0 : index
    %get3A_0 = arith.constant 0 : index
    %get3A_1 = arith.constant 0 : index
    %get3A_2 = vector.load %arg3[%get3A, %get3A_0, %get3A_1] : memref<1x1x1000xf32, #tpu.memory_space<vmem>>, vector<1x1x1000xf32>
    %get3A_3 = vector.shape_cast %get3A_2 : vector<1x1x1000xf32> to vector<1000xf32>
    %get3A_4 = arith.constant 0 : index
    %get3A_5 = arith.constant 0 : index
    %get3A_6 = arith.constant 0 : index
    %get3A_7 = vector.load %arg1[%get3A_4, %get3A_5, %get3A_6] : memref<2x1000x32xf32, #tpu.memory_space<vmem>>, vector<1x1000x32xf32>
    %get3A_8 = vector.shape_cast %get3A_7 : vector<1x1000x32xf32> to vector<1000x32xf32>
    %get3A_9 = arith.constant 1 : index
    %get3A_10 = arith.constant 0 : index
    %get3A_11 = arith.constant 0 : index
    %get3A_12 = vector.load %arg1[%get3A_9, %get3A_10, %get3A_11] : memref<2x1000x32xf32, #tpu.memory_space<vmem>>, vector<1x1000x32xf32>
    %get3A_13 = vector.shape_cast %get3A_12 : vector<1x1000x32xf32> to vector<1000x32xf32>
    %concatenate3A = tpu.concatenate %get3A_8, %get3A_13 in 1 : vector<1000x32xf32>, vector<1000x32xf32> -> vector<1000x64xf32>
    %get3A_14 = arith.constant 0 : index
    %get3A_15 = arith.constant 0 : index
    %get3A_16 = vector.load %arg2[%get3A_14, %get3A_15] : memref<1000x64xf32, #tpu.memory_space<vmem>>, vector<1000x64xf32>
    %add3A = arith.addf %concatenate3A, %get3A_16 : vector<1000x64xf32>
    %broadcast_in_dim3A = vector.shape_cast %get3A_3 : vector<1000xf32> to vector<1000x1xf32>
    %mul3A = vector.broadcast %broadcast_in_dim3A : vector<1000x1xf32> to vector<1000x64xf32>
    %mul3A_17 = arith.mulf %mul3A, %add3A : vector<1000x64xf32>
    %get3A_18 = arith.constant 0 : index
    %get3A_19 = vector.load %arg4[%get3A_18] : memref<64xf32, #tpu.memory_space<vmem>>, vector<64xf32>
    %broadcast_in_dim3A_20 = vector.shape_cast %get3A_19 : vector<64xf32> to vector<1x64xf32>
    %add3A_21 = vector.broadcast %broadcast_in_dim3A_20 : vector<1x64xf32> to vector<1000x64xf32>
    %add3A_22 = arith.addf %mul3A_17, %add3A_21 : vector<1000x64xf32>
    %swap3A = arith.constant 0 : index
    %swap3A_23 = arith.constant 0 : index
    %swap3A_24 = vector.load %arg5[%swap3A, %swap3A_23] : memref<1000x64xf32, #tpu.memory_space<vmem>>, vector<1000x64xf32>
    tpu.vector_store %arg5[%swap3A, %swap3A_23], %add3A_22 {strides = array<i32>} : memref<1000x64xf32, #tpu.memory_space<vmem>>, vector<1000x64xf32>,
    return
  }
  func.func @transform_0(%arg0: i32) -> (i32, i32, i32) {
    %c0_i32 = arith.constant 0 : i32
    %c0_i32_0 = arith.constant 0 : i32
    %c0_i32_1 = arith.constant 0 : i32
    return %c0_i32, %arg0, %c0_i32_0 : i32, i32, i32
  }
  func.func @transform_1(%arg0: i32) -> (i32, i32) {
    %c0_i32 = arith.constant 0 : i32
    %c0_i32_0 = arith.constant 0 : i32
    return %arg0, %c0_i32 : i32, i32
  }
  func.func @transform_2(%arg0: i32) -> (i32, i32, i32) {
    %c0_i32 = arith.constant 0 : i32
    %c0_i32_0 = arith.constant 0 : i32
    %c0_i32_1 = arith.constant 0 : i32
    return %arg0, %c0_i32, %c0_i32_0 : i32, i32, i32
  }
  func.func @transform_3(%arg0: i32) -> i32 {
    %c0_i32 = arith.constant 0 : i32
    %c0_i32_0 = arith.constant 0 : i32
    return %c0_i32 : i32
  }
  func.func @transform_4(%arg0: i32) -> (i32, i32) {
    %c0_i32 = arith.constant 0 : i32
    %c0_i32_0 = arith.constant 0 : i32
    return %arg0, %c0_i32 : i32, i32
  }
}

</mosaic_0001>

<sc_bundles>
// kernel: kernel.11.cloned.1.call-start
scs
__scs_entry_jumppad:
0x0: {  	(pc) =	sbr.rel $0x88, $3  }
0x1: {  	(tag) =	ssettag $0x0;
	lr =	simm.s32 $0x1  }
0x2: {  	[smem:$0x3F9B] =	sst lr;
	_ =	strace $0xD0000000  }
0x3: {  	_ = 	snop  }
0x4: {  	_ = 	snop  }
0x5: {  	_ = 	snop  }
0x6: {  	_ = 	snop  }
0x7: {  	_ = 	snop  }
__scs_overlays_trampoline_lowered:
0x8: {  	[smem:$0x3FAA] =	sst s0  }
0x9: {  	[smem:$0x3FAB] =	sst s1  }
0xa: {  	[smem:$0x3FAC] =	sst s2  }
0xb: {  	[smem:$0x3FAD] =	sst s3  }
0xc: {  	[smem:$0x3FAE] =	sst s4  }
0xd: {  	[smem:$0x3FAF] =	sst s5  }
0xe: {  	[smem:$0x3FB0] =	sst s6  }
0xf: {  	[smem:$0x3FB1] =	sst s7  }
0x10: {  	[smem:$0x3FB2] =	sst s8  }
0x11: {  	[smem:$0x3FB3] =	sst s9;
	s0 =	simm.s32 @!p0 $0x0  }
0x12: {  	s1 =	sld [smem:$0x3F99];
	s0 =	simm.s32 @p0 $0x1  }
0x13: {  	[smem:$0x3FB4] =	sst s0;
	s0 =	simm.s32 @!p1 $0x0  }
0x14: {  	s2 =	sld [smem:$0x3F98];
	s0 =	simm.s32 @p1 $0x1  }
0x15: {  	[smem:$0x3FB5] =	sst s0;
	s0 =	simm.s32 @!p2 $0x0  }
0x16: {  	s3 =	sld [smem:$0x3FDB];
	s0 =	simm.s32 @p2 $0x1  }
0x17: {  	s4 =	simm.s32 $0x1BF5;
	[smem:$0x3FB7] =	sst s0  }
0x18: {  	s0 =	sld [smem:$0x3F9A];
	_ =	swait.ge [sflag:s4], $0x0  }
0x19: {  	s7 =	sld [smem:$0x3F9B]  }
0x1a: {  	s8 =	sadd.s32 $0xFFFFE003, lr  }
0x1b: {  	s9 =	sadd.s32 $0xFFFFFEF7, lr;
	s5 =	simm.s32 $0xFFFFFFFF;
	p2 =	slt.u32 s8, $0xFFFFF086  }
0x1c: {  	p1 =	slt.u32 s9, $0xF7A;
	s5 =	simm.s32 @!p2 $0x0  }
0x1d: {  	s5 =	simm.s32 @p1 $0x1;
	p0 =	seq.s32 s7, s2  }
0x1e: {  	s7 =	smul.u32 @!p0 $0xF7A, s2;
	p2 =	seq.s32 @!p0 s5, $0x0  }
0x1f: {  	s9 =	smul.u32 $0xF7A, s1;
	s8 =	simm.s32 @!p0 $0x1BF5;
	p2 =	por !p2, p0  }
0x20: {  	[sflag:s8] =	ssyncset.s32 @!p0 $0xFFFFF086;
	s6 =	sadd.s32 @!p0 s3, s7;
	s7 =	simm.s32 @!p0 $0x108  }
0x21: {  	s3 =	sadd.s32 s3, s9;
	s6 =	sadd.s32 @!p0 $0x88, s6;
	s7 =	simm.s32 @p2 $0x1082  }
0x22: {  	[simem:s7], [sflag:s8] =	dma.local @!p0 [hbm:s6], $0xF7A  }
0x23: {  	s9 =	sor.u32 $0xD0000000, s2;
	s6 =	simm.s32 $0x108;
	_ =	swait.ge @!p0 [sflag:s8], $0x0  }
0x24: {  	s3 =	sadd.s32 $0x88, s3;
	s6 =	simm.s32 @!p1 $0x1082;
	[sflag:s4] =	ssyncset.s32 $0xFFFFF086  }
0x25: {  	[simem:s6], [sflag:s4] =	dma.local [hbm:s3], $0xF7A  }
0x26: {  	[smem:$0x3F9B] =	sst s1;
	(tag) =	ssettag s2;
	_ =	strace s9  }
0x27: {  	s1 =	sld [smem:$0x3FAB]  }
0x28: {  	s2 =	sld [smem:$0x3FAC]  }
0x29: {  	s4 =	sld [smem:$0x3FAE]  }
0x2a: {  	p0 =	seq.s32 s5, $0x0;
	s5 =	sld [smem:$0x3FAF]  }
0x2b: {  	s6 =	sld [smem:$0x3FB0]  }
0x2c: {  	s7 =	sld [smem:$0x3FB1]  }
0x2d: {  	s3 =	simm.s32 $0x108;
	s8 =	sld [smem:$0x3FB2]  }
0x2e: {  	s3 =	simm.s32 @!p0 $0x1082;
	s9 =	sld [smem:$0x3FB3]  }
0x2f: {  	lr =	sadd.s32 s0, s3;
	s0 =	sld [smem:$0x3FAA]  }
0x30: {  	s3 =	sld [smem:$0x3FAD]  }
0x31: {  	[smem:$0x3FB6] =	sst s10  }
0x32: {  	s10 =	sld [smem:$0x3FB4];
	_ =	sdelay $0x3  }
0x33: {  	p0 =	seq.s32 s10, $0x1;
	s10 =	sld [smem:$0x3FB6];
	_ =	sdelay $0x3  }
0x34: {  	[smem:$0x3FB6] =	sst s10  }
0x35: {  	s10 =	sld [smem:$0x3FB5];
	_ =	sdelay $0x3  }
0x36: {  	p1 =	seq.s32 s10, $0x1;
	s10 =	sld [smem:$0x3FB6];
	_ =	sdelay $0x3  }
0x37: {  	[smem:$0x3FB6] =	sst s10  }
0x38: {  	s10 =	sld [smem:$0x3FB7]  }
0x39: {  	_ = 	snop;
	(pc) =	sbr.ind lr, $3  }
0x3a: {  	_ = 	snop  }
0x3b: {  	_ = 	snop  }
0x3c: {  	p2 =	seq.s32 s10, $0x1;
	s10 =	sld [smem:$0x3FB6]  }
0x3d: {  	_ =	shalt  }
0x3e: {  	_ =	shalt  }
0x3f: {  	_ =	shalt  }
0x40: {  	_ =	shalt  }
0x41: {  	_ =	shalt  }
0x42: {  	_ =	shalt  }
0x43: {  	_ =	shalt  }
0x44: {  	_ =	shalt  }
0x45: {  	_ =	shalt  }
0x46: {  	_ =	shalt  }
0x47: {  	_ =	shalt  }
0x48: {  	_ =	shalt  }
0x49: {  	_ =	shalt  }
0x4a: {  	_ =	shalt  }
0x4b: {  	_ =	shalt  }
0x4c: {  	_ =	shalt  }
0x4d: {  	_ =	shalt  }
0x4e: {  	_ =	shalt  }
0x4f: {  	_ =	shalt  }
0x50: {  	_ =	shalt  }
0x51: {  	_ =	shalt  }
0x52: {  	_ =	shalt  }
0x53: {  	_ =	shalt  }
0x54: {  	_ =	shalt  }
0x55: {  	_ =	shalt  }
0x56: {  	_ =	shalt  }
0x57: {  	_ =	shalt  }
0x58: {  	_ =	shalt  }
0x59: {  	_ =	shalt  }
0x5a: {  	_ =	shalt  }
0x5b: {  	_ =	shalt  }
0x5c: {  	_ =	shalt  }
0x5d: {  	_ =	shalt  }
0x5e: {  	_ =	shalt  }
0x5f: {  	_ =	shalt  }
0x60: {  	_ =	shalt  }
0x61: {  	_ =	shalt  }
0x62: {  	_ =	shalt  }
0x63: {  	_ =	shalt  }
0x64: {  	_ =	shalt  }
0x65: {  	_ =	shalt  }
0x66: {  	_ =	shalt  }
0x67: {  	_ =	shalt  }
0x68: {  	_ =	shalt  }
0x69: {  	_ =	shalt  }
0x6a: {  	_ =	shalt  }
0x6b: {  	_ =	shalt  }
0x6c: {  	_ =	shalt  }
0x6d: {  	_ =	shalt  }
0x6e: {  	_ =	shalt  }
0x6f: {  	_ =	shalt  }
0x70: {  	_ =	shalt  }
0x71: {  	_ =	shalt  }
0x72: {  	_ =	shalt  }
0x73: {  	_ =	shalt  }
0x74: {  	_ =	shalt  }
0x75: {  	_ =	shalt  }
0x76: {  	_ =	shalt  }
0x77: {  	_ =	shalt  }
0x78: {  	_ =	shalt  }
0x79: {  	_ =	shalt  }
0x7a: {  	_ =	shalt  }
0x7b: {  	_ =	shalt  }
0x7c: {  	_ =	shalt  }
0x7d: {  	_ =	shalt  }
0x7e: {  	_ =	shalt  }
0x7f: {  	_ =	shalt  }
0x80: {  	_ =	shalt  }
0x81: {  	_ =	shalt  }
0x82: {  	_ =	shalt  }
0x83: {  	_ =	shalt  }
0x84: {  	_ =	shalt  }
0x85: {  	_ =	shalt  }
0x86: {  	_ =	shalt  }
0x87: {  	_ =	shalt  }
.Lfunc_end0:
.L_simem_size_0:
called_computation.1_lowered:
.L_overlay_start_0:
0x88: {  	s2 =	sld [smem:$0x3FD9]  }
0x89: {  	s3 =	sld [smem:$0x3FFE];
	_ =	sdelay $0x1  }
0x8a: {  	s1 =	srdreg.scid  }
0x8b: {  	s0 =	sand.u32 $0x1, s1  }
0x8c: {  	s16 =	sshll.u32 s0, $0xA;
	s2 =	sadd.s32 s3, s2  }
0x8d: {  	s2 =	sadd.s32 s2, s16  }
0x8e: {  	[smem:$0x3FC2] =	sst s2  }
0x8f: {  	_ = 	snop  }
0x90: {  	(tm) =	ssettm $0x1  }
0x91: {  	s17 =	sld [smem:$0x3FFB];
	_ =	sdelay $0x3  }
0x92: {  	_ =	strace s17  }
0x93: {  	s2 =	sld [smem:$0x3FFC];
	_ =	sdelay $0x3  }
0x94: {  	_ =	strace s2  }
0x95: {  	s2 =	sld [smem:$0x3FFD];
	_ =	sdelay $0x3  }
0x96: {  	_ =	strace s2  }
0x97: {  	_ =	strace $0x8FFFFFFF  }
0x98: {  	s18 =	sld [smem:$0x3FDB];
	_ =	sdelay $0x1  }
0x99: {  	s19 =	simm.s32 $_scs_section_size  }
0x9a: {  	s4 =	simm.s32 $_size__tile_overlayer_lowered;
	s5 =	simm.s32 $_tile_overlayer_lowered  }
0x9b: {  	s22 =	simm.s32 $0x1BFF;
	s21 =	sshll.u32 s5, $0x1;
	s2 =	sadd.s32 s19, s18  }
0x9c: {  	s6 =	simm.s32 $0x0;
	s20 =	sshll.u32 s4, $0x1;
	s4 =	sadd.s32 s21, s2  }
0x9d: {  	[timem:s6], [sflag:s22] =	dma.local [hbm:s4], s20  }
0x9e: {  	_ =	swait.ge [sflag:s22], s20  }
0x9f: {  	s3 =	ssub.s32 $0x0, s20;
	[sflag:s22] =	ssyncset.done $0x0  }
0xa0: {  	[sflag:s22] =	ssyncadd.s32 s3;
	_ =	sdelay $0x1  }
0xa1: {  	s23 =	simm.s32 $0x1B8B  }
0xa2: {  	_ =	swait.ge [sflag:s23], $0x1  }
0xa3: {  	[sflag:s23] =	ssyncset.done $0x0  }
0xa4: {  	s25 =	simm.s32 $0x1B8E;
	s24 =	sld [smem:$0x3FFE];
	[sflag:s23] =	ssyncadd.s32 $0xFFFFFFFF  }
0xa5: {  	s26 =	simm.s32 $execute0_lowered;
	[smem:$0x3FD2] =	sst s25  }
0xa6: {  	s4 =	sshll.u32 s26, $0x1;
	_ =	strace $0x80000049;
	[dreg:$0x1] =	wrdreg $0xFFFFFFFF  }
0xa7: {  	s28 =	simm.s32 $_size_execute0_lowered;
	s2 =	sadd.s32 s2, s4;
	[dreg:$0x0] =	wrdreg $0x0  }
0xa8: {  	s4 =	sshll.u32 s28, $0x1;
	[dreg:$0x2] =	wrdreg s2  }
0xa9: {  	[dreg:$0x3] =	wrdreg s4  }
0xaa: {  	[dreg:$0x4] =	wrdreg $0xC0  }
0xab: {  	_ =	task [dreg:s6], $0x5FFFF  }
0xac: {  	[dreg:$0x1] =	wrdreg $0xFFFFFFFF  }
0xad: {  	[dreg:$0x0] =	wrdreg $0x60  }
0xae: {  	[dreg:$0x2] =	wrdreg s24  }
0xaf: {  	[dreg:$0x3] =	wrdreg $0x120000  }
0xb0: {  	[dreg:$0x4] =	wrdreg $0x9  }
0xb1: {  	_ =	task.clear_ibuf [dreg:s6], $0x5FFFF;
	_ =	strace $0x90000049  }
0xb2: {  	s29 =	simm.s32 $0x9;
	_ =	strace $0x8000004B  }
0xb3: {  	_ =	swait.ge [sflag:s29], $0x1  }
0xb4: {  	[sflag:s29] =	ssyncadd.s32 $0xFFFFFFFF  }
0xb5: {  	_ =	strace $0x9000004B  }
0xb6: {  	_ =	sfence  }
0xb7: {  	s30 =	sld [smem:$0x0];
	_ =	sdelay $0x2  }
0xb8: {  	s31 =	sshll.u32 s1, $0xD;
	s1 =	sshrl.u32 s1, $0x2  }
0xb9: {  	s3 =	sand.u32 $0x4000, s31;
	s1 =	sadd.s32 s1, s30  }
0xba: {  	s0 =	sor.u32 s3, s0;
	s1 =	sshll.u32 s1, $0x11  }
0xbb: {  	s0 =	sor.u32 s1, s0  }
0xbc: {  	s0 =	sadd.s32 $0x8F2B, s0  }
0xbd: {  	[sflag:s0] =	ssyncadd.remote.s32 $0x1  }
0xbe: {  	_ =	sfence.sel $0xFFFF  }
0xbf: {  	[dreg:$0x0] =	wrdreg $0xFFFFFFFF;
	(pc) =	sbr.abs _section_cstart, $3  }
0xc0: {  	[dreg:$0x1] =	wrdreg $0xFFFFFFFF  }
0xc1: {  	_ =	task.clear_ibuf [dreg:s6], $0x2FFFF;
	_ =	strace $0x9FFFFFFF  }
0xc2: {  	(tm) =	ssettm $0x7FFFFFFF  }
0xc3: {  	_ =	shalt  }
tec
execute0_lowered:
.L_overlay_start_1:
0x0: {  	(tag) =	ssettag $0x1  }
0x1: {  	s1 =	rddreg [dreg:$0x0]  }
0x2: {  	s0 =	srdreg.scid;
	s2 =	rddreg [dreg:$0x1]  }
0x3: {  	s8 =	stileid.u32;
	s3 =	simm.s32 $0x0;
	s14 =	simm.s32 $0x5  }
0x4: {  	s16 =	simm.s32 $0xA000;
	s17 =	simm.s32 $0x80;
	s18 =	simm.s32 $0xC000  }
0x5: {  	s20 =	simm.s32 $0xE000;
	s22 =	simm.s32 $0x10000;
	s23 =	simm.s32 $0x1  }
0x6: {  	s28 =	simm.s32 $0x9E00;
	s29 =	simm.s32 $0x9E80;
	s30 =	simm.s32 $0x9F00  }
0x7: {  	s31 =	simm.s32 $0x9F80;
	s0 =	sand.u32 $0x1, s0;
	[smem:$0x7FF] =	sst s3  }
0x8: {  	s6 =	smul.u32 $0x14000, s8;
	s4 =	sshll.u32 s0, $0x4;
	_ =	strace $0x8000004A  }
0x9: {  	s7 =	sshll.u32 s0, $0x6;
	s0 =	ssub.s32 $0x2, s0;
	s4 =	sor.u32 s8, s4  }
0xa: {  	s8 =	smul.u32 $0x28000, s8;
	s24 =	sor.u32 s7, s6;
	s25 =	sshrl.u32 s0, $0x1  }
0xb: {  	s5 =	smul.u32 $0xA00, s4;
	s4 =	sadd.s32 $0x2A800, s1;
	s0 =	ssub.s32 s0, s25  }
0xc: {  	s25 =	simm.s32 $0x3;
	s26 =	sshrl.u32 s8, $0x2;
	s13 =	smax.u32 s0, $0x1  }
0xd: {  	s0 =	simm.s32 $0x10;
	s9 =	sadd.s32 s5, s1;
	s5 =	sshrl.u32 s24, $0x3  }
0xe: {  	s24 =	simm.s32 $0x2;
	s1 =	sadd.s32 s5, s1;
	s5 =	sadd.s32 s26, s2  }
0xf: {  	s6 =	sadd.s32 $0x16800, s9;
	s7 =	sadd.s32 $0x2800, s9;
	s26 =	simm.s32 $0x4  }
0x10: {  	s8 =	sadd.s32 $0x2000, s5;
	s9 =	sadd.s32 $0x4000, s5;
	s10 =	sadd.s32 $0x6000, s5  }
0x11: {  	v0 =	vimm.f32 $0.0e+00;
	s11 =	sadd.s32 $0x8000, s5;
	s12 =	sadd.s32 $0x51A00, s1;
	s1 =	simm.s32 $0x8  }
.LBB2_1:
0x12: {  	s19 =	simm.s32 $0x100;
	s15 =	simm.s32 $0x0  }
.LBB2_2:
0x13: {  	p0 =	sne.s32 s19, $0x7F00;
	[tilespmem:s15+$0xA030] =	vst v0;
	s21 =	smov.u32 s19;
	s19 =	sadd.s32 $0x100, s19  }
.Ltmp0:
0x14: {  	[tilespmem:s15+$0xA020] =	vst v0;
	(pc) =	sbr.rel @p0 .LBB2_2-.Ltmp0, $3  }
0x15: {  	[tilespmem:s15+$0xA000] =	vst v0  }
0x16: {  	[tilespmem:s15+$0xA010] =	vst v0;
	_ =	sdelay $0x1  }
0x17: {  	s15 =	sshra.s32 s21, $0x2  }
0x18: {  	[tilespmem:s15+$0xA030] =	vst v0  }
0x19: {  	[tilespmem:s15+$0xA020] =	vst v0  }
0x1a: {  	[tilespmem:s15+$0xA000] =	vst v0  }
0x1b: {  	[tilespmem:s15+$0xA010] =	vst v0;
	s21 =	simm.s32 $0x0  }
0x1c: {  	[tilespmem:s21], [sflag:$0x5] =	stream.linear.gather [hbm4b:s6+s21], $0x5000, $0x38;
	[tilespmem:$0x1C000] =	vst v63  }
0x1d: {  	_ =	swait.ge [sflag:s14], $0x5000  }
0x1e: {  	[sflag:s14] =	ssyncset.done $0x0  }
0x1f: {  	s19 =	simm.s32 $0x5000;
	[sflag:s14] =	ssyncadd.s32 $0xFFFFB000  }
0x20: {  	[tilespmem:s19], [sflag:$0x5] =	stream.linear.gather [hbm4b:s7+s21], $0x5000, $0x38;
	[tilespmem:$0x1C000] =	vst v63  }
0x21: {  	_ =	swait.ge [sflag:s14], $0x5000  }
0x22: {  	[sflag:s14] =	ssyncset.done $0x0  }
0x23: {  	[sflag:s14] =	ssyncadd.s32 $0xFFFFB000  }
0x24: {  	[spmem:s5] =	stream.linear.scatter [tilespmem:s16], [sflag:$0x5], $0x2000, $0x38;
	[tilespmem:$0x1C000] =	vst v63  }
0x25: {  	_ =	swait.ge [sflag:s14], $0x2000  }
0x26: {  	[sflag:s14] =	ssyncset.done $0x0  }
0x27: {  	[sflag:s14] =	ssyncadd.s32 $0xFFFFE000  }
0x28: {  	[spmem:s8] =	stream.linear.scatter [tilespmem:s16], [sflag:$0x5], $0x2000, $0x38;
	[tilespmem:$0x1C000] =	vst v63  }
0x29: {  	_ =	swait.ge [sflag:s14], $0x2000  }
0x2a: {  	[sflag:s14] =	ssyncset.done $0x0  }
0x2b: {  	[sflag:s14] =	ssyncadd.s32 $0xFFFFE000  }
0x2c: {  	[spmem:s9] =	stream.linear.scatter [tilespmem:s16], [sflag:$0x5], $0x2000, $0x38;
	[tilespmem:$0x1C000] =	vst v63  }
0x2d: {  	_ =	swait.ge [sflag:s14], $0x2000  }
0x2e: {  	[sflag:s14] =	ssyncset.done $0x0  }
0x2f: {  	[sflag:s14] =	ssyncadd.s32 $0xFFFFE000  }
0x30: {  	[spmem:s10] =	stream.linear.scatter [tilespmem:s16], [sflag:$0x5], $0x2000, $0x38;
	[tilespmem:$0x1C000] =	vst v63  }
0x31: {  	_ =	swait.ge [sflag:s14], $0x2000  }
0x32: {  	[sflag:s14] =	ssyncset.done $0x0  }
0x33: {  	[sflag:s14] =	ssyncadd.s32 $0xFFFFE000  }
0x34: {  	[spmem:s11] =	stream.linear.scatter [tilespmem:s16], [sflag:$0x5], $0x2000, $0x38;
	[tilespmem:$0x1C000] =	vst v63  }
0x35: {  	_ =	swait.ge [sflag:s14], $0x2000  }
0x36: {  	[sflag:s14] =	ssyncset.done $0x0  }
0x37: {  	[sflag:s14] =	ssyncadd.s32 $0xFFFFE000  }
0x38: {  	[bflag:$0x0] =	sbarrier.arrive $0xFFFF  }
0x39: {  	[tilespmem:s16], [sflag:$0x1] =	stream.indirect.gather [hbm4b:s4+s17], $0x40, s21, s17, $0xb8;
	[tilespmem:$0x1C000] =	vst v63  }
0x3a: {  	_ = 	snop  }
0x3b: {  	[tilespmem:s18], [sflag:$0x2] =	stream.indirect.gather [hbm4b:s4+s17], $0x40, s17, s17, $0xb8;
	[tilespmem:$0x1C000] =	vst v63  }
0x3c: {  	s21 =	simm.s32 $0x100  }
0x3d: {  	[tilespmem:s20], [sflag:$0x3] =	stream.indirect.gather [hbm4b:s4+s17], $0x40, s21, s17, $0xb8;
	[tilespmem:$0x1C000] =	vst v63  }
0x3e: {  	s19 =	simm.s32 $0x180  }
0x3f: {  	[tilespmem:s22], [sflag:$0x4] =	stream.indirect.gather [hbm4b:s4+s17], $0x40, s19, s17, $0xb8;
	[tilespmem:$0x1C000] =	vst v63  }
0x40: {  	_ =	swait.ge [sflag:s23], $0x2000  }
0x41: {  	[sflag:s23] =	ssyncset.done $0x0  }
0x42: {  	s21 =	simm.s32 $0x5000;
	[sflag:s23] =	ssyncadd.s32 $0xFFFFE000  }
0x43: {  	[spmem:s2] =	stream.indirect.scatter.add.f32 [tilespmem:s16], [sflag:$0x5], $0x40, s21, s17, $0xb8;
	[tilespmem:$0x1C000] =	vst v63  }
0x44: {  	_ =	swait.ge [sflag:s14], $0x2000  }
0x45: {  	[sflag:s14] =	ssyncset.done $0x0  }
0x46: {  	s19 =	simm.s32 $0x200;
	[sflag:s14] =	ssyncadd.s32 $0xFFFFE000  }
0x47: {  	[tilespmem:s16], [sflag:$0x1] =	stream.indirect.gather [hbm4b:s4+s17], $0x40, s19, s17, $0xb8;
	[tilespmem:$0x1C000] =	vst v63  }
0x48: {  	_ =	swait.ge [sflag:s24], $0x2000  }
0x49: {  	[sflag:s24] =	ssyncset.done $0x0  }
0x4a: {  	s21 =	simm.s32 $0x5080;
	[sflag:s24] =	ssyncadd.s32 $0xFFFFE000  }
0x4b: {  	[spmem:s2] =	stream.indirect.scatter.add.f32 [tilespmem:s18], [sflag:$0x5], $0x40, s21, s17, $0xb8;
	[tilespmem:$0x1C000] =	vst v63  }
0x4c: {  	_ =	swait.ge [sflag:s14], $0x2000  }
0x4d: {  	[sflag:s14] =	ssyncset.done $0x0  }
0x4e: {  	s19 =	simm.s32 $0x280;
	[sflag:s14] =	ssyncadd.s32 $0xFFFFE000  }
0x4f: {  	[tilespmem:s18], [sflag:$0x2] =	stream.indirect.gather [hbm4b:s4+s17], $0x40, s19, s17, $0xb8;
	[tilespmem:$0x1C000] =	vst v63  }
0x50: {  	_ =	swait.ge [sflag:s25], $0x2000  }
0x51: {  	[sflag:s25] =	ssyncset.done $0x0  }
0x52: {  	s21 =	simm.s32 $0x5100;
	[sflag:s25] =	ssyncadd.s32 $0xFFFFE000  }
0x53: {  	[spmem:s2] =	stream.indirect.scatter.add.f32 [tilespmem:s20], [sflag:$0x5], $0x40, s21, s17, $0xb8;
	[tilespmem:$0x1C000] =	vst v63  }
0x54: {  	_ =	swait.ge [sflag:s14], $0x2000  }
0x55: {  	[sflag:s14] =	ssyncset.done $0x0  }
0x56: {  	s19 =	simm.s32 $0x300;
	[sflag:s14] =	ssyncadd.s32 $0xFFFFE000  }
0x57: {  	[tilespmem:s20], [sflag:$0x3] =	stream.indirect.gather [hbm4b:s4+s17], $0x40, s19, s17, $0xb8;
	[tilespmem:$0x1C000] =	vst v63  }
0x58: {  	_ =	swait.ge [sflag:s26], $0x2000  }
0x59: {  	[sflag:s26] =	ssyncset.done $0x0  }
0x5a: {  	s21 =	simm.s32 $0x5180;
	[sflag:s26] =	ssyncadd.s32 $0xFFFFE000  }
0x5b: {  	[spmem:s2] =	stream.indirect.scatter.add.f32 [tilespmem:s22], [sflag:$0x5], $0x40, s21, s17, $0xb8;
	[tilespmem:$0x1C000] =	vst v63  }
0x5c: {  	_ =	swait.ge [sflag:s14], $0x2000  }
0x5d: {  	[sflag:s14] =	ssyncset.done $0x0  }
0x5e: {  	s15 =	simm.s32 $0x800;
	s19 =	simm.s32 $0x380;
	[sflag:s14] =	ssyncadd.s32 $0xFFFFE000  }
.LBB2_4:
0x5f: {  	[tilespmem:s22], [sflag:$0x4] =	stream.indirect.gather [hbm4b:s4+s17], $0x40, s19, s17, $0xb8;
	[tilespmem:$0x1C000] =	vst v63  }
0x60: {  	s19 =	smov.u32 s15  }
0x61: {  	p0 =	sne.s32 s15, $0x13000;
	s15 =	sadd.s32 $0x800, s15;
	_ =	swait.ge [sflag:s23], $0x2000  }
0x62: {  	s19 =	sshra.s32 s19, $0x2;
	[sflag:s23] =	ssyncset.done $0x0  }
0x63: {  	s21 =	sadd.s32 $0x5000, s19;
	[sflag:s23] =	ssyncadd.s32 $0xFFFFE000  }
0x64: {  	[spmem:s2] =	stream.indirect.scatter.add.f32 [tilespmem:s16], [sflag:$0x5], $0x40, s21, s17, $0xb8;
	[tilespmem:$0x1C000] =	vst v63  }
0x65: {  	_ =	swait.ge [sflag:s14], $0x2000  }
0x66: {  	[sflag:s14] =	ssyncset.done $0x0  }
0x67: {  	s21 =	sadd.s32 $0x200, s19;
	[sflag:s14] =	ssyncadd.s32 $0xFFFFE000  }
0x68: {  	[tilespmem:s16], [sflag:$0x1] =	stream.indirect.gather [hbm4b:s4+s17], $0x40, s21, s17, $0xb8;
	[tilespmem:$0x1C000] =	vst v63  }
0x69: {  	_ =	swait.ge [sflag:s24], $0x2000  }
0x6a: {  	[sflag:s24] =	ssyncset.done $0x0  }
0x6b: {  	s21 =	sadd.s32 $0x5080, s19;
	[sflag:s24] =	ssyncadd.s32 $0xFFFFE000  }
0x6c: {  	[spmem:s2] =	stream.indirect.scatter.add.f32 [tilespmem:s18], [sflag:$0x5], $0x40, s21, s17, $0xb8;
	[tilespmem:$0x1C000] =	vst v63  }
0x6d: {  	_ =	swait.ge [sflag:s14], $0x2000  }
0x6e: {  	[sflag:s14] =	ssyncset.done $0x0  }
0x6f: {  	s21 =	sadd.s32 $0x280, s19;
	[sflag:s14] =	ssyncadd.s32 $0xFFFFE000  }
0x70: {  	[tilespmem:s18], [sflag:$0x2] =	stream.indirect.gather [hbm4b:s4+s17], $0x40, s21, s17, $0xb8;
	[tilespmem:$0x1C000] =	vst v63  }
0x71: {  	_ =	swait.ge [sflag:s25], $0x2000  }
0x72: {  	[sflag:s25] =	ssyncset.done $0x0  }
0x73: {  	s21 =	sadd.s32 $0x5100, s19;
	[sflag:s25] =	ssyncadd.s32 $0xFFFFE000  }
0x74: {  	[spmem:s2] =	stream.indirect.scatter.add.f32 [tilespmem:s20], [sflag:$0x5], $0x40, s21, s17, $0xb8;
	[tilespmem:$0x1C000] =	vst v63  }
0x75: {  	_ =	swait.ge [sflag:s14], $0x2000  }
0x76: {  	[sflag:s14] =	ssyncset.done $0x0  }
0x77: {  	s21 =	sadd.s32 $0x300, s19;
	[sflag:s14] =	ssyncadd.s32 $0xFFFFE000  }
0x78: {  	[tilespmem:s20], [sflag:$0x3] =	stream.indirect.gather [hbm4b:s4+s17], $0x40, s21, s17, $0xb8;
	[tilespmem:$0x1C000] =	vst v63  }
0x79: {  	_ =	swait.ge [sflag:s26], $0x2000  }
0x7a: {  	[sflag:s26] =	ssyncset.done $0x0  }
.Ltmp1:
0x7b: {  	s21 =	sadd.s32 $0x5180, s19;
	[sflag:s26] =	ssyncadd.s32 $0xFFFFE000;
	(pc) =	sbr.rel @p0 .LBB2_4-.Ltmp1, $4  }
0x7c: {  	[spmem:s2] =	stream.indirect.scatter.add.f32 [tilespmem:s22], [sflag:$0x5], $0x40, s21, s17, $0xb8;
	[tilespmem:$0x1C000] =	vst v63  }
0x7d: {  	_ =	swait.ge [sflag:s14], $0x2000  }
0x7e: {  	[sflag:s14] =	ssyncset.done $0x0  }
0x7f: {  	s19 =	sadd.s32 $0x380, s19;
	[sflag:s14] =	ssyncadd.s32 $0xFFFFE000  }
0x80: {  	[tilespmem:s22], [sflag:$0x4] =	stream.indirect.gather [hbm4b:s4+s17], $0x40, s19, s17, $0xb8;
	[tilespmem:$0x1C000] =	vst v63  }
0x81: {  	_ =	swait.ge [sflag:s23], $0x2000  }
0x82: {  	[sflag:s23] =	ssyncset.done $0x0  }
0x83: {  	[sflag:s23] =	ssyncadd.s32 $0xFFFFE000  }
0x84: {  	[spmem:s2] =	stream.indirect.scatter.add.f32 [tilespmem:s16], [sflag:$0x5], $0x40, s28, s17, $0xb8;
	[tilespmem:$0x1C000] =	vst v63  }
0x85: {  	_ =	swait.ge [sflag:s14], $0x2000  }
0x86: {  	[sflag:s14] =	ssyncset.done $0x0  }
0x87: {  	[sflag:s14] =	ssyncadd.s32 $0xFFFFE000  }
0x88: {  	_ =	swait.ge [sflag:s24], $0x2000  }
0x89: {  	[sflag:s24] =	ssyncset.done $0x0  }
0x8a: {  	[sflag:s24] =	ssyncadd.s32 $0xFFFFE000  }
0x8b: {  	[spmem:s2] =	stream.indirect.scatter.add.f32 [tilespmem:s18], [sflag:$0x5], $0x40, s29, s17, $0xb8;
	[tilespmem:$0x1C000] =	vst v63  }
0x8c: {  	_ =	swait.ge [sflag:s14], $0x2000  }
0x8d: {  	[sflag:s14] =	ssyncset.done $0x0  }
0x8e: {  	[sflag:s14] =	ssyncadd.s32 $0xFFFFE000  }
0x8f: {  	_ =	swait.ge [sflag:s25], $0x2000  }
0x90: {  	[sflag:s25] =	ssyncset.done $0x0  }
0x91: {  	[sflag:s25] =	ssyncadd.s32 $0xFFFFE000  }
0x92: {  	[spmem:s2] =	stream.indirect.scatter.add.f32 [tilespmem:s20], [sflag:$0x5], $0x40, s30, s17, $0xb8;
	[tilespmem:$0x1C000] =	vst v63  }
0x93: {  	_ =	swait.ge [sflag:s14], $0x2000  }
0x94: {  	[sflag:s14] =	ssyncset.done $0x0  }
0x95: {  	[sflag:s14] =	ssyncadd.s32 $0xFFFFE000  }
0x96: {  	_ =	swait.ge [sflag:s26], $0x2000  }
0x97: {  	[sflag:s26] =	ssyncset.done $0x0  }
0x98: {  	[sflag:s26] =	ssyncadd.s32 $0xFFFFE000  }
0x99: {  	[spmem:s2] =	stream.indirect.scatter.add.f32 [tilespmem:s22], [sflag:$0x5], $0x40, s31, s17, $0xb8;
	[tilespmem:$0x1C000] =	vst v63  }
0x9a: {  	s15 =	stileid.u32;
	_ =	swait.ge [sflag:s14], $0x2000  }
0x9b: {  	s21 =	sshrl.u32 s5, $0x3;
	s3 =	sadd.s32 $0x1, s3;
	[sflag:s14] =	ssyncset.done $0x0  }
0x9c: {  	s15 =	sshll.u32 s15, $0x6;
	p0 =	sne.s32 s3, s13;
	[sflag:s14] =	ssyncadd.s32 $0xFFFFE000  }
.Ltmp2:
0x9d: {  	s15 =	sor.u32 $0x1C05, s15;
	[bflag:$0x0] =	sbarrier.arrive $0xFFFF;
	(pc) =	sbr.rel @p0 .LBB2_1-.Ltmp2, $4  }
0x9e: {  	[hbm:s12@s0], [sflag:s15] =	dma.strided [spmem:s21@s1], $0x1400, s23, $0x8   }
0x9f: {  	_ =	swait.ge [sflag:s14], $0x1400  }
0xa0: {  	[sflag:s14] =	ssyncset.done $0x0  }
0xa1: {  	[sflag:s14] =	ssyncadd.s32 $0xFFFFEC00  }
0xa2: {  	_ =	sfence.sel $0x180000  }
0xa3: {  	[bflag:$0x0] =	sbarrier.arrive $0xFFFF  }
0xa4: {  	_ =	strace $0x9000004A  }
0xa5: {  	s0 =	stileid.u32;
	[bflag:$0x2] =	sbarrier.arrive $0xFFFF  }
0xa6: {  	p0 =	sne.s32 s0, $0x0;
	s0 =	rddreg [dreg:$0x2]  }
0xa7: {  	s0 =	sadd.s32 @!p0 $0x100000, s0  }
0xa8: {  	[sflag:s0] =	ssyncadd.tile.s32 @!p0 $0x1;
	_ =	shalt  }
.Lfunc_end2:
_tile_overlayer_lowered:
.L_overlay_start_2:
0xa9: {  	(tag) =	ssettag $0x2  }
0xaa: {  	s0 =	rddreg [dreg:$0x0];
	s2 =	stileid.u32  }
0xab: {  	s1 =	rddreg [dreg:$0x1];
	p0 =	sne.s32 s2, $0x0  }
0xac: {  	s3 =	rddreg [dreg:$0x2];
	[bflag:$0x3] =	sbarrier.arrive $0xFFFF;
	s2 =	simm.s32 @!p0 $0x1C05  }
0xad: {  	[timem:s3], [sflag:s2] =	dma.local @!p0 [hbm:s0], s1  }
0xae: {  	s0 =	simm.s32 @!p0 $0x5  }
0xaf: {  	_ =	swait.ge @!p0 [sflag:s0], s1  }
0xb0: {  	s1 =	ssub.s32 @!p0 $0x0, s1;
	[sflag:s0] =	ssyncset.done @!p0 $0x0  }
0xb1: {  	[sflag:s0] =	ssyncadd.s32 @!p0 s1  }
0xb2: {  	[bflag:$0x3] =	sbarrier.arrive $0xFFFF  }
0xb3: {  	_ =	shalt  }

// kernel: kernel.14.cloned.1.call-start
scs
__scs_entry_jumppad:
0x0: {  	(pc) =	sbr.rel $0x88, $3  }
0x1: {  	(tag) =	ssettag $0x0;
	lr =	simm.s32 $0x1  }
0x2: {  	[smem:$0x3F9B] =	sst lr;
	_ =	strace $0xD0000000  }
0x3: {  	_ = 	snop  }
0x4: {  	_ = 	snop  }
0x5: {  	_ = 	snop  }
0x6: {  	_ = 	snop  }
0x7: {  	_ = 	snop  }
__scs_overlays_trampoline_lowered:
0x8: {  	[smem:$0x3FAA] =	sst s0  }
0x9: {  	[smem:$0x3FAB] =	sst s1  }
0xa: {  	[smem:$0x3FAC] =	sst s2  }
0xb: {  	[smem:$0x3FAD] =	sst s3  }
0xc: {  	[smem:$0x3FAE] =	sst s4  }
0xd: {  	[smem:$0x3FAF] =	sst s5  }
0xe: {  	[smem:$0x3FB0] =	sst s6  }
0xf: {  	[smem:$0x3FB1] =	sst s7  }
0x10: {  	[smem:$0x3FB2] =	sst s8  }
0x11: {  	[smem:$0x3FB3] =	sst s9;
	s0 =	simm.s32 @!p0 $0x0  }
0x12: {  	s1 =	sld [smem:$0x3F99];
	s0 =	simm.s32 @p0 $0x1  }
0x13: {  	[smem:$0x3FB4] =	sst s0;
	s0 =	simm.s32 @!p1 $0x0  }
0x14: {  	s2 =	sld [smem:$0x3F98];
	s0 =	simm.s32 @p1 $0x1  }
0x15: {  	[smem:$0x3FB5] =	sst s0;
	s0 =	simm.s32 @!p2 $0x0  }
0x16: {  	s3 =	sld [smem:$0x3FDB];
	s0 =	simm.s32 @p2 $0x1  }
0x17: {  	s4 =	simm.s32 $0x1BF5;
	[smem:$0x3FB7] =	sst s0  }
0x18: {  	s0 =	sld [smem:$0x3F9A];
	_ =	swait.ge [sflag:s4], $0x0  }
0x19: {  	s7 =	sld [smem:$0x3F9B]  }
0x1a: {  	s8 =	sadd.s32 $0xFFFFE003, lr  }
0x1b: {  	s9 =	sadd.s32 $0xFFFFFEF7, lr;
	s5 =	simm.s32 $0xFFFFFFFF;
	p2 =	slt.u32 s8, $0xFFFFF086  }
0x1c: {  	p1 =	slt.u32 s9, $0xF7A;
	s5 =	simm.s32 @!p2 $0x0  }
0x1d: {  	s5 =	simm.s32 @p1 $0x1;
	p0 =	seq.s32 s7, s2  }
0x1e: {  	s7 =	smul.u32 @!p0 $0xF7A, s2;
	p2 =	seq.s32 @!p0 s5, $0x0  }
0x1f: {  	s9 =	smul.u32 $0xF7A, s1;
	s8 =	simm.s32 @!p0 $0x1BF5;
	p2 =	por !p2, p0  }
0x20: {  	[sflag:s8] =	ssyncset.s32 @!p0 $0xFFFFF086;
	s6 =	sadd.s32 @!p0 s3, s7;
	s7 =	simm.s32 @!p0 $0x108  }
0x21: {  	s3 =	sadd.s32 s3, s9;
	s6 =	sadd.s32 @!p0 $0x88, s6;
	s7 =	simm.s32 @p2 $0x1082  }
0x22: {  	[simem:s7], [sflag:s8] =	dma.local @!p0 [hbm:s6], $0xF7A  }
0x23: {  	s9 =	sor.u32 $0xD0000000, s2;
	s6 =	simm.s32 $0x108;
	_ =	swait.ge @!p0 [sflag:s8], $0x0  }
0x24: {  	s3 =	sadd.s32 $0x88, s3;
	s6 =	simm.s32 @!p1 $0x1082;
	[sflag:s4] =	ssyncset.s32 $0xFFFFF086  }
0x25: {  	[simem:s6], [sflag:s4] =	dma.local [hbm:s3], $0xF7A  }
0x26: {  	[smem:$0x3F9B] =	sst s1;
	(tag) =	ssettag s2;
	_ =	strace s9  }
0x27: {  	s1 =	sld [smem:$0x3FAB]  }
0x28: {  	s2 =	sld [smem:$0x3FAC]  }
0x29: {  	s4 =	sld [smem:$0x3FAE]  }
0x2a: {  	p0 =	seq.s32 s5, $0x0;
	s5 =	sld [smem:$0x3FAF]  }
0x2b: {  	s6 =	sld [smem:$0x3FB0]  }
0x2c: {  	s7 =	sld [smem:$0x3FB1]  }
0x2d: {  	s3 =	simm.s32 $0x108;
	s8 =	sld [smem:$0x3FB2]  }
0x2e: {  	s3 =	simm.s32 @!p0 $0x1082;
	s9 =	sld [smem:$0x3FB3]  }
0x2f: {  	lr =	sadd.s32 s0, s3;
	s0 =	sld [smem:$0x3FAA]  }
0x30: {  	s3 =	sld [smem:$0x3FAD]  }
0x31: {  	[smem:$0x3FB6] =	sst s10  }
0x32: {  	s10 =	sld [smem:$0x3FB4];
	_ =	sdelay $0x3  }
0x33: {  	p0 =	seq.s32 s10, $0x1;
	s10 =	sld [smem:$0x3FB6];
	_ =	sdelay $0x3  }
0x34: {  	[smem:$0x3FB6] =	sst s10  }
0x35: {  	s10 =	sld [smem:$0x3FB5];
	_ =	sdelay $0x3  }
0x36: {  	p1 =	seq.s32 s10, $0x1;
	s10 =	sld [smem:$0x3FB6];
	_ =	sdelay $0x3  }
0x37: {  	[smem:$0x3FB6] =	sst s10  }
0x38: {  	s10 =	sld [smem:$0x3FB7]  }
0x39: {  	_ = 	snop;
	(pc) =	sbr.ind lr, $3  }
0x3a: {  	_ = 	snop  }
0x3b: {  	_ = 	snop  }
0x3c: {  	p2 =	seq.s32 s10, $0x1;
	s10 =	sld [smem:$0x3FB6]  }
0x3d: {  	_ =	shalt  }
0x3e: {  	_ =	shalt  }
0x3f: {  	_ =	shalt  }
0x40: {  	_ =	shalt  }
0x41: {  	_ =	shalt  }
0x42: {  	_ =	shalt  }
0x43: {  	_ =	shalt  }
0x44: {  	_ =	shalt  }
0x45: {  	_ =	shalt  }
0x46: {  	_ =	shalt  }
0x47: {  	_ =	shalt  }
0x48: {  	_ =	shalt  }
0x49: {  	_ =	shalt  }
0x4a: {  	_ =	shalt  }
0x4b: {  	_ =	shalt  }
0x4c: {  	_ =	shalt  }
0x4d: {  	_ =	shalt  }
0x4e: {  	_ =	shalt  }
0x4f: {  	_ =	shalt  }
0x50: {  	_ =	shalt  }
0x51: {  	_ =	shalt  }
0x52: {  	_ =	shalt  }
0x53: {  	_ =	shalt  }
0x54: {  	_ =	shalt  }
0x55: {  	_ =	shalt  }
0x56: {  	_ =	shalt  }
0x57: {  	_ =	shalt  }
0x58: {  	_ =	shalt  }
0x59: {  	_ =	shalt  }
0x5a: {  	_ =	shalt  }
0x5b: {  	_ =	shalt  }
0x5c: {  	_ =	shalt  }
0x5d: {  	_ =	shalt  }
0x5e: {  	_ =	shalt  }
0x5f: {  	_ =	shalt  }
0x60: {  	_ =	shalt  }
0x61: {  	_ =	shalt  }
0x62: {  	_ =	shalt  }
0x63: {  	_ =	shalt  }
0x64: {  	_ =	shalt  }
0x65: {  	_ =	shalt  }
0x66: {  	_ =	shalt  }
0x67: {  	_ =	shalt  }
0x68: {  	_ =	shalt  }
0x69: {  	_ =	shalt  }
0x6a: {  	_ =	shalt  }
0x6b: {  	_ =	shalt  }
0x6c: {  	_ =	shalt  }
0x6d: {  	_ =	shalt  }
0x6e: {  	_ =	shalt  }
0x6f: {  	_ =	shalt  }
0x70: {  	_ =	shalt  }
0x71: {  	_ =	shalt  }
0x72: {  	_ =	shalt  }
0x73: {  	_ =	shalt  }
0x74: {  	_ =	shalt  }
0x75: {  	_ =	shalt  }
0x76: {  	_ =	shalt  }
0x77: {  	_ =	shalt  }
0x78: {  	_ =	shalt  }
0x79: {  	_ =	shalt  }
0x7a: {  	_ =	shalt  }
0x7b: {  	_ =	shalt  }
0x7c: {  	_ =	shalt  }
0x7d: {  	_ =	shalt  }
0x7e: {  	_ =	shalt  }
0x7f: {  	_ =	shalt  }
0x80: {  	_ =	shalt  }
0x81: {  	_ =	shalt  }
0x82: {  	_ =	shalt  }
0x83: {  	_ =	shalt  }
0x84: {  	_ =	shalt  }
0x85: {  	_ =	shalt  }
0x86: {  	_ =	shalt  }
0x87: {  	_ =	shalt  }
.Lfunc_end0:
.L_simem_size_0:
called_computation.2_lowered:
.L_overlay_start_0:
0x88: {  	s2 =	sld [smem:$0x3FD9]  }
0x89: {  	s3 =	sld [smem:$0x3FFE];
	_ =	sdelay $0x1  }
0x8a: {  	s1 =	srdreg.scid  }
0x8b: {  	s0 =	sand.u32 $0x1, s1  }
0x8c: {  	s17 =	sshll.u32 s0, $0xA;
	s2 =	sadd.s32 s3, s2  }
0x8d: {  	s2 =	sadd.s32 s2, s17  }
0x8e: {  	[smem:$0x3FC2] =	sst s2  }
0x8f: {  	_ = 	snop  }
0x90: {  	s2 =	sld [smem:$0x3FD0];
	(tm) =	ssettm $0x1  }
0x91: {  	s18 =	sld [smem:$0x3FFB];
	_ =	sdelay $0x3  }
0x92: {  	_ =	strace s18  }
0x93: {  	s3 =	sld [smem:$0x3FFC];
	_ =	sdelay $0x3  }
0x94: {  	_ =	strace s3  }
0x95: {  	s3 =	sld [smem:$0x3FFD];
	_ =	sdelay $0x3  }
0x96: {  	_ =	strace s3  }
0x97: {  	_ =	strace $0x8FFFFFFF  }
0x98: {  	s19 =	sld [smem:$0x3FDB];
	_ =	sdelay $0x1  }
0x99: {  	s4 =	simm.s32 $_scs_section_size  }
0x9a: {  	s5 =	simm.s32 $_size__tile_overlayer_lowered;
	s6 =	simm.s32 $_tile_overlayer_lowered  }
0x9b: {  	s22 =	simm.s32 $0x1BFF;
	s21 =	sshll.u32 s6, $0x1;
	s3 =	sadd.s32 s4, s19  }
0x9c: {  	s7 =	simm.s32 $0x0;
	s20 =	sshll.u32 s5, $0x1;
	s5 =	sadd.s32 s21, s3  }
0x9d: {  	[timem:s7], [sflag:s22] =	dma.local [hbm:s5], s20  }
0x9e: {  	_ =	swait.ge [sflag:s22], s20  }
0x9f: {  	s4 =	ssub.s32 $0x0, s20;
	[sflag:s22] =	ssyncset.done $0x0  }
0xa0: {  	[sflag:s22] =	ssyncadd.s32 s4;
	_ =	sdelay $0x1  }
0xa1: {  	s23 =	simm.s32 $0x1B8B  }
0xa2: {  	_ =	swait.ge [sflag:s23], $0x1  }
0xa3: {  	[sflag:s23] =	ssyncset.done $0x0  }
0xa4: {  	s25 =	simm.s32 $0x1B8E;
	s24 =	sld [smem:$0x3FFE];
	[sflag:s23] =	ssyncadd.s32 $0xFFFFFFFF  }
0xa5: {  	s26 =	simm.s32 $execute0_lowered;
	[smem:$0x3FD2] =	sst s25  }
0xa6: {  	s5 =	sshll.u32 s26, $0x1;
	_ =	strace $0x8000004C;
	[dreg:$0x1] =	wrdreg $0xFFFFFFFF  }
0xa7: {  	s28 =	simm.s32 $_size_execute0_lowered;
	s3 =	sadd.s32 s3, s5;
	[dreg:$0x0] =	wrdreg $0x0  }
0xa8: {  	s5 =	sshll.u32 s28, $0x1;
	[dreg:$0x2] =	wrdreg s3  }
0xa9: {  	[dreg:$0x3] =	wrdreg s5  }
0xaa: {  	[dreg:$0x4] =	wrdreg $0xC0  }
0xab: {  	_ =	task [dreg:s7], $0x5FFFF  }
0xac: {  	[dreg:$0x1] =	wrdreg $0xFFFFFFFF  }
0xad: {  	[dreg:$0x0] =	wrdreg $0x60  }
0xae: {  	[dreg:$0x2] =	wrdreg s2  }
0xaf: {  	[dreg:$0x3] =	wrdreg s24  }
0xb0: {  	[dreg:$0x4] =	wrdreg $0x120000  }
0xb1: {  	[dreg:$0x5] =	wrdreg $0x9  }
0xb2: {  	_ =	task.clear_ibuf [dreg:s7], $0x6FFFF;
	_ =	strace $0x9000004C  }
0xb3: {  	s29 =	simm.s32 $0x9;
	_ =	strace $0x8000004E  }
0xb4: {  	_ =	swait.ge [sflag:s29], $0x1  }
0xb5: {  	[sflag:s29] =	ssyncadd.s32 $0xFFFFFFFF  }
0xb6: {  	_ =	strace $0x9000004E  }
0xb7: {  	_ =	sfence  }
0xb8: {  	s30 =	sld [smem:$0x0];
	_ =	sdelay $0x2  }
0xb9: {  	s31 =	sshll.u32 s1, $0xD;
	s1 =	sshrl.u32 s1, $0x2  }
0xba: {  	s3 =	sand.u32 $0x4000, s31;
	s1 =	sadd.s32 s1, s30  }
0xbb: {  	s0 =	sor.u32 s3, s0;
	s1 =	sshll.u32 s1, $0x11  }
0xbc: {  	s0 =	sor.u32 s1, s0  }
0xbd: {  	s0 =	sadd.s32 $0x8F2B, s0  }
0xbe: {  	[sflag:s0] =	ssyncadd.remote.s32 $0x1  }
0xbf: {  	_ =	sfence.sel $0xFFFF  }
0xc0: {  	[dreg:$0x0] =	wrdreg $0xFFFFFFFF;
	(pc) =	sbr.abs _section_cstart, $3  }
0xc1: {  	[dreg:$0x1] =	wrdreg $0xFFFFFFFF  }
0xc2: {  	_ =	task.clear_ibuf [dreg:s7], $0x2FFFF;
	_ =	strace $0x9FFFFFFF  }
0xc3: {  	(tm) =	ssettm $0x7FFFFFFF  }
tec
execute0_lowered:
.L_overlay_start_1:
0x0: {  	(tag) =	ssettag $0x1  }
0x1: {  	s2 =	rddreg [dreg:$0x0]  }
0x2: {  	s0 =	rddreg [dreg:$0x1]  }
0x3: {  	s1 =	srdreg.scid;
	s3 =	rddreg [dreg:$0x2]  }
0x4: {  	s8 =	stileid.u32;
	s4 =	simm.s32 $0x0;
	s14 =	simm.s32 $0x9  }
0x5: {  	s16 =	simm.s32 $0xA000;
	s17 =	simm.s32 $0x80;
	s20 =	simm.s32 $0xC000  }
0x6: {  	s24 =	simm.s32 $0xE000;
	s29 =	simm.s32 $0x10000;
	s31 =	simm.s32 $0x11000  }
0x7: {  	s15 =	simm.s32 $0x5;
	s18 =	simm.s32 $0x7;
	s19 =	simm.s32 $0x8  }
0x8: {  	s1 =	sand.u32 $0x1, s1;
	s7 =	smul.u32 $0x5000, s8;
	[smem:$0x7FF] =	sst s4  }
0x9: {  	s5 =	sshll.u32 s1, $0x4;
	s6 =	smul.u32 $0x50000, s1;
	_ =	strace $0x8000004D  }
0xa: {  	s1 =	ssub.s32 $0x2, s1;
	s5 =	sor.u32 s8, s5;
	s8 =	smul.u32 $0x14000, s8  }
0xb: {  	s26 =	sshrl.u32 s1, $0x1;
	s5 =	smul.u32 $0xA00, s5;
	s6 =	sadd.s32 s7, s6  }
0xc: {  	s1 =	ssub.s32 s1, s26;
	s7 =	sadd.s32 s7, s3;
	s6 =	sshrl.u32 s6, $0x3  }
0xd: {  	s8 =	sshrl.u32 s8, $0x2;
	s13 =	smax.u32 s1, $0x1;
	s1 =	simm.s32 $0x3  }
.Ltmp0:
0xe: {  	s5 =	sadd.s32 s5, s0;
	s0 =	sadd.s32 s6, s0;
	(pc) =	sbr.rel .LBB2_1-.Ltmp0, $4  }
0xf: {  	s11 =	sadd.s32 s8, s3;
	s28 =	sadd.s32 $0x16800, s5;
	s5 =	sadd.s32 $0x2800, s5  }
0x10: {  	s30 =	sadd.s32 $0x1000, s11;
	s9 =	sadd.s32 $0x2000, s11;
	[dreg:$0x4] =	wrdreg s28  }
0x11: {  	s10 =	sadd.s32 $0x3000, s11;
	s11 =	sadd.s32 $0x4000, s11;
	[dreg:$0x5] =	wrdreg s5  }
0x12: {  	v0 =	vimm.f32 $0.0e+00;
	s12 =	sadd.s32 $0x2A800, s0;
	s0 =	simm.s32 $0x1;
	[dreg:$0x6] =	wrdreg s30  }
.LBB2_6:
0x13: {  	_ =	swait.ge [sflag:s19], $0x1000  }
0x14: {  	[sflag:s19] =	ssyncset.done $0x0  }
0x15: {  	[sflag:s19] =	ssyncadd.s32 $0xFFFFF000  }
0x16: {  	[spmem:s3] =	stream.indirect.scatter.add.f32 [tilespmem:s31], [sflag:$0x9], $0x20, s5, s17, $0xb8;
	[tilespmem:$0x17000] =	vst v63  }
0x17: {  	s30 =	stileid.u32;
	_ =	swait.ge [sflag:s14], $0x1000  }
0x18: {  	s6 =	sshrl.u32 s7, $0x3;
	s4 =	sadd.s32 $0x1, s4;
	[sflag:s14] =	ssyncset.done $0x0  }
0x19: {  	p0 =	sne.s32 s4, s13;
	s5 =	sshll.u32 s30, $0x6;
	[sflag:s14] =	ssyncadd.s32 $0xFFFFF000  }
.Ltmp1:
0x1a: {  	s5 =	sor.u32 $0x1C09, s5;
	[bflag:$0x0] =	sbarrier.arrive $0xFFFF;
	(pc) =	sbr.rel @!p0 .LBB2_7-.Ltmp1, $4  }
0x1b: {  	[hbm:s12], [sflag:s5] =	dma.local [spmem:s6], $0xA00  }
0x1c: {  	_ =	swait.ge [sflag:s14], $0xA00  }
0x1d: {  	[sflag:s14] =	ssyncset.done $0x0  }
0x1e: {  	[sflag:s14] =	ssyncadd.s32 $0xFFFFF600  }
.LBB2_1:
0x1f: {  	s5 =	simm.s32 $0x80;
	s21 =	simm.s32 $0x0  }
.LBB2_2:
0x20: {  	p0 =	sne.s32 s5, $0x3F80;
	[tilespmem:s21+$0xA000] =	vst v0;
	s22 =	smov.u32 s5;
	s5 =	sadd.s32 $0x80, s5  }
.Ltmp2:
0x21: {  	[tilespmem:s21+$0xA010] =	vst v0;
	(pc) =	sbr.rel @p0 .LBB2_2-.Ltmp2, $2  }
0x22: {  	_ =	sdelay $0x2  }
0x23: {  	s21 =	sshra.s32 s22, $0x2  }
0x24: {  	[tilespmem:s21+$0xA000] =	vst v0  }
0x25: {  	[tilespmem:s21+$0xA010] =	vst v0;
	s21 =	simm.s32 $0x0;
	s5 =	rddreg [dreg:$0x4]  }
0x26: {  	[tilespmem:s21], [sflag:$0x9] =	stream.linear.gather [hbm4b:s5+s21], $0x5000, $0x38;
	[tilespmem:$0x17000] =	vst v63  }
0x27: {  	_ =	swait.ge [sflag:s14], $0x5000  }
0x28: {  	[sflag:s14] =	ssyncset.done $0x0  }
0x29: {  	s6 =	simm.s32 $0x5000;
	s26 =	rddreg [dreg:$0x5];
	[sflag:s14] =	ssyncadd.s32 $0xFFFFB000  }
0x2a: {  	[tilespmem:s6], [sflag:$0x9] =	stream.linear.gather [hbm4b:s26+s21], $0x5000, $0x38;
	[tilespmem:$0x17000] =	vst v63  }
0x2b: {  	_ =	swait.ge [sflag:s14], $0x5000  }
0x2c: {  	[sflag:s14] =	ssyncset.done $0x0  }
0x2d: {  	[sflag:s14] =	ssyncadd.s32 $0xFFFFB000  }
0x2e: {  	[spmem:s7] =	stream.linear.scatter [tilespmem:s16], [sflag:$0x9], $0x1000, $0x38;
	[tilespmem:$0x17000] =	vst v63  }
0x2f: {  	_ =	swait.ge [sflag:s14], $0x1000  }
0x30: {  	[sflag:s14] =	ssyncset.done $0x0  }
0x31: {  	s28 =	rddreg [dreg:$0x6];
	[sflag:s14] =	ssyncadd.s32 $0xFFFFF000  }
0x32: {  	[spmem:s28] =	stream.linear.scatter [tilespmem:s16], [sflag:$0x9], $0x1000, $0x38;
	[tilespmem:$0x17000] =	vst v63  }
0x33: {  	_ =	swait.ge [sflag:s14], $0x1000  }
0x34: {  	[sflag:s14] =	ssyncset.done $0x0  }
0x35: {  	[sflag:s14] =	ssyncadd.s32 $0xFFFFF000  }
0x36: {  	[spmem:s9] =	stream.linear.scatter [tilespmem:s16], [sflag:$0x9], $0x1000, $0x38;
	[tilespmem:$0x17000] =	vst v63  }
0x37: {  	_ =	swait.ge [sflag:s14], $0x1000  }
0x38: {  	[sflag:s14] =	ssyncset.done $0x0  }
0x39: {  	[sflag:s14] =	ssyncadd.s32 $0xFFFFF000  }
0x3a: {  	[spmem:s10] =	stream.linear.scatter [tilespmem:s16], [sflag:$0x9], $0x1000, $0x38;
	[tilespmem:$0x17000] =	vst v63  }
0x3b: {  	_ =	swait.ge [sflag:s14], $0x1000  }
0x3c: {  	[sflag:s14] =	ssyncset.done $0x0  }
0x3d: {  	[sflag:s14] =	ssyncadd.s32 $0xFFFFF000  }
0x3e: {  	[spmem:s11] =	stream.linear.scatter [tilespmem:s16], [sflag:$0x9], $0x1000, $0x38;
	[tilespmem:$0x17000] =	vst v63  }
0x3f: {  	_ =	swait.ge [sflag:s14], $0x1000  }
0x40: {  	[sflag:s14] =	ssyncset.done $0x0  }
0x41: {  	[sflag:s14] =	ssyncadd.s32 $0xFFFFF000  }
0x42: {  	[bflag:$0x0] =	sbarrier.arrive $0xFFFF  }
0x43: {  	[tilespmem:s16], [sflag:$0x1] =	stream.indirect.gather [hbm4b:s2+s17], $0x20, s21, s17, $0xb8;
	[tilespmem:$0x17000] =	vst v63  }
0x44: {  	s30 =	simm.s32 $0xB000  }
0x45: {  	[tilespmem:s30], [sflag:$0x2] =	stream.indirect.gather [hbm4b:s2+s17], $0x20, s17, s17, $0xb8;
	[tilespmem:$0x17000] =	vst v63  }
0x46: {  	s6 =	simm.s32 $0x100  }
0x47: {  	[tilespmem:s20], [sflag:$0x3] =	stream.indirect.gather [hbm4b:s2+s17], $0x20, s6, s17, $0xb8;
	[tilespmem:$0x17000] =	vst v63  }
0x48: {  	s8 =	simm.s32 $0x180;
	s22 =	simm.s32 $0xD000  }
0x49: {  	[tilespmem:s22], [sflag:$0x4] =	stream.indirect.gather [hbm4b:s2+s17], $0x20, s8, s17, $0xb8;
	[tilespmem:$0x17000] =	vst v63  }
0x4a: {  	s23 =	simm.s32 $0x200  }
0x4b: {  	[tilespmem:s24], [sflag:$0x5] =	stream.indirect.gather [hbm4b:s2+s17], $0x20, s23, s17, $0xb8;
	[tilespmem:$0x17000] =	vst v63  }
0x4c: {  	s25 =	simm.s32 $0x280;
	s26 =	simm.s32 $0xF000  }
0x4d: {  	[tilespmem:s26], [sflag:$0x6] =	stream.indirect.gather [hbm4b:s2+s17], $0x20, s25, s17, $0xb8;
	[tilespmem:$0x17000] =	vst v63  }
0x4e: {  	s28 =	simm.s32 $0x300  }
0x4f: {  	[tilespmem:s29], [sflag:$0x7] =	stream.indirect.gather [hbm4b:s2+s17], $0x20, s28, s17, $0xb8;
	[tilespmem:$0x17000] =	vst v63  }
0x50: {  	s30 =	simm.s32 $0x380  }
0x51: {  	[tilespmem:s31], [sflag:$0x8] =	stream.indirect.gather [hbm4b:s2+s17], $0x20, s30, s17, $0xb8;
	[tilespmem:$0x17000] =	vst v63  }
.LBB2_4:
0x52: {  	_ =	swait.ge [sflag:s0], $0x1000  }
0x53: {  	s22 =	sshra.s32 s21, $0x2;
	[sflag:s0] =	ssyncset.done $0x0  }
0x54: {  	s5 =	sadd.s32 $0x5000, s22;
	[sflag:s0] =	ssyncadd.s32 $0xFFFFF000  }
0x55: {  	[spmem:s3] =	stream.indirect.scatter.add.f32 [tilespmem:s16], [sflag:$0x9], $0x20, s5, s17, $0xb8;
	[tilespmem:$0x17000] =	vst v63  }
0x56: {  	_ =	swait.ge [sflag:s14], $0x1000  }
0x57: {  	p0 =	seq.s32 s21, $0x13000;
	[sflag:s14] =	ssyncset.done $0x0  }
0x58: {  	s5 =	simm.s32 @p0 $0x2;
	[sflag:s14] =	ssyncadd.s32 $0xFFFFF000  }
0x59: {  	s26 =	sshra.s32 @p0 s21, $0x2;
	_ =	swait.ge @p0 [sflag:s5], $0x1000  }
0x5a: {  	s28 =	simm.s32 @p0 $0x80;
	s23 =	simm.s32 @p0 $0xB000;
	[sflag:s5] =	ssyncset.done @p0 $0x0  }
0x5b: {  	s30 =	simm.s32 @p0 $0x9;
	[sflag:s5] =	ssyncadd.s32 @p0 $0xFFFFF000;
	s5 =	sadd.s32 @p0 $0x5080, s26  }
0x5c: {  	[spmem:s3] =	stream.indirect.scatter.add.f32 @p0 [tilespmem:s23], [sflag:$0x9], $0x20, s5, s28, $0xb8;
	[tilespmem:$0x17000] =	vst v63  }
0x5d: {  	_ =	swait.ge @p0 [sflag:s30], $0x1000  }
0x5e: {  	s25 =	simm.s32 @!p0 $0x80;
	s23 =	sshra.s32 @!p0 s21, $0x2;
	[sflag:s30] =	ssyncset.done @p0 $0x0  }
0x5f: {  	s6 =	simm.s32 @!p0 $0xA000;
	s5 =	sadd.s32 @!p0 $0x400, s23;
	[sflag:s30] =	ssyncadd.s32 @p0 $0xFFFFF000  }
0x60: {  	[tilespmem:s6], [sflag:$0x1] =	stream.indirect.gather @!p0 [hbm4b:s2+s25], $0x20, s5, s25, $0xb8;
	[tilespmem:$0x17000] =	vst v63  }
0x61: {  	s5 =	simm.s32 @!p0 $0x2  }
0x62: {  	_ =	swait.ge @!p0 [sflag:s5], $0x1000  }
0x63: {  	[sflag:s5] =	ssyncset.done @!p0 $0x0  }
0x64: {  	s6 =	simm.s32 @!p0 $0xB000;
	[sflag:s5] =	ssyncadd.s32 @!p0 $0xFFFFF000;
	s5 =	sadd.s32 @!p0 $0x5080, s23  }
0x65: {  	[spmem:s3] =	stream.indirect.scatter.add.f32 @!p0 [tilespmem:s6], [sflag:$0x9], $0x20, s5, s25, $0xb8;
	[tilespmem:$0x17000] =	vst v63  }
0x66: {  	s5 =	simm.s32 @!p0 $0x9  }
0x67: {  	_ =	swait.ge @!p0 [sflag:s5], $0x1000  }
0x68: {  	[sflag:s5] =	ssyncset.done @!p0 $0x0  }
0x69: {  	s8 =	sadd.s32 @!p0 $0x480, s23;
	[sflag:s5] =	ssyncadd.s32 @!p0 $0xFFFFF000  }
0x6a: {  	[tilespmem:s6], [sflag:$0x2] =	stream.indirect.gather @!p0 [hbm4b:s2+s25], $0x20, s8, s25, $0xb8;
	[tilespmem:$0x17000] =	vst v63  }
0x6b: {  	_ =	swait.ge [sflag:s1], $0x1000  }
0x6c: {  	[sflag:s1] =	ssyncset.done $0x0  }
0x6d: {  	s8 =	sadd.s32 $0x5100, s22;
	[sflag:s1] =	ssyncadd.s32 $0xFFFFF000  }
0x6e: {  	[spmem:s3] =	stream.indirect.scatter.add.f32 [tilespmem:s20], [sflag:$0x9], $0x20, s8, s17, $0xb8;
	[tilespmem:$0x17000] =	vst v63  }
0x6f: {  	_ =	swait.ge [sflag:s14], $0x1000  }
0x70: {  	[sflag:s14] =	ssyncset.done $0x0  }
0x71: {  	s6 =	simm.s32 @p0 $0x4;
	[sflag:s14] =	ssyncadd.s32 $0xFFFFF000  }
0x72: {  	_ =	swait.ge @p0 [sflag:s6], $0x1000  }
0x73: {  	[sflag:s6] =	ssyncset.done @p0 $0x0  }
0x74: {  	s8 =	simm.s32 @p0 $0xD000;
	[sflag:s6] =	ssyncadd.s32 @p0 $0xFFFFF000;
	s6 =	sadd.s32 @p0 $0x5180, s26  }
0x75: {  	[spmem:s3] =	stream.indirect.scatter.add.f32 @p0 [tilespmem:s8], [sflag:$0x9], $0x20, s6, s28, $0xb8;
	[tilespmem:$0x17000] =	vst v63  }
0x76: {  	_ =	swait.ge @p0 [sflag:s30], $0x1000  }
0x77: {  	[sflag:s30] =	ssyncset.done @p0 $0x0  }
0x78: {  	s6 =	sadd.s32 @!p0 $0x500, s23;
	s8 =	simm.s32 @!p0 $0xC000;
	[sflag:s30] =	ssyncadd.s32 @p0 $0xFFFFF000  }
0x79: {  	[tilespmem:s8], [sflag:$0x3] =	stream.indirect.gather @!p0 [hbm4b:s2+s25], $0x20, s6, s25, $0xb8;
	[tilespmem:$0x17000] =	vst v63  }
0x7a: {  	s6 =	simm.s32 @!p0 $0x4  }
0x7b: {  	_ =	swait.ge @!p0 [sflag:s6], $0x1000  }
0x7c: {  	[sflag:s6] =	ssyncset.done @!p0 $0x0  }
0x7d: {  	s8 =	simm.s32 @!p0 $0xD000;
	[sflag:s6] =	ssyncadd.s32 @!p0 $0xFFFFF000;
	s6 =	sadd.s32 @!p0 $0x5180, s23  }
0x7e: {  	[spmem:s3] =	stream.indirect.scatter.add.f32 @!p0 [tilespmem:s8], [sflag:$0x9], $0x20, s6, s25, $0xb8;
	[tilespmem:$0x17000] =	vst v63  }
0x7f: {  	_ =	swait.ge @!p0 [sflag:s5], $0x1000  }
0x80: {  	[sflag:s5] =	ssyncset.done @!p0 $0x0  }
0x81: {  	s6 =	sadd.s32 @!p0 $0x580, s23;
	[sflag:s5] =	ssyncadd.s32 @!p0 $0xFFFFF000  }
0x82: {  	[tilespmem:s8], [sflag:$0x4] =	stream.indirect.gather @!p0 [hbm4b:s2+s25], $0x20, s6, s25, $0xb8;
	[tilespmem:$0x17000] =	vst v63  }
0x83: {  	_ =	swait.ge [sflag:s15], $0x1000  }
0x84: {  	[sflag:s15] =	ssyncset.done $0x0  }
0x85: {  	s8 =	sadd.s32 $0x5200, s22;
	[sflag:s15] =	ssyncadd.s32 $0xFFFFF000  }
0x86: {  	[spmem:s3] =	stream.indirect.scatter.add.f32 [tilespmem:s24], [sflag:$0x9], $0x20, s8, s17, $0xb8;
	[tilespmem:$0x17000] =	vst v63  }
0x87: {  	_ =	swait.ge [sflag:s14], $0x1000  }
0x88: {  	[sflag:s14] =	ssyncset.done $0x0  }
0x89: {  	s6 =	simm.s32 @p0 $0x6;
	[sflag:s14] =	ssyncadd.s32 $0xFFFFF000  }
0x8a: {  	_ =	swait.ge @p0 [sflag:s6], $0x1000  }
0x8b: {  	[sflag:s6] =	ssyncset.done @p0 $0x0  }
0x8c: {  	s8 =	simm.s32 @p0 $0xF000;
	[sflag:s6] =	ssyncadd.s32 @p0 $0xFFFFF000;
	s6 =	sadd.s32 @p0 $0x5280, s26  }
0x8d: {  	[spmem:s3] =	stream.indirect.scatter.add.f32 @p0 [tilespmem:s8], [sflag:$0x9], $0x20, s6, s28, $0xb8;
	[tilespmem:$0x17000] =	vst v63  }
0x8e: {  	_ =	swait.ge @p0 [sflag:s30], $0x1000  }
0x8f: {  	[sflag:s30] =	ssyncset.done @p0 $0x0  }
0x90: {  	s6 =	sadd.s32 @!p0 $0x600, s23;
	s8 =	simm.s32 @!p0 $0xE000;
	[sflag:s30] =	ssyncadd.s32 @p0 $0xFFFFF000  }
0x91: {  	[tilespmem:s8], [sflag:$0x5] =	stream.indirect.gather @!p0 [hbm4b:s2+s25], $0x20, s6, s25, $0xb8;
	[tilespmem:$0x17000] =	vst v63  }
0x92: {  	s6 =	simm.s32 @!p0 $0x6  }
0x93: {  	_ =	swait.ge @!p0 [sflag:s6], $0x1000  }
0x94: {  	[sflag:s6] =	ssyncset.done @!p0 $0x0  }
0x95: {  	s8 =	simm.s32 @!p0 $0xF000;
	[sflag:s6] =	ssyncadd.s32 @!p0 $0xFFFFF000;
	s6 =	sadd.s32 @!p0 $0x5280, s23  }
0x96: {  	[spmem:s3] =	stream.indirect.scatter.add.f32 @!p0 [tilespmem:s8], [sflag:$0x9], $0x20, s6, s25, $0xb8;
	[tilespmem:$0x17000] =	vst v63  }
0x97: {  	_ =	swait.ge @!p0 [sflag:s5], $0x1000  }
0x98: {  	[sflag:s5] =	ssyncset.done @!p0 $0x0  }
0x99: {  	[sflag:s5] =	ssyncadd.s32 @!p0 $0xFFFFF000;
	s5 =	sadd.s32 @!p0 $0x680, s23  }
0x9a: {  	[tilespmem:s8], [sflag:$0x6] =	stream.indirect.gather @!p0 [hbm4b:s2+s25], $0x20, s5, s25, $0xb8;
	[tilespmem:$0x17000] =	vst v63  }
0x9b: {  	_ =	swait.ge [sflag:s18], $0x1000  }
0x9c: {  	[sflag:s18] =	ssyncset.done $0x0  }
.Ltmp3:
0x9d: {  	s30 =	sadd.s32 $0x5300, s22;
	[sflag:s18] =	ssyncadd.s32 $0xFFFFF000;
	(pc) =	sbr.rel @p0 .LBB2_6-.Ltmp3, $4  }
0x9e: {  	[spmem:s3] =	stream.indirect.scatter.add.f32 [tilespmem:s29], [sflag:$0x9], $0x20, s30, s17, $0xb8;
	[tilespmem:$0x17000] =	vst v63  }
0x9f: {  	_ =	swait.ge [sflag:s14], $0x1000  }
0xa0: {  	[sflag:s14] =	ssyncset.done $0x0  }
0xa1: {  	s5 =	sadd.s32 $0x5380, s22;
	[sflag:s14] =	ssyncadd.s32 $0xFFFFF000  }
0xa2: {  	s6 =	sadd.s32 $0x700, s22  }
0xa3: {  	[tilespmem:s29], [sflag:$0x7] =	stream.indirect.gather [hbm4b:s2+s17], $0x20, s6, s17, $0xb8;
	[tilespmem:$0x17000] =	vst v63  }
0xa4: {  	_ =	swait.ge [sflag:s19], $0x1000  }
0xa5: {  	[sflag:s19] =	ssyncset.done $0x0  }
0xa6: {  	[sflag:s19] =	ssyncadd.s32 $0xFFFFF000  }
0xa7: {  	[spmem:s3] =	stream.indirect.scatter.add.f32 [tilespmem:s31], [sflag:$0x9], $0x20, s5, s17, $0xb8;
	[tilespmem:$0x17000] =	vst v63  }
.Ltmp4:
0xa8: {  	_ = 	snop;
	(pc) =	sbr.rel .LBB2_4-.Ltmp4, $4  }
0xa9: {  	_ =	swait.ge [sflag:s14], $0x1000  }
0xaa: {  	[sflag:s14] =	ssyncset.done $0x0  }
0xab: {  	s30 =	sadd.s32 $0x780, s22;
	s21 =	sadd.s32 $0x1000, s21;
	[sflag:s14] =	ssyncadd.s32 $0xFFFFF000  }
0xac: {  	[tilespmem:s31], [sflag:$0x8] =	stream.indirect.gather [hbm4b:s2+s17], $0x20, s30, s17, $0xb8;
	[tilespmem:$0x17000] =	vst v63  }
.LBB2_7:
0xad: {  	_ =	sfence.sel $0x180000  }
0xae: {  	[bflag:$0x0] =	sbarrier.arrive $0xFFFF  }
0xaf: {  	_ =	strace $0x9000004D  }
0xb0: {  	s0 =	stileid.u32;
	[bflag:$0x2] =	sbarrier.arrive $0xFFFF  }
0xb1: {  	p0 =	sne.s32 s0, $0x0;
	s0 =	rddreg [dreg:$0x3]  }
0xb2: {  	s0 =	sadd.s32 @!p0 $0x100000, s0  }
0xb3: {  	[sflag:s0] =	ssyncadd.tile.s32 @!p0 $0x1;
	_ =	shalt  }
.Lfunc_end2:
_tile_overlayer_lowered:
.L_overlay_start_2:
0xb4: {  	(tag) =	ssettag $0x2  }
0xb5: {  	s0 =	rddreg [dreg:$0x0];
	s2 =	stileid.u32  }
0xb6: {  	s1 =	rddreg [dreg:$0x1];
	p0 =	sne.s32 s2, $0x0  }
0xb7: {  	s3 =	rddreg [dreg:$0x2];
	[bflag:$0x3] =	sbarrier.arrive $0xFFFF;
	s2 =	simm.s32 @!p0 $0x1C09  }
0xb8: {  	[timem:s3], [sflag:s2] =	dma.local @!p0 [hbm:s0], s1  }
0xb9: {  	s0 =	simm.s32 @!p0 $0x9  }
0xba: {  	_ =	swait.ge @!p0 [sflag:s0], s1  }
0xbb: {  	s1 =	ssub.s32 @!p0 $0x0, s1;
	[sflag:s0] =	ssyncset.done @!p0 $0x0  }
0xbc: {  	[sflag:s0] =	ssyncadd.s32 @!p0 s1  }
0xbd: {  	[bflag:$0x3] =	sbarrier.arrive $0xFFFF  }
0xbe: {  	_ =	shalt  }

// kernel: kernel.8.cloned.1.call-start
scs
__scs_entry_jumppad:
0x0: {  	(pc) =	sbr.rel $0x88, $3  }
0x1: {  	(tag) =	ssettag $0x0;
	lr =	simm.s32 $0x1  }
0x2: {  	[smem:$0x3F9B] =	sst lr;
	_ =	strace $0xD0000000  }
0x3: {  	_ = 	snop  }
0x4: {  	_ = 	snop  }
0x5: {  	_ = 	snop  }
0x6: {  	_ = 	snop  }
0x7: {  	_ = 	snop  }
__scs_overlays_trampoline_lowered:
0x8: {  	[smem:$0x3FAA] =	sst s0  }
0x9: {  	[smem:$0x3FAB] =	sst s1  }
0xa: {  	[smem:$0x3FAC] =	sst s2  }
0xb: {  	[smem:$0x3FAD] =	sst s3  }
0xc: {  	[smem:$0x3FAE] =	sst s4  }
0xd: {  	[smem:$0x3FAF] =	sst s5  }
0xe: {  	[smem:$0x3FB0] =	sst s6  }
0xf: {  	[smem:$0x3FB1] =	sst s7  }
0x10: {  	[smem:$0x3FB2] =	sst s8  }
0x11: {  	[smem:$0x3FB3] =	sst s9;
	s0 =	simm.s32 @!p0 $0x0  }
0x12: {  	s1 =	sld [smem:$0x3F99];
	s0 =	simm.s32 @p0 $0x1  }
0x13: {  	[smem:$0x3FB4] =	sst s0;
	s0 =	simm.s32 @!p1 $0x0  }
0x14: {  	s2 =	sld [smem:$0x3F98];
	s0 =	simm.s32 @p1 $0x1  }
0x15: {  	[smem:$0x3FB5] =	sst s0;
	s0 =	simm.s32 @!p2 $0x0  }
0x16: {  	s3 =	sld [smem:$0x3FDB];
	s0 =	simm.s32 @p2 $0x1  }
0x17: {  	s4 =	simm.s32 $0x1BF5;
	[smem:$0x3FB7] =	sst s0  }
0x18: {  	s0 =	sld [smem:$0x3F9A];
	_ =	swait.ge [sflag:s4], $0x0  }
0x19: {  	s7 =	sld [smem:$0x3F9B]  }
0x1a: {  	s8 =	sadd.s32 $0xFFFFE003, lr  }
0x1b: {  	s9 =	sadd.s32 $0xFFFFFEF7, lr;
	s5 =	simm.s32 $0xFFFFFFFF;
	p2 =	slt.u32 s8, $0xFFFFF086  }
0x1c: {  	p1 =	slt.u32 s9, $0xF7A;
	s5 =	simm.s32 @!p2 $0x0  }
0x1d: {  	s5 =	simm.s32 @p1 $0x1;
	p0 =	seq.s32 s7, s2  }
0x1e: {  	s7 =	smul.u32 @!p0 $0xF7A, s2;
	p2 =	seq.s32 @!p0 s5, $0x0  }
0x1f: {  	s9 =	smul.u32 $0xF7A, s1;
	s8 =	simm.s32 @!p0 $0x1BF5;
	p2 =	por !p2, p0  }
0x20: {  	[sflag:s8] =	ssyncset.s32 @!p0 $0xFFFFF086;
	s6 =	sadd.s32 @!p0 s3, s7;
	s7 =	simm.s32 @!p0 $0x108  }
0x21: {  	s3 =	sadd.s32 s3, s9;
	s6 =	sadd.s32 @!p0 $0x88, s6;
	s7 =	simm.s32 @p2 $0x1082  }
0x22: {  	[simem:s7], [sflag:s8] =	dma.local @!p0 [hbm:s6], $0xF7A  }
0x23: {  	s9 =	sor.u32 $0xD0000000, s2;
	s6 =	simm.s32 $0x108;
	_ =	swait.ge @!p0 [sflag:s8], $0x0  }
0x24: {  	s3 =	sadd.s32 $0x88, s3;
	s6 =	simm.s32 @!p1 $0x1082;
	[sflag:s4] =	ssyncset.s32 $0xFFFFF086  }
0x25: {  	[simem:s6], [sflag:s4] =	dma.local [hbm:s3], $0xF7A  }
0x26: {  	[smem:$0x3F9B] =	sst s1;
	(tag) =	ssettag s2;
	_ =	strace s9  }
0x27: {  	s1 =	sld [smem:$0x3FAB]  }
0x28: {  	s2 =	sld [smem:$0x3FAC]  }
0x29: {  	s4 =	sld [smem:$0x3FAE]  }
0x2a: {  	p0 =	seq.s32 s5, $0x0;
	s5 =	sld [smem:$0x3FAF]  }
0x2b: {  	s6 =	sld [smem:$0x3FB0]  }
0x2c: {  	s7 =	sld [smem:$0x3FB1]  }
0x2d: {  	s3 =	simm.s32 $0x108;
	s8 =	sld [smem:$0x3FB2]  }
0x2e: {  	s3 =	simm.s32 @!p0 $0x1082;
	s9 =	sld [smem:$0x3FB3]  }
0x2f: {  	lr =	sadd.s32 s0, s3;
	s0 =	sld [smem:$0x3FAA]  }
0x30: {  	s3 =	sld [smem:$0x3FAD]  }
0x31: {  	[smem:$0x3FB6] =	sst s10  }
0x32: {  	s10 =	sld [smem:$0x3FB4];
	_ =	sdelay $0x3  }
0x33: {  	p0 =	seq.s32 s10, $0x1;
	s10 =	sld [smem:$0x3FB6];
	_ =	sdelay $0x3  }
0x34: {  	[smem:$0x3FB6] =	sst s10  }
0x35: {  	s10 =	sld [smem:$0x3FB5];
	_ =	sdelay $0x3  }
0x36: {  	p1 =	seq.s32 s10, $0x1;
	s10 =	sld [smem:$0x3FB6];
	_ =	sdelay $0x3  }
0x37: {  	[smem:$0x3FB6] =	sst s10  }
0x38: {  	s10 =	sld [smem:$0x3FB7]  }
0x39: {  	_ = 	snop;
	(pc) =	sbr.ind lr, $3  }
0x3a: {  	_ = 	snop  }
0x3b: {  	_ = 	snop  }
0x3c: {  	p2 =	seq.s32 s10, $0x1;
	s10 =	sld [smem:$0x3FB6]  }
0x3d: {  	_ =	shalt  }
0x3e: {  	_ =	shalt  }
0x3f: {  	_ =	shalt  }
0x40: {  	_ =	shalt  }
0x41: {  	_ =	shalt  }
0x42: {  	_ =	shalt  }
0x43: {  	_ =	shalt  }
0x44: {  	_ =	shalt  }
0x45: {  	_ =	shalt  }
0x46: {  	_ =	shalt  }
0x47: {  	_ =	shalt  }
0x48: {  	_ =	shalt  }
0x49: {  	_ =	shalt  }
0x4a: {  	_ =	shalt  }
0x4b: {  	_ =	shalt  }
0x4c: {  	_ =	shalt  }
0x4d: {  	_ =	shalt  }
0x4e: {  	_ =	shalt  }
0x4f: {  	_ =	shalt  }
0x50: {  	_ =	shalt  }
0x51: {  	_ =	shalt  }
0x52: {  	_ =	shalt  }
0x53: {  	_ =	shalt  }
0x54: {  	_ =	shalt  }
0x55: {  	_ =	shalt  }
0x56: {  	_ =	shalt  }
0x57: {  	_ =	shalt  }
0x58: {  	_ =	shalt  }
0x59: {  	_ =	shalt  }
0x5a: {  	_ =	shalt  }
0x5b: {  	_ =	shalt  }
0x5c: {  	_ =	shalt  }
0x5d: {  	_ =	shalt  }
0x5e: {  	_ =	shalt  }
0x5f: {  	_ =	shalt  }
0x60: {  	_ =	shalt  }
0x61: {  	_ =	shalt  }
0x62: {  	_ =	shalt  }
0x63: {  	_ =	shalt  }
0x64: {  	_ =	shalt  }
0x65: {  	_ =	shalt  }
0x66: {  	_ =	shalt  }
0x67: {  	_ =	shalt  }
0x68: {  	_ =	shalt  }
0x69: {  	_ =	shalt  }
0x6a: {  	_ =	shalt  }
0x6b: {  	_ =	shalt  }
0x6c: {  	_ =	shalt  }
0x6d: {  	_ =	shalt  }
0x6e: {  	_ =	shalt  }
0x6f: {  	_ =	shalt  }
0x70: {  	_ =	shalt  }
0x71: {  	_ =	shalt  }
0x72: {  	_ =	shalt  }
0x73: {  	_ =	shalt  }
0x74: {  	_ =	shalt  }
0x75: {  	_ =	shalt  }
0x76: {  	_ =	shalt  }
0x77: {  	_ =	shalt  }
0x78: {  	_ =	shalt  }
0x79: {  	_ =	shalt  }
0x7a: {  	_ =	shalt  }
0x7b: {  	_ =	shalt  }
0x7c: {  	_ =	shalt  }
0x7d: {  	_ =	shalt  }
0x7e: {  	_ =	shalt  }
0x7f: {  	_ =	shalt  }
0x80: {  	_ =	shalt  }
0x81: {  	_ =	shalt  }
0x82: {  	_ =	shalt  }
0x83: {  	_ =	shalt  }
0x84: {  	_ =	shalt  }
0x85: {  	_ =	shalt  }
0x86: {  	_ =	shalt  }
0x87: {  	_ =	shalt  }
.Lfunc_end0:
.L_simem_size_0:
called_computation_lowered:
.L_overlay_start_0:
0x88: {  	s2 =	sld [smem:$0x3FD9]  }
0x89: {  	s3 =	sld [smem:$0x3FFE];
	_ =	sdelay $0x1  }
0x8a: {  	s1 =	srdreg.scid  }
0x8b: {  	s0 =	sand.u32 $0x1, s1  }
0x8c: {  	s17 =	sshll.u32 s0, $0xA;
	s2 =	sadd.s32 s3, s2  }
0x8d: {  	s2 =	sadd.s32 s2, s17  }
0x8e: {  	[smem:$0x3FC2] =	sst s2  }
0x8f: {  	_ = 	snop  }
0x90: {  	s2 =	sld [smem:$0x3FD0];
	(tm) =	ssettm $0x1  }
0x91: {  	s18 =	sld [smem:$0x3FFB];
	_ =	sdelay $0x3  }
0x92: {  	_ =	strace s18  }
0x93: {  	s3 =	sld [smem:$0x3FFC];
	_ =	sdelay $0x3  }
0x94: {  	_ =	strace s3  }
0x95: {  	s3 =	sld [smem:$0x3FFD];
	_ =	sdelay $0x3  }
0x96: {  	_ =	strace s3  }
0x97: {  	_ =	strace $0x8FFFFFFF  }
0x98: {  	s19 =	sld [smem:$0x3FDB];
	_ =	sdelay $0x1  }
0x99: {  	s4 =	simm.s32 $_scs_section_size  }
0x9a: {  	s5 =	simm.s32 $_size__tile_overlayer_lowered;
	s6 =	simm.s32 $_tile_overlayer_lowered  }
0x9b: {  	s22 =	simm.s32 $0x1BFF;
	s21 =	sshll.u32 s6, $0x1;
	s3 =	sadd.s32 s4, s19  }
0x9c: {  	s7 =	simm.s32 $0x0;
	s20 =	sshll.u32 s5, $0x1;
	s5 =	sadd.s32 s21, s3  }
0x9d: {  	[timem:s7], [sflag:s22] =	dma.local [hbm:s5], s20  }
0x9e: {  	_ =	swait.ge [sflag:s22], s20  }
0x9f: {  	s4 =	ssub.s32 $0x0, s20;
	[sflag:s22] =	ssyncset.done $0x0  }
0xa0: {  	[sflag:s22] =	ssyncadd.s32 s4;
	_ =	sdelay $0x1  }
0xa1: {  	s23 =	simm.s32 $0x1B8B  }
0xa2: {  	_ =	swait.ge [sflag:s23], $0x1  }
0xa3: {  	[sflag:s23] =	ssyncset.done $0x0  }
0xa4: {  	s25 =	simm.s32 $0x1B8E;
	s24 =	sld [smem:$0x3FFE];
	[sflag:s23] =	ssyncadd.s32 $0xFFFFFFFF  }
0xa5: {  	s26 =	simm.s32 $execute0_lowered;
	[smem:$0x3FD2] =	sst s25  }
0xa6: {  	s5 =	sshll.u32 s26, $0x1;
	_ =	strace $0x80000046;
	[dreg:$0x1] =	wrdreg $0xFFFFFFFF  }
0xa7: {  	s28 =	simm.s32 $_size_execute0_lowered;
	s3 =	sadd.s32 s3, s5;
	[dreg:$0x0] =	wrdreg $0x0  }
0xa8: {  	s5 =	sshll.u32 s28, $0x1;
	[dreg:$0x2] =	wrdreg s3  }
0xa9: {  	[dreg:$0x3] =	wrdreg s5  }
0xaa: {  	[dreg:$0x4] =	wrdreg $0xC0  }
0xab: {  	_ =	task [dreg:s7], $0x5FFFF  }
0xac: {  	[dreg:$0x1] =	wrdreg $0xFFFFFFFF  }
0xad: {  	[dreg:$0x0] =	wrdreg $0x60  }
0xae: {  	[dreg:$0x2] =	wrdreg s24  }
0xaf: {  	[dreg:$0x3] =	wrdreg s2  }
0xb0: {  	[dreg:$0x4] =	wrdreg $0x53000  }
0xb1: {  	[dreg:$0x5] =	wrdreg $0x9  }
0xb2: {  	_ =	task.clear_ibuf [dreg:s7], $0x6FFFF;
	_ =	strace $0x90000046  }
0xb3: {  	s29 =	simm.s32 $0x9;
	_ =	strace $0x80000048  }
0xb4: {  	_ =	swait.ge [sflag:s29], $0x1  }
0xb5: {  	[sflag:s29] =	ssyncadd.s32 $0xFFFFFFFF  }
0xb6: {  	_ =	strace $0x90000048  }
0xb7: {  	_ =	sfence  }
0xb8: {  	s30 =	sld [smem:$0x0];
	_ =	sdelay $0x2  }
0xb9: {  	s31 =	sshll.u32 s1, $0xD;
	s1 =	sshrl.u32 s1, $0x2  }
0xba: {  	s3 =	sand.u32 $0x4000, s31;
	s1 =	sadd.s32 s1, s30  }
0xbb: {  	s0 =	sor.u32 s3, s0;
	s1 =	sshll.u32 s1, $0x11  }
0xbc: {  	s0 =	sor.u32 s1, s0  }
0xbd: {  	s0 =	sadd.s32 $0x8F2B, s0  }
0xbe: {  	[sflag:s0] =	ssyncadd.remote.s32 $0x1  }
0xbf: {  	_ =	sfence.sel $0xFFFF  }
0xc0: {  	[dreg:$0x0] =	wrdreg $0xFFFFFFFF;
	(pc) =	sbr.abs _section_cstart, $3  }
0xc1: {  	[dreg:$0x1] =	wrdreg $0xFFFFFFFF  }
0xc2: {  	_ =	task.clear_ibuf [dreg:s7], $0x2FFFF;
	_ =	strace $0x9FFFFFFF  }
0xc3: {  	(tm) =	ssettm $0x7FFFFFFF  }
tec
execute0_lowered:
.L_overlay_start_1:
0x0: {  	(tag) =	ssettag $0x1  }
0x1: {  	s4 =	rddreg [dreg:$0x0]  }
0x2: {  	s0 =	srdreg.scid;
	s6 =	rddreg [dreg:$0x1]  }
0x3: {  	s2 =	rddreg [dreg:$0x2];
	s1 =	stileid.u32  }
0x4: {  	s3 =	simm.s32 $0x0;
	s11 =	simm.s32 $0x5000;
	s12 =	simm.s32 $0x1  }
0x5: {  	s15 =	simm.s32 $0x20;
	s16 =	simm.s32 $0x10;
	s17 =	simm.s32 $0x0  }
0x6: {  	s5 =	sand.u32 $0x1, s0;
	s0 =	rddreg [dreg:$0x3];
	s8 =	smul.u32 $0x500, s1  }
0x7: {  	[smem:$0x7FF] =	sst s3;
	s10 =	smul.u32 $0xA00, s1;
	s13 =	sshll.u32 s1, $0x6  }
0x8: {  	s7 =	sshll.u32 s5, $0x4;
	_ =	strace $0x80000047;
	s9 =	ssub.s32 $0x2, s5  }
0x9: {  	s5 =	sshll.u32 s5, $0x7;
	s13 =	sor.u32 $0x1C02, s13;
	s7 =	sor.u32 s1, s7  }
0xa: {  	s29 =	sshrl.u32 s9, $0x1;
	s5 =	sor.u32 s5, s8;
	s30 =	sshrl.u32 s10, $0x2  }
0xb: {  	s8 =	simm.s32 $0x2;
	s7 =	smul.u32 $0xA00, s7;
	s31 =	sshrl.u32 s5, $0x3  }
0xc: {  	s10 =	simm.s32 $0x80;
	s5 =	sadd.s32 s30, s2;
	s6 =	sadd.s32 s6, s31  }
0xd: {  	s14 =	sshrl.u32 s5, $0x3;
	s4 =	sadd.s32 s7, s4;
	s7 =	ssub.s32 s9, s29  }
0xe: {  	v0 =	vimm.f32 $1.000000000e+00;
	v1 =	vimm.f32 $0.0e+00;
	s9 =	simm.s32 $0x5080;
	s4 =	sadd.s32 $0x2800, s4;
	s7 =	smax.u32 s7, $0x1  }
.LBB2_1:
0xf: {  	[tilespmem:$0x5000] =	vst v0  }
0x10: {  	[tilespmem:$0x5010] =	vst v0  }
0x11: {  	[tilespmem:$0x5020] =	vst v0  }
0x12: {  	[tilespmem:$0x5030] =	vst v0  }
0x13: {  	[tilespmem:$0x5040] =	vst v0  }
0x14: {  	[tilespmem:$0x5050] =	vst v0  }
0x15: {  	[tilespmem:$0x5060] =	vst v0  }
0x16: {  	[tilespmem:$0x5070] =	vst v0  }
0x17: {  	[tilespmem:$0x5080] =	vst v1  }
0x18: {  	[tilespmem:$0x5090] =	vst v1  }
0x19: {  	[tilespmem:$0x50A0] =	vst v1  }
0x1a: {  	[tilespmem:$0x50B0] =	vst v1  }
0x1b: {  	[tilespmem:$0x50C0] =	vst v1  }
0x1c: {  	[tilespmem:$0x50D0] =	vst v1  }
0x1d: {  	[tilespmem:$0x50E0] =	vst v1  }
0x1e: {  	[tilespmem:$0x50F0] =	vst v1  }
0x1f: {  	[tilespmem:$0x5100] =	vst v1  }
0x20: {  	[tilespmem:$0x5110] =	vst v1  }
0x21: {  	[tilespmem:$0x5120] =	vst v1  }
0x22: {  	[tilespmem:$0x5130] =	vst v1  }
0x23: {  	[tilespmem:$0x5140] =	vst v1  }
0x24: {  	[tilespmem:$0x5150] =	vst v1  }
0x25: {  	[tilespmem:$0x5160] =	vst v1  }
0x26: {  	[tilespmem:$0x5170] =	vst v1  }
0x27: {  	[tilespmem:$0x5180] =	vst v1  }
0x28: {  	[tilespmem:$0x5190] =	vst v1  }
0x29: {  	[tilespmem:$0x51A0] =	vst v1  }
0x2a: {  	[tilespmem:$0x51B0] =	vst v1  }
0x2b: {  	[tilespmem:$0x51C0] =	vst v1  }
0x2c: {  	[tilespmem:$0x51D0] =	vst v1  }
0x2d: {  	[tilespmem:$0x51E0] =	vst v1  }
0x2e: {  	[tilespmem:$0x51F0] =	vst v1  }
0x2f: {  	[tilespmem:$0x5200] =	vst v1  }
0x30: {  	[tilespmem:$0x5210] =	vst v1  }
0x31: {  	[tilespmem:$0x5220] =	vst v1  }
0x32: {  	[tilespmem:$0x5230] =	vst v1  }
0x33: {  	[tilespmem:$0x5240] =	vst v1  }
0x34: {  	[tilespmem:$0x5250] =	vst v1  }
0x35: {  	[tilespmem:$0x5260] =	vst v1  }
0x36: {  	[tilespmem:$0x5270] =	vst v1  }
0x37: {  	[tilespmem:$0x5280] =	vst v1  }
0x38: {  	[tilespmem:$0x5290] =	vst v1  }
0x39: {  	[tilespmem:$0x52A0] =	vst v1  }
0x3a: {  	[tilespmem:$0x52B0] =	vst v1  }
0x3b: {  	[tilespmem:$0x52C0] =	vst v1  }
0x3c: {  	[tilespmem:$0x52D0] =	vst v1  }
0x3d: {  	[tilespmem:$0x52E0] =	vst v1  }
0x3e: {  	[tilespmem:$0x52F0] =	vst v1  }
0x3f: {  	[tilespmem:s3], [sflag:$0x2] =	stream.linear.gather [hbm4b:s4+s3], $0x5000, $0x38;
	[tilespmem:$0x5580] =	vst v63  }
0x40: {  	_ =	swait.ge [sflag:s8], $0x5000  }
0x41: {  	[sflag:s8] =	ssyncset.done $0x0  }
0x42: {  	[sflag:s8] =	ssyncadd.s32 $0xFFFFB000  }
0x43: {  	[spmem:s5] =	stream.linear.scatter [tilespmem:s9], [sflag:$0x2], $0x280, $0x38;
	[tilespmem:$0x5580] =	vst v63  }
0x44: {  	_ =	swait.ge [sflag:s8], $0x280  }
0x45: {  	[sflag:s8] =	ssyncset.done $0x0  }
0x46: {  	[sflag:s8] =	ssyncadd.s32 $0xFFFFFD80  }
0x47: {  	s18 =	simm.s32 $0x0;
	[bflag:$0x0] =	sbarrier.arrive $0xFFFF  }
0x48: {  	[spmem:s2] =	stream.indirect.scatter.add.f32 [tilespmem:s11], [sflag:$0x1], $0x1, s18, s10, $0xb8;
	[tilespmem:$0x5580] =	vst v63  }
0x49: {  	s24 =	simm.s32 $0x80  }
0x4a: {  	[spmem:s2] =	stream.indirect.scatter.add.f32 [tilespmem:s11], [sflag:$0x1], $0x1, s24, s10, $0xb8;
	[tilespmem:$0x5580] =	vst v63  }
0x4b: {  	s25 =	simm.s32 $0x100  }
0x4c: {  	[spmem:s2] =	stream.indirect.scatter.add.f32 [tilespmem:s11], [sflag:$0x1], $0x1, s25, s10, $0xb8;
	[tilespmem:$0x5580] =	vst v63  }
0x4d: {  	s26 =	simm.s32 $0x180  }
0x4e: {  	[spmem:s2] =	stream.indirect.scatter.add.f32 [tilespmem:s11], [sflag:$0x1], $0x1, s26, s10, $0xb8;
	[tilespmem:$0x5580] =	vst v63  }
0x4f: {  	s28 =	simm.s32 $0x200  }
0x50: {  	[spmem:s2] =	stream.indirect.scatter.add.f32 [tilespmem:s11], [sflag:$0x1], $0x1, s28, s10, $0xb8;
	[tilespmem:$0x5580] =	vst v63  }
0x51: {  	s29 =	simm.s32 $0x280  }
0x52: {  	[spmem:s2] =	stream.indirect.scatter.add.f32 [tilespmem:s11], [sflag:$0x1], $0x1, s29, s10, $0xb8;
	[tilespmem:$0x5580] =	vst v63  }
0x53: {  	s30 =	simm.s32 $0x300  }
0x54: {  	[spmem:s2] =	stream.indirect.scatter.add.f32 [tilespmem:s11], [sflag:$0x1], $0x1, s30, s10, $0xb8;
	[tilespmem:$0x5580] =	vst v63  }
0x55: {  	s31 =	simm.s32 $0x380  }
0x56: {  	[spmem:s2] =	stream.indirect.scatter.add.f32 [tilespmem:s11], [sflag:$0x1], $0x1, s31, s10, $0xb8;
	[tilespmem:$0x5580] =	vst v63  }
0x57: {  	_ =	swait.ge [sflag:s12], $0x80  }
0x58: {  	[sflag:s12] =	ssyncset.done $0x0  }
0x59: {  	[sflag:s12] =	ssyncadd.s32 $0xFFFFFF80  }
0x5a: {  	_ =	swait.ge [sflag:s12], $0x80  }
0x5b: {  	[sflag:s12] =	ssyncset.done $0x0  }
0x5c: {  	[sflag:s12] =	ssyncadd.s32 $0xFFFFFF80  }
0x5d: {  	_ =	swait.ge [sflag:s12], $0x80  }
0x5e: {  	[sflag:s12] =	ssyncset.done $0x0  }
0x5f: {  	[sflag:s12] =	ssyncadd.s32 $0xFFFFFF80  }
0x60: {  	_ =	swait.ge [sflag:s12], $0x80  }
0x61: {  	[sflag:s12] =	ssyncset.done $0x0  }
0x62: {  	[sflag:s12] =	ssyncadd.s32 $0xFFFFFF80  }
0x63: {  	_ =	swait.ge [sflag:s12], $0x80  }
0x64: {  	[sflag:s12] =	ssyncset.done $0x0  }
0x65: {  	[sflag:s12] =	ssyncadd.s32 $0xFFFFFF80  }
0x66: {  	_ =	swait.ge [sflag:s12], $0x80  }
0x67: {  	[sflag:s12] =	ssyncset.done $0x0  }
0x68: {  	[sflag:s12] =	ssyncadd.s32 $0xFFFFFF80  }
0x69: {  	_ =	swait.ge [sflag:s12], $0x80  }
0x6a: {  	[sflag:s12] =	ssyncset.done $0x0  }
0x6b: {  	[sflag:s12] =	ssyncadd.s32 $0xFFFFFF80  }
0x6c: {  	_ =	swait.ge [sflag:s12], $0x80  }
0x6d: {  	s20 =	simm.s32 $0x2000;
	s18 =	simm.s32 $0x1000;
	[sflag:s12] =	ssyncset.done $0x0  }
.LBB2_2:
0x6e: {  	s21 =	sshra.s32 s18, $0x2  }
0x6f: {  	[sflag:s12] =	ssyncadd.s32 $0xFFFFFF80;
	s18 =	smov.u32 s20;
	s19 =	sadd.s32 $0x1000, s20  }
0x70: {  	[spmem:s2] =	stream.indirect.scatter.add.f32 [tilespmem:s11], [sflag:$0x1], $0x1, s21, s10, $0xb8;
	[tilespmem:$0x5580] =	vst v63  }
0x71: {  	p0 =	sne.s32 s20, $0x13000;
	s20 =	sadd.s32 $0x80, s21  }
0x72: {  	[spmem:s2] =	stream.indirect.scatter.add.f32 [tilespmem:s11], [sflag:$0x1], $0x1, s20, s10, $0xb8;
	[tilespmem:$0x5580] =	vst v63  }
0x73: {  	s20 =	sadd.s32 $0x100, s21  }
0x74: {  	[spmem:s2] =	stream.indirect.scatter.add.f32 [tilespmem:s11], [sflag:$0x1], $0x1, s20, s10, $0xb8;
	[tilespmem:$0x5580] =	vst v63  }
0x75: {  	s20 =	sadd.s32 $0x180, s21  }
0x76: {  	[spmem:s2] =	stream.indirect.scatter.add.f32 [tilespmem:s11], [sflag:$0x1], $0x1, s20, s10, $0xb8;
	[tilespmem:$0x5580] =	vst v63  }
0x77: {  	s20 =	sadd.s32 $0x200, s21  }
0x78: {  	[spmem:s2] =	stream.indirect.scatter.add.f32 [tilespmem:s11], [sflag:$0x1], $0x1, s20, s10, $0xb8;
	[tilespmem:$0x5580] =	vst v63  }
0x79: {  	s20 =	sadd.s32 $0x280, s21  }
0x7a: {  	[spmem:s2] =	stream.indirect.scatter.add.f32 [tilespmem:s11], [sflag:$0x1], $0x1, s20, s10, $0xb8;
	[tilespmem:$0x5580] =	vst v63  }
0x7b: {  	s20 =	sadd.s32 $0x300, s21  }
0x7c: {  	[spmem:s2] =	stream.indirect.scatter.add.f32 [tilespmem:s11], [sflag:$0x1], $0x1, s20, s10, $0xb8;
	[tilespmem:$0x5580] =	vst v63  }
0x7d: {  	s20 =	sadd.s32 $0x380, s21  }
0x7e: {  	[spmem:s2] =	stream.indirect.scatter.add.f32 [tilespmem:s11], [sflag:$0x1], $0x1, s20, s10, $0xb8;
	[tilespmem:$0x5580] =	vst v63  }
0x7f: {  	_ =	swait.ge [sflag:s12], $0x80  }
0x80: {  	[sflag:s12] =	ssyncset.done $0x0  }
0x81: {  	[sflag:s12] =	ssyncadd.s32 $0xFFFFFF80  }
0x82: {  	_ =	swait.ge [sflag:s12], $0x80  }
0x83: {  	[sflag:s12] =	ssyncset.done $0x0  }
0x84: {  	[sflag:s12] =	ssyncadd.s32 $0xFFFFFF80  }
0x85: {  	_ =	swait.ge [sflag:s12], $0x80  }
0x86: {  	[sflag:s12] =	ssyncset.done $0x0  }
0x87: {  	[sflag:s12] =	ssyncadd.s32 $0xFFFFFF80  }
0x88: {  	_ =	swait.ge [sflag:s12], $0x80  }
0x89: {  	[sflag:s12] =	ssyncset.done $0x0  }
0x8a: {  	[sflag:s12] =	ssyncadd.s32 $0xFFFFFF80  }
0x8b: {  	_ =	swait.ge [sflag:s12], $0x80  }
0x8c: {  	[sflag:s12] =	ssyncset.done $0x0  }
0x8d: {  	[sflag:s12] =	ssyncadd.s32 $0xFFFFFF80  }
0x8e: {  	_ =	swait.ge [sflag:s12], $0x80  }
0x8f: {  	[sflag:s12] =	ssyncset.done $0x0  }
0x90: {  	[sflag:s12] =	ssyncadd.s32 $0xFFFFFF80  }
.Ltmp0:
0x91: {  	_ =	swait.ge [sflag:s12], $0x80;
	(pc) =	sbr.rel @p0 .LBB2_2-.Ltmp0, $4  }
0x92: {  	[sflag:s12] =	ssyncset.done $0x0  }
0x93: {  	[sflag:s12] =	ssyncadd.s32 $0xFFFFFF80  }
0x94: {  	_ =	swait.ge [sflag:s12], $0x80  }
0x95: {  	s20 =	smov.u32 s19;
	[sflag:s12] =	ssyncset.done $0x0  }
0x96: {  	s18 =	sshra.s32 s18, $0x2;
	[sflag:s12] =	ssyncadd.s32 $0xFFFFFF80  }
0x97: {  	[spmem:s2] =	stream.indirect.scatter.add.f32 [tilespmem:s11], [sflag:$0x1], $0x1, s18, s10, $0xb8;
	[tilespmem:$0x5580] =	vst v63  }
0x98: {  	s19 =	sadd.s32 $0x80, s18  }
0x99: {  	[spmem:s2] =	stream.indirect.scatter.add.f32 [tilespmem:s11], [sflag:$0x1], $0x1, s19, s10, $0xb8;
	[tilespmem:$0x5580] =	vst v63  }
0x9a: {  	s26 =	sadd.s32 $0x100, s18  }
0x9b: {  	[spmem:s2] =	stream.indirect.scatter.add.f32 [tilespmem:s11], [sflag:$0x1], $0x1, s26, s10, $0xb8;
	[tilespmem:$0x5580] =	vst v63  }
0x9c: {  	s28 =	sadd.s32 $0x180, s18  }
0x9d: {  	[spmem:s2] =	stream.indirect.scatter.add.f32 [tilespmem:s11], [sflag:$0x1], $0x1, s28, s10, $0xb8;
	[tilespmem:$0x5580] =	vst v63  }
0x9e: {  	s29 =	sadd.s32 $0x200, s18  }
0x9f: {  	[spmem:s2] =	stream.indirect.scatter.add.f32 [tilespmem:s11], [sflag:$0x1], $0x1, s29, s10, $0xb8;
	[tilespmem:$0x5580] =	vst v63  }
0xa0: {  	s30 =	sadd.s32 $0x280, s18  }
0xa1: {  	[spmem:s2] =	stream.indirect.scatter.add.f32 [tilespmem:s11], [sflag:$0x1], $0x1, s30, s10, $0xb8;
	[tilespmem:$0x5580] =	vst v63  }
0xa2: {  	s31 =	sadd.s32 $0x300, s18  }
0xa3: {  	[spmem:s2] =	stream.indirect.scatter.add.f32 [tilespmem:s11], [sflag:$0x1], $0x1, s31, s10, $0xb8;
	[tilespmem:$0x5580] =	vst v63  }
0xa4: {  	s18 =	sadd.s32 $0x380, s18  }
0xa5: {  	[spmem:s2] =	stream.indirect.scatter.add.f32 [tilespmem:s11], [sflag:$0x1], $0x1, s18, s10, $0xb8;
	[tilespmem:$0x5580] =	vst v63  }
0xa6: {  	_ =	swait.ge [sflag:s12], $0x80  }
0xa7: {  	[sflag:s12] =	ssyncset.done $0x0  }
0xa8: {  	[sflag:s12] =	ssyncadd.s32 $0xFFFFFF80  }
0xa9: {  	_ =	swait.ge [sflag:s12], $0x80  }
0xaa: {  	[sflag:s12] =	ssyncset.done $0x0  }
0xab: {  	[sflag:s12] =	ssyncadd.s32 $0xFFFFFF80  }
0xac: {  	_ =	swait.ge [sflag:s12], $0x80  }
0xad: {  	[sflag:s12] =	ssyncset.done $0x0  }
0xae: {  	[sflag:s12] =	ssyncadd.s32 $0xFFFFFF80  }
0xaf: {  	_ =	swait.ge [sflag:s12], $0x80  }
0xb0: {  	[sflag:s12] =	ssyncset.done $0x0  }
0xb1: {  	[sflag:s12] =	ssyncadd.s32 $0xFFFFFF80  }
0xb2: {  	_ =	swait.ge [sflag:s12], $0x80  }
0xb3: {  	[sflag:s12] =	ssyncset.done $0x0  }
0xb4: {  	[sflag:s12] =	ssyncadd.s32 $0xFFFFFF80  }
0xb5: {  	_ =	swait.ge [sflag:s12], $0x80  }
0xb6: {  	[sflag:s12] =	ssyncset.done $0x0  }
0xb7: {  	[sflag:s12] =	ssyncadd.s32 $0xFFFFFF80  }
0xb8: {  	_ =	swait.ge [sflag:s12], $0x80  }
0xb9: {  	[sflag:s12] =	ssyncset.done $0x0  }
0xba: {  	[sflag:s12] =	ssyncadd.s32 $0xFFFFFF80  }
0xbb: {  	_ =	swait.ge [sflag:s12], $0x80  }
0xbc: {  	s17 =	sadd.s32 $0x1, s17;
	[sflag:s12] =	ssyncset.done $0x0  }
0xbd: {  	p0 =	sne.s32 s17, s7;
	[sflag:s12] =	ssyncadd.s32 $0xFFFFFF80  }
.Ltmp1:
0xbe: {  	[bflag:$0x0] =	sbarrier.arrive $0xFFFF;
	(pc) =	sbr.rel @p0 .LBB2_1-.Ltmp1, $4  }
0xbf: {  	[hbm:s6@s15], [sflag:s13] =	dma.strided [spmem:s14@s16], $0x50, s12, $0x10   }
0xc0: {  	_ =	swait.ge [sflag:s8], $0x50  }
0xc1: {  	[sflag:s8] =	ssyncset.done $0x0  }
0xc2: {  	[sflag:s8] =	ssyncadd.s32 $0xFFFFFFB0  }
0xc3: {  	_ =	sfence.sel $0x180000  }
0xc4: {  	[bflag:$0x0] =	sbarrier.arrive $0xFFFF  }
0xc5: {  	p0 =	sne.s32 s1, $0x0;
	_ =	strace $0x90000047  }
0xc6: {  	s0 =	sadd.s32 @!p0 $0x100000, s0;
	[bflag:$0x2] =	sbarrier.arrive $0xFFFF  }
0xc7: {  	[sflag:s0] =	ssyncadd.tile.s32 @!p0 $0x1;
	_ =	shalt  }
.Lfunc_end2:
_tile_overlayer_lowered:
.L_overlay_start_2:
0xc8: {  	(tag) =	ssettag $0x2  }
0xc9: {  	s0 =	rddreg [dreg:$0x0];
	s2 =	stileid.u32  }
0xca: {  	s1 =	rddreg [dreg:$0x1];
	p0 =	sne.s32 s2, $0x0  }
0xcb: {  	s3 =	rddreg [dreg:$0x2];
	[bflag:$0x3] =	sbarrier.arrive $0xFFFF;
	s2 =	simm.s32 @!p0 $0x1C02  }
0xcc: {  	[timem:s3], [sflag:s2] =	dma.local @!p0 [hbm:s0], s1  }
0xcd: {  	s0 =	simm.s32 @!p0 $0x2  }
0xce: {  	_ =	swait.ge @!p0 [sflag:s0], s1  }
0xcf: {  	s1 =	ssub.s32 @!p0 $0x0, s1;
	[sflag:s0] =	ssyncset.done @!p0 $0x0  }
0xd0: {  	[sflag:s0] =	ssyncadd.s32 @!p0 s1  }
0xd1: {  	[bflag:$0x3] =	sbarrier.arrive $0xFFFF  }
0xd2: {  	_ =	shalt  }

</sc_bundles>
